<compile_context>
chip_gen: v7x
topology: tpu7x:2x2x1
jax: 0.10.2.dev20260603
libtpu: 0.0.44.dev20260713+nightly
codegen_flags: <defaults>
</compile_context>

<pallas_src>
import jax
import jax.numpy as jnp
from jax import lax
from jax.experimental import pallas as pl
from jax.experimental.pallas import tpu as pltpu
from jax.experimental.pallas import tpu_sc as plsc

N = 10000
E = 320000
D_IN = 128
D_HID = 64
N_GRAPHS = 64
N_CLASSES = 3

NC = 2
NS = 16
NW = NC * NS
LANES = 16

N_ACC = 10112
ROWS_PER_TILE = N_ACC // NS
CHUNK = 128
NB = 4
D_HALF = D_HID // NC
CHUNKS_PER_TILE = 160
EDGES_PER_TILE = CHUNKS_PER_TILE * CHUNK
E_PAD = NS * EDGES_PER_TILE
N_CHUNKS = E_PAD // CHUNK


def _pre_body(x_ref, w_ref, asrc_ref, adst_ref, h_ref, av_ref, bv_ref):
    h = jnp.dot(x_ref[...], w_ref[...], preferred_element_type=jnp.float32)
    h_ref[pl.ds(0, N), :] = h
    h_ref[pl.ds(N, N_ACC - N), :] = jnp.zeros((N_ACC - N, D_HID), jnp.float32)
    av_ref[pl.ds(0, N), :] = jnp.dot(h, asrc_ref[...],
                                     preferred_element_type=jnp.float32)
    av_ref[pl.ds(N, N_ACC - N), :] = jnp.zeros((N_ACC - N, 1), jnp.float32)
    bv_ref[pl.ds(0, N), :] = jnp.dot(h, adst_ref[...],
                                     preferred_element_type=jnp.float32)
    bv_ref[pl.ds(N, N_ACC - N), :] = jnp.zeros((N_ACC - N, 1), jnp.float32)


def _pre(x, w, att_src, att_dst):
    return pl.pallas_call(
        _pre_body,
        out_shape=(
            jax.ShapeDtypeStruct((N_ACC, D_HID), jnp.float32),
            jax.ShapeDtypeStruct((N_ACC, 1), jnp.float32),
            jax.ShapeDtypeStruct((N_ACC, 1), jnp.float32),
        ),
    )(x, w, att_src.reshape(D_HID, 1), att_dst.reshape(D_HID, 1))


def _edge_body(ei_hbm, as_hbm, ad_hbm, h_hbm, z_hbm,
               acc_out, den_out,
               asv, adv, sd, eav, rows, denv, acc_sh, h_sh,
               si0, si1, si2, si3, sg0, sg1, sg2, sg3, ss0, ss1, ss2, ss3,
               sh0, sh1, sh2, sh3):
    isems = [si0, si1, si2, si3]
    gsems = [sg0, sg1, sg2, sg3]
    ssems = [ss0, ss1, ss2, ss3]
    hsems = [sh0, sh1, sh2, sh3]
    HC = CHUNK // 2
    c = lax.axis_index("c")
    s = lax.axis_index("s")
    wid = s * NC + c

    rsl = pl.ds(s * ROWS_PER_TILE, ROWS_PER_TILE)
    pltpu.sync_copy(z_hbm, acc_sh.at[rsl])
    pltpu.sync_copy(h_hbm.at[c, rsl], h_sh.at[rsl])

    pltpu.sync_copy(as_hbm, asv)
    pltpu.sync_copy(ad_hbm, adv)

    def _zden(i, carry):
        denv[pl.ds(i * LANES, LANES)] = jnp.zeros((LANES,), jnp.float32)
        return carry
    lax.fori_loop(0, N_ACC // LANES, _zden, 0)

    plsc.subcore_barrier()

    cid0 = s * CHUNKS_PER_TILE

    def _idx_start(ci, b):
        pltpu.async_copy(ei_hbm.at[cid0 + ci], sd.at[b], isems[b])

    def _idx_wait(b):
        pltpu.make_async_copy(ei_hbm.at[cid0], sd.at[b], isems[b]).wait()

    def _gather_start(b):
        pltpu.async_copy(h_sh.at[sd.at[b, 0, pl.ds(0, HC)]],
                         rows.at[b, pl.ds(0, HC)], gsems[b])
        pltpu.async_copy(h_sh.at[sd.at[b, 0, pl.ds(HC, HC)]],
                         rows.at[b, pl.ds(HC, HC)], hsems[b])

    def _gather_wait(b):
        pltpu.make_async_copy(h_sh.at[sd.at[b, 0, pl.ds(0, HC)]],
                              rows.at[b, pl.ds(0, HC)], gsems[b]).wait()
        pltpu.make_async_copy(h_sh.at[sd.at[b, 0, pl.ds(HC, HC)]],
                              rows.at[b, pl.ds(HC, HC)], hsems[b]).wait()

    def _scatter_start(b):
        pltpu.async_copy(rows.at[b], acc_sh.at[sd.at[b, 1]], ssems[b],
                         add=True)

    def _scatter_wait(b):
        pltpu.make_async_copy(rows.at[b], acc_sh.at[sd.at[b, 1]],
                              ssems[b]).wait()

    for b in range(NB - 1):
        _idx_start(b, b)
    for b in range(NB - 2):
        _idx_wait(b)
        _gather_start(b)

    def _outer(g, carry):
        for b in range(NB):
            ci = g * NB + b

            p3 = (b + NB - 1) % NB

            @pl.when(ci + NB - 1 < CHUNKS_PER_TILE)
            def _():
                @pl.when(ci >= 1)
                def _():
                    _scatter_wait(p3)
                _idx_start(ci + NB - 1, p3)

            p2 = (b + NB - 2) % NB

            @pl.when(ci + NB - 2 < CHUNKS_PER_TILE)
            def _():
                _idx_wait(p2)
                _gather_start(p2)

            def _ea(j, cc):
                sl = pl.ds(j * LANES, LANES)
                sv = sd[b, 0, sl]
                dv = sd[b, 1, sl]
                a = plsc.load_gather(asv, [sv]) + plsc.load_gather(adv, [dv])
                a = jnp.where(a >= 0.0, a, a * jnp.float32(0.2))
                e = jnp.exp(a)
                eav[sl] = e
                plsc.addupdate_scatter(denv, [dv], e)
                return cc
            lax.fori_loop(0, CHUNK // LANES, _ea, 0)

            _gather_wait(b)

            def _scale(r2, cc):
                for u in range(2):
                    w = plsc.load_gather(
                        eav, [jnp.full((LANES,), r2 * 2 + u, jnp.int32)])
                    for k in range(D_HALF // LANES):
                        sl = pl.ds(k * LANES, LANES)
                        rows[b, r2 * 2 + u, sl] = rows[b, r2 * 2 + u, sl] * w
                return cc
            lax.fori_loop(0, CHUNK // 2, _scale, 0)

            _scatter_start(b)
        return carry

    lax.fori_loop(0, CHUNKS_PER_TILE // NB, _outer, 0)

    for b in range(NB):
        _scatter_wait(b)

    pltpu.sync_copy(denv, den_out.at[wid])
    plsc.subcore_barrier()
    pltpu.sync_copy(acc_sh.at[rsl], acc_out.at[c, rsl])


def _edge_phase(ei_pack, as_pad, ad_pad, h_pad, zrows):
    k = pl.kernel(
        _edge_body,
        out_type=(
            jax.ShapeDtypeStruct((NC, N_ACC, D_HALF), jnp.float32),
            jax.ShapeDtypeStruct((NW, N_ACC), jnp.float32),
        ),
        mesh=plsc.VectorSubcoreMesh(core_axis_name="c", subcore_axis_name="s"),
        compiler_params=pltpu.CompilerParams(needs_layout_passes=False,
                                             use_tc_tiling_on_sc=False),
        scratch_types=[
            pltpu.VMEM((N_ACC,), jnp.float32),
            pltpu.VMEM((N_ACC,), jnp.float32),
            pltpu.VMEM((NB, 2, CHUNK), jnp.int32),
            pltpu.VMEM((CHUNK,), jnp.float32),
            pltpu.VMEM((NB, CHUNK, D_HALF), jnp.float32),
            pltpu.VMEM((N_ACC,), jnp.float32),
            pltpu.VMEM_SHARED((N_ACC, D_HALF), jnp.float32),
            pltpu.VMEM_SHARED((N_ACC, D_HALF), jnp.float32),
        ] + [pltpu.SemaphoreType.DMA] * 16,
    )
    return k(ei_pack, as_pad, ad_pad, h_pad, zrows)


def _post_body(acc_ref, den_ref, h_ref, av_ref, bv_ref, bias_ref, batch_ref,
               fcw_ref, fcb_ref, out_ref):
    acc = jnp.concatenate([acc_ref[0], acc_ref[1]], axis=1)
    den = jnp.sum(den_ref[...], axis=0) * 0.5
    a_self = av_ref[...] + bv_ref[...]
    a_self = jnp.where(a_self >= 0.0, a_self, a_self * 0.2)
    e_self = jnp.exp(a_self)
    h = h_ref[...]
    acc = acc + e_self * h
    den = den + e_self[:, 0]
    node = acc / (den + 1e-16)[:, None] + bias_ref[...]
    gids = lax.broadcasted_iota(jnp.int32, (1, N_GRAPHS), 1)
    p = (batch_ref[...] == gids).astype(jnp.float32)
    sums = lax.dot_general(p, node, (((0,), (0,)), ((), ())),
                           preferred_element_type=jnp.float32)
    counts = jnp.sum(p, axis=0)
    feats = sums / jnp.maximum(counts, 1.0)[:, None]
    logits = jnp.dot(feats, fcw_ref[...],
                     preferred_element_type=jnp.float32) + fcb_ref[...]
    m = jnp.max(logits, axis=1, keepdims=True)
    lse = jnp.log(jnp.sum(jnp.exp(logits - m), axis=1, keepdims=True)) + m
    out_ref[...] = logits - lse


def _post(acc_parts, den_parts, h_pad, av, bv, bias, batch_pad, fc_w, fc_b):
    return pl.pallas_call(
        _post_body,
        out_shape=jax.ShapeDtypeStruct((N_GRAPHS, N_CLASSES), jnp.float32),
    )(acc_parts, den_parts, h_pad, av, bv, bias.reshape(1, D_HID), batch_pad,
      fc_w, fc_b.reshape(1, N_CLASSES))


def kernel(x, edge_index, batch, W, att_src, att_dst, bias, fc_W, fc_b):
    h_pad, av, bv = _pre(x, W, att_src, att_dst)

    padi = jnp.full((E_PAD - E,), N, dtype=jnp.int32)
    src_pad = jnp.concatenate([edge_index[0], padi]).reshape(N_CHUNKS, 1, CHUNK)
    dst_pad = jnp.concatenate([edge_index[1], padi]).reshape(N_CHUNKS, 1, CHUNK)
    ei_pack = jnp.concatenate([src_pad, dst_pad], axis=1)

    zrows = jnp.zeros((ROWS_PER_TILE, D_HALF), jnp.float32)
    h_split = h_pad.reshape(N_ACC, NC, D_HALF).transpose(1, 0, 2)

    acc_parts, den_parts = _edge_phase(ei_pack, av.reshape(-1), bv.reshape(-1),
                                       h_split, zrows)

    batch_pad = jnp.concatenate(
        [batch, jnp.full((N_ACC - N,), -1, jnp.int32)]).reshape(N_ACC, 1)

    return _post(acc_parts, den_parts, h_pad, av, bv, bias, batch_pad,
                 fc_W, fc_b)

# --- scband reference (transcript-rebuilt; emitter-appended) ---
"""Pipeline reference for scband-sentiment-analysis-model-87771951661695 (READ-ONLY COPY).

The authoritative reference and input builder live on the scoring server;
editing this copy changes nothing except your own understanding.
"""

import jax, jax.numpy as jnp
import numpy as np

N = 10000
E = 320000
D_IN = 128
D_HID = 64
N_GRAPHS = 64
N_CLASSES = 3


def setup_inputs(seed: int = 0) -> dict:
    key = jax.random.key(seed)
    ks = jax.random.split(key, 9)
    x = jax.random.normal(ks[0], (N, D_IN), dtype=jnp.float32)
    edge_index = jax.random.randint(ks[1], (2, E), 0, N, dtype=jnp.int32)
    batch = jnp.sort(jax.random.randint(ks[2], (N,), 0, N_GRAPHS, dtype=jnp.int32))
    W = jax.random.normal(ks[3], (D_IN, D_HID), dtype=jnp.float32) * (1.0 / np.sqrt(D_IN))
    att_src = jax.random.normal(ks[4], (D_HID,), dtype=jnp.float32) * (1.0 / np.sqrt(D_HID))
    att_dst = jax.random.normal(ks[5], (D_HID,), dtype=jnp.float32) * (1.0 / np.sqrt(D_HID))
    bias = jnp.zeros((D_HID,), dtype=jnp.float32)
    fc_W = jax.random.normal(ks[6], (D_HID, N_CLASSES), dtype=jnp.float32) * (1.0 / np.sqrt(D_HID))
    fc_b = jnp.zeros((N_CLASSES,), dtype=jnp.float32)
    return {"x": x, "edge_index": edge_index, "batch": batch, "W": W,
            "att_src": att_src, "att_dst": att_dst, "bias": bias,
            "fc_W": fc_W, "fc_b": fc_b}


def reference(x, edge_index, batch, W, att_src, att_dst, bias, fc_W, fc_b):
    n = x.shape[0]
    # GATConv (heads=1, concat=True, negative_slope=0.2, add_self_loops=True)
    h = x @ W  # [N, H]
    src = edge_index[0]
    dst = edge_index[1]
    loop = jnp.arange(n, dtype=src.dtype)
    src = jnp.concatenate([src, loop])
    dst = jnp.concatenate([dst, loop])
    alpha_src = h @ att_src  # [N]
    alpha_dst = h @ att_dst  # [N]
    alpha = alpha_src[src] + alpha_dst[dst]
    alpha = jax.nn.leaky_relu(alpha, negative_slope=0.2)
    # softmax over incoming edges per destination node
    amax = jax.ops.segment_max(alpha, dst, num_segments=n)
    alpha = jnp.exp(alpha - amax[dst])
    denom = jax.ops.segment_sum(alpha, dst, num_segments=n)
    alpha = alpha / (denom[dst] + 1e-16)
    out = jax.ops.segment_sum(h[src] * alpha[:, None], dst, num_segments=n)
    out = out + bias
    # global_mean_pool over batch assignment
    sums = jax.ops.segment_sum(out, batch, num_segments=N_GRAPHS)
    counts = jax.ops.segment_sum(jnp.ones((n,), dtype=out.dtype), batch, num_segments=N_GRAPHS)
    feats = sums / jnp.maximum(counts, 1.0)[:, None]
    logits = feats @ fc_W + fc_b
    return jax.nn.log_softmax(logits, axis=1)

if __name__ == "__main__":
    import jax
    _d = setup_inputs()
    print(jax.jit(kernel)(*tuple(_d.values())))

</pallas_src>

<mosaic_0001>
#map = affine_map<(d0, d1) -> (0, 0, 0)>
#map1 = affine_map<(d0, d1) -> (0)>
#map2 = affine_map<(d0, d1) -> (0, 0)>
module attributes {stable_mosaic.version = 14 : i64} {
  func.func @_edge_body(%arg0: i32, %arg1: i32, %arg2: memref<2560x2x128xi32, #tpu.memory_space<hbm>>, %arg3: memref<10112xf32, #tpu.memory_space<hbm>>, %arg4: memref<10112xf32, #tpu.memory_space<hbm>>, %arg5: memref<2x10112x32xf32, #tpu.memory_space<hbm>>, %arg6: memref<632x32xf32, #tpu.memory_space<hbm>>, %arg7: memref<2x10112x32xf32, #tpu.memory_space<hbm>>, %arg8: memref<32x10112xf32, #tpu.memory_space<hbm>>, %arg9: memref<10112xf32, #tpu.memory_space<vmem>>, %arg10: memref<10112xf32, #tpu.memory_space<vmem>>, %arg11: memref<4x2x128xi32, #tpu.memory_space<vmem>>, %arg12: memref<128xf32, #tpu.memory_space<vmem>>, %arg13: memref<4x128x32xf32, #tpu.memory_space<vmem>>, %arg14: memref<10112xf32, #tpu.memory_space<vmem>>, %arg15: memref<10112x32xf32, #tpu.memory_space<vmem_shared>>, %arg16: memref<10112x32xf32, #tpu.memory_space<vmem_shared>>, %arg17: memref<!tpu.dma_semaphore, #tpu.memory_space<semaphore_mem>>, %arg18: memref<!tpu.dma_semaphore, #tpu.memory_space<semaphore_mem>>, %arg19: memref<!tpu.dma_semaphore, #tpu.memory_space<semaphore_mem>>, %arg20: memref<!tpu.dma_semaphore, #tpu.memory_space<semaphore_mem>>, %arg21: memref<!tpu.dma_semaphore, #tpu.memory_space<semaphore_mem>>, %arg22: memref<!tpu.dma_semaphore, #tpu.memory_space<semaphore_mem>>, %arg23: memref<!tpu.dma_semaphore, #tpu.memory_space<semaphore_mem>>, %arg24: memref<!tpu.dma_semaphore, #tpu.memory_space<semaphore_mem>>, %arg25: memref<!tpu.dma_semaphore, #tpu.memory_space<semaphore_mem>>, %arg26: memref<!tpu.dma_semaphore, #tpu.memory_space<semaphore_mem>>, %arg27: memref<!tpu.dma_semaphore, #tpu.memory_space<semaphore_mem>>, %arg28: memref<!tpu.dma_semaphore, #tpu.memory_space<semaphore_mem>>, %arg29: memref<!tpu.dma_semaphore, #tpu.memory_space<semaphore_mem>>, %arg30: memref<!tpu.dma_semaphore, #tpu.memory_space<semaphore_mem>>, %arg31: memref<!tpu.dma_semaphore, #tpu.memory_space<semaphore_mem>>, %arg32: memref<!tpu.dma_semaphore, #tpu.memory_space<semaphore_mem>>) attributes {dimension_semantics = [#tpu.dimension_semantics<core_parallel>, #tpu.dimension_semantics<subcore_parallel>], iteration_bounds = array<i64: 2, 16>, scalar_prefetch = 0 : i64, scratch_operands = 24 : i64, tpu.core_type = #tpu.core_type<sc_vector_subcore>, window_params = [{transform_indices = #map}, {transform_indices = #map1}, {transform_indices = #map1}, {transform_indices = #map}, {transform_indices = #map2}, {transform_indices = #map}, {transform_indices = #map2}]} {
    %mul3A = arith.constant 2 : i32
    %mul3A_0 = arith.muli %arg1, %mul3A : i32
    %add3A = arith.addi %mul3A_0, %arg0 : i32
    %mul3A_1 = arith.constant 632 : i32
    %mul3A_2 = arith.muli %arg1, %mul3A_1 : i32
    "tpu.region"() ({
      %run_scoped3A = tpu.sem_alloc : memref<!tpu.dma_semaphore, #tpu.memory_space<semaphore_mem>>
      %dma_start3A_210 = arith.constant 0 : i32
      %dma_start3A_211 = tpu.memref_slice %arg15[%mul3A_2, %dma_start3A_210] : memref<10112x32xf32, #tpu.memory_space<vmem_shared>> -> memref<632x32xf32, #tpu.memory_space<vmem_shared>>
      tpu.enqueue_dma source(%arg6 : memref<632x32xf32, #tpu.memory_space<hbm>>) target(%dma_start3A_211 : memref<632x32xf32, #tpu.memory_space<vmem_shared>>) target_semaphore(%run_scoped3A : memref<!tpu.dma_semaphore, #tpu.memory_space<semaphore_mem>>)
      %dma_wait3A_212 = arith.constant 0 : i32
      %dma_wait3A_213 = tpu.memref_slice %arg15[%mul3A_2, %dma_wait3A_212] : memref<10112x32xf32, #tpu.memory_space<vmem_shared>> -> memref<632x32xf32, #tpu.memory_space<vmem_shared>>
      tpu.wait_dma2 semaphore(%run_scoped3A : memref<!tpu.dma_semaphore, #tpu.memory_space<semaphore_mem>>) src(%arg6 : memref<632x32xf32, #tpu.memory_space<hbm>>) dst(%dma_wait3A_213 : memref<632x32xf32, #tpu.memory_space<vmem_shared>>)
      tpu.yield
    }) : () -> ()
    "tpu.region"() ({
      %run_scoped3A = tpu.sem_alloc : memref<!tpu.dma_semaphore, #tpu.memory_space<semaphore_mem>>
      %dma_start3A_210 = arith.constant 0 : i32
      %dma_start3A_211 = tpu.memref_slice %arg16[%mul3A_2, %dma_start3A_210] : memref<10112x32xf32, #tpu.memory_space<vmem_shared>> -> memref<632x32xf32, #tpu.memory_space<vmem_shared>>
      %dma_start3A_212 = arith.constant 0 : i32
      %dma_start3A_213 = tpu.memref_slice %arg5[%arg0, %mul3A_2, %dma_start3A_212] : memref<2x10112x32xf32, #tpu.memory_space<hbm>> -> memref<1x632x32xf32, #tpu.memory_space<hbm>>
      %dma_start3A_214 = tpu.memref_squeeze %dma_start3A_213 : memref<1x632x32xf32, #tpu.memory_space<hbm>> -> memref<632x32xf32, #tpu.memory_space<hbm>>
      tpu.enqueue_dma source(%dma_start3A_214 : memref<632x32xf32, #tpu.memory_space<hbm>>) target(%dma_start3A_211 : memref<632x32xf32, #tpu.memory_space<vmem_shared>>) target_semaphore(%run_scoped3A : memref<!tpu.dma_semaphore, #tpu.memory_space<semaphore_mem>>)
      %dma_wait3A_215 = arith.constant 0 : i32
      %dma_wait3A_216 = tpu.memref_slice %arg16[%mul3A_2, %dma_wait3A_215] : memref<10112x32xf32, #tpu.memory_space<vmem_shared>> -> memref<632x32xf32, #tpu.memory_space<vmem_shared>>
      %dma_wait3A_217 = arith.constant 0 : i32
      %dma_wait3A_218 = tpu.memref_slice %arg5[%arg0, %mul3A_2, %dma_wait3A_217] : memref<2x10112x32xf32, #tpu.memory_space<hbm>> -> memref<1x632x32xf32, #tpu.memory_space<hbm>>
      %dma_wait3A_219 = tpu.memref_squeeze %dma_wait3A_218 : memref<1x632x32xf32, #tpu.memory_space<hbm>> -> memref<632x32xf32, #tpu.memory_space<hbm>>
      tpu.wait_dma2 semaphore(%run_scoped3A : memref<!tpu.dma_semaphore, #tpu.memory_space<semaphore_mem>>) src(%dma_wait3A_219 : memref<632x32xf32, #tpu.memory_space<hbm>>) dst(%dma_wait3A_216 : memref<632x32xf32, #tpu.memory_space<vmem_shared>>)
      tpu.yield
    }) : () -> ()
    "tpu.region"() ({
      %run_scoped3A = tpu.sem_alloc : memref<!tpu.dma_semaphore, #tpu.memory_space<semaphore_mem>>
      tpu.enqueue_dma source(%arg3 : memref<10112xf32, #tpu.memory_space<hbm>>) target(%arg9 : memref<10112xf32, #tpu.memory_space<vmem>>) target_semaphore(%run_scoped3A : memref<!tpu.dma_semaphore, #tpu.memory_space<semaphore_mem>>)
      tpu.wait_dma2 semaphore(%run_scoped3A : memref<!tpu.dma_semaphore, #tpu.memory_space<semaphore_mem>>) src(%arg3 : memref<10112xf32, #tpu.memory_space<hbm>>) dst(%arg9 : memref<10112xf32, #tpu.memory_space<vmem>>)
      tpu.yield
    }) : () -> ()
    "tpu.region"() ({
      %run_scoped3A = tpu.sem_alloc : memref<!tpu.dma_semaphore, #tpu.memory_space<semaphore_mem>>
      tpu.enqueue_dma source(%arg4 : memref<10112xf32, #tpu.memory_space<hbm>>) target(%arg10 : memref<10112xf32, #tpu.memory_space<vmem>>) target_semaphore(%run_scoped3A : memref<!tpu.dma_semaphore, #tpu.memory_space<semaphore_mem>>)
      tpu.wait_dma2 semaphore(%run_scoped3A : memref<!tpu.dma_semaphore, #tpu.memory_space<semaphore_mem>>) src(%arg4 : memref<10112xf32, #tpu.memory_space<hbm>>) dst(%arg10 : memref<10112xf32, #tpu.memory_space<vmem>>)
      tpu.yield
    }) : () -> ()
    %scan3A = arith.constant 0 : i32
    %scan3A_3 = arith.constant 0 : i32
    %scan3A_4 = arith.constant 632 : i32
    %scan3A_5 = arith.addi %scan3A_3, %scan3A_4 : i32
    %scan3A_6 = arith.constant 1 : i32
    scf.for %scan3A_210 = %scan3A_3 to %scan3A_5 step %scan3A_6  : i32 {
      %broadcast_in_dim3A = arith.constant 0.000000e+00 : f32
      %broadcast_in_dim3A_211 = vector.broadcast %broadcast_in_dim3A : f32 to vector<16xf32>
      %mul3A_212 = arith.constant 16 : i32
      %mul3A_213 = arith.muli %scan3A_210, %mul3A_212 : i32
      %swap3A = arith.index_cast %mul3A_213 : i32 to index
      %swap3A_214 = tpu.vector_load %arg14[%swap3A] {strides = array<i32>} : memref<10112xf32, #tpu.memory_space<vmem>>, vector<16xf32>,
      tpu.vector_store %arg14[%swap3A], %broadcast_in_dim3A_211 {strides = array<i32>} : memref<10112xf32, #tpu.memory_space<vmem>>, vector<16xf32>,
    }
    %scan3A_7 = arith.constant 632 : i32
    %barrier3A = arith.constant 0 : index
    tpu.barrier barrier_id(%barrier3A)
    %mul3A_8 = arith.constant 160 : i32
    %mul3A_9 = arith.muli %arg1, %mul3A_8 : i32
    %add3A_10 = arith.constant 0 : i32
    %add3A_11 = arith.addi %mul3A_9, %add3A_10 : i32
    %dma_start3A = arith.constant 0 : i32
    %dma_start3A_12 = arith.constant 0 : i32
    %dma_start3A_13 = arith.constant 0 : i32
    %dma_start3A_14 = tpu.memref_slice %arg11[%dma_start3A, %dma_start3A_12, %dma_start3A_13] : memref<4x2x128xi32, #tpu.memory_space<vmem>> -> memref<1x2x128xi32, #tpu.memory_space<vmem>>
    %dma_start3A_15 = tpu.memref_squeeze %dma_start3A_14 : memref<1x2x128xi32, #tpu.memory_space<vmem>> -> memref<2x128xi32, #tpu.memory_space<vmem>>
    %dma_start3A_16 = arith.constant 0 : i32
    %dma_start3A_17 = arith.constant 0 : i32
    %dma_start3A_18 = tpu.memref_slice %arg2[%add3A_11, %dma_start3A_16, %dma_start3A_17] : memref<2560x2x128xi32, #tpu.memory_space<hbm>> -> memref<1x2x128xi32, #tpu.memory_space<hbm>>
    %dma_start3A_19 = tpu.memref_squeeze %dma_start3A_18 : memref<1x2x128xi32, #tpu.memory_space<hbm>> -> memref<2x128xi32, #tpu.memory_space<hbm>>
    %dma_start3A_20 = arith.constant 0 : i32
    %dma_start3A_21 = arith.constant 0 : i32
    %dma_start3A_22 = tpu.memref_slice %arg11[%dma_start3A, %dma_start3A_20, %dma_start3A_21] : memref<4x2x128xi32, #tpu.memory_space<vmem>> -> memref<1x2x128xi32, #tpu.memory_space<vmem>>
    %dma_start3A_23 = tpu.memref_squeeze %dma_start3A_22 : memref<1x2x128xi32, #tpu.memory_space<vmem>> -> memref<2x128xi32, #tpu.memory_space<vmem>>
    %dma_start3A_24 = arith.constant 0 : i32
    %dma_start3A_25 = arith.constant 0 : i32
    %dma_start3A_26 = tpu.memref_slice %arg2[%add3A_11, %dma_start3A_24, %dma_start3A_25] : memref<2560x2x128xi32, #tpu.memory_space<hbm>> -> memref<1x2x128xi32, #tpu.memory_space<hbm>>
    %dma_start3A_27 = tpu.memref_squeeze %dma_start3A_26 : memref<1x2x128xi32, #tpu.memory_space<hbm>> -> memref<2x128xi32, #tpu.memory_space<hbm>>
    tpu.enqueue_dma source(%dma_start3A_27 : memref<2x128xi32, #tpu.memory_space<hbm>>) target(%dma_start3A_23 : memref<2x128xi32, #tpu.memory_space<vmem>>) target_semaphore(%arg17 : memref<!tpu.dma_semaphore, #tpu.memory_space<semaphore_mem>>)
    %add3A_28 = arith.constant 1 : i32
    %add3A_29 = arith.addi %mul3A_9, %add3A_28 : i32
    %dma_start3A_30 = arith.constant 1 : i32
    %dma_start3A_31 = arith.constant 0 : i32
    %dma_start3A_32 = arith.constant 0 : i32
    %dma_start3A_33 = tpu.memref_slice %arg11[%dma_start3A_30, %dma_start3A_31, %dma_start3A_32] : memref<4x2x128xi32, #tpu.memory_space<vmem>> -> memref<1x2x128xi32, #tpu.memory_space<vmem>>
    %dma_start3A_34 = tpu.memref_squeeze %dma_start3A_33 : memref<1x2x128xi32, #tpu.memory_space<vmem>> -> memref<2x128xi32, #tpu.memory_space<vmem>>
    %dma_start3A_35 = arith.constant 0 : i32
    %dma_start3A_36 = arith.constant 0 : i32
    %dma_start3A_37 = tpu.memref_slice %arg2[%add3A_29, %dma_start3A_35, %dma_start3A_36] : memref<2560x2x128xi32, #tpu.memory_space<hbm>> -> memref<1x2x128xi32, #tpu.memory_space<hbm>>
    %dma_start3A_38 = tpu.memref_squeeze %dma_start3A_37 : memref<1x2x128xi32, #tpu.memory_space<hbm>> -> memref<2x128xi32, #tpu.memory_space<hbm>>
    %dma_start3A_39 = arith.constant 0 : i32
    %dma_start3A_40 = arith.constant 0 : i32
    %dma_start3A_41 = tpu.memref_slice %arg11[%dma_start3A_30, %dma_start3A_39, %dma_start3A_40] : memref<4x2x128xi32, #tpu.memory_space<vmem>> -> memref<1x2x128xi32, #tpu.memory_space<vmem>>
    %dma_start3A_42 = tpu.memref_squeeze %dma_start3A_41 : memref<1x2x128xi32, #tpu.memory_space<vmem>> -> memref<2x128xi32, #tpu.memory_space<vmem>>
    %dma_start3A_43 = arith.constant 0 : i32
    %dma_start3A_44 = arith.constant 0 : i32
    %dma_start3A_45 = tpu.memref_slice %arg2[%add3A_29, %dma_start3A_43, %dma_start3A_44] : memref<2560x2x128xi32, #tpu.memory_space<hbm>> -> memref<1x2x128xi32, #tpu.memory_space<hbm>>
    %dma_start3A_46 = tpu.memref_squeeze %dma_start3A_45 : memref<1x2x128xi32, #tpu.memory_space<hbm>> -> memref<2x128xi32, #tpu.memory_space<hbm>>
    tpu.enqueue_dma source(%dma_start3A_46 : memref<2x128xi32, #tpu.memory_space<hbm>>) target(%dma_start3A_42 : memref<2x128xi32, #tpu.memory_space<vmem>>) target_semaphore(%arg18 : memref<!tpu.dma_semaphore, #tpu.memory_space<semaphore_mem>>)
    %add3A_47 = arith.constant 2 : i32
    %add3A_48 = arith.addi %mul3A_9, %add3A_47 : i32
    %dma_start3A_49 = arith.constant 2 : i32
    %dma_start3A_50 = arith.constant 0 : i32
    %dma_start3A_51 = arith.constant 0 : i32
    %dma_start3A_52 = tpu.memref_slice %arg11[%dma_start3A_49, %dma_start3A_50, %dma_start3A_51] : memref<4x2x128xi32, #tpu.memory_space<vmem>> -> memref<1x2x128xi32, #tpu.memory_space<vmem>>
    %dma_start3A_53 = tpu.memref_squeeze %dma_start3A_52 : memref<1x2x128xi32, #tpu.memory_space<vmem>> -> memref<2x128xi32, #tpu.memory_space<vmem>>
    %dma_start3A_54 = arith.constant 0 : i32
    %dma_start3A_55 = arith.constant 0 : i32
    %dma_start3A_56 = tpu.memref_slice %arg2[%add3A_48, %dma_start3A_54, %dma_start3A_55] : memref<2560x2x128xi32, #tpu.memory_space<hbm>> -> memref<1x2x128xi32, #tpu.memory_space<hbm>>
    %dma_start3A_57 = tpu.memref_squeeze %dma_start3A_56 : memref<1x2x128xi32, #tpu.memory_space<hbm>> -> memref<2x128xi32, #tpu.memory_space<hbm>>
    %dma_start3A_58 = arith.constant 0 : i32
    %dma_start3A_59 = arith.constant 0 : i32
    %dma_start3A_60 = tpu.memref_slice %arg11[%dma_start3A_49, %dma_start3A_58, %dma_start3A_59] : memref<4x2x128xi32, #tpu.memory_space<vmem>> -> memref<1x2x128xi32, #tpu.memory_space<vmem>>
    %dma_start3A_61 = tpu.memref_squeeze %dma_start3A_60 : memref<1x2x128xi32, #tpu.memory_space<vmem>> -> memref<2x128xi32, #tpu.memory_space<vmem>>
    %dma_start3A_62 = arith.constant 0 : i32
    %dma_start3A_63 = arith.constant 0 : i32
    %dma_start3A_64 = tpu.memref_slice %arg2[%add3A_48, %dma_start3A_62, %dma_start3A_63] : memref<2560x2x128xi32, #tpu.memory_space<hbm>> -> memref<1x2x128xi32, #tpu.memory_space<hbm>>
    %dma_start3A_65 = tpu.memref_squeeze %dma_start3A_64 : memref<1x2x128xi32, #tpu.memory_space<hbm>> -> memref<2x128xi32, #tpu.memory_space<hbm>>
    tpu.enqueue_dma source(%dma_start3A_65 : memref<2x128xi32, #tpu.memory_space<hbm>>) target(%dma_start3A_61 : memref<2x128xi32, #tpu.memory_space<vmem>>) target_semaphore(%arg19 : memref<!tpu.dma_semaphore, #tpu.memory_space<semaphore_mem>>)
    %dma_wait3A = arith.constant 0 : i32
    %dma_wait3A_66 = arith.constant 0 : i32
    %dma_wait3A_67 = arith.constant 0 : i32
    %dma_wait3A_68 = tpu.memref_slice %arg11[%dma_wait3A, %dma_wait3A_66, %dma_wait3A_67] : memref<4x2x128xi32, #tpu.memory_space<vmem>> -> memref<1x2x128xi32, #tpu.memory_space<vmem>>
    %dma_wait3A_69 = tpu.memref_squeeze %dma_wait3A_68 : memref<1x2x128xi32, #tpu.memory_space<vmem>> -> memref<2x128xi32, #tpu.memory_space<vmem>>
    %dma_wait3A_70 = arith.constant 0 : i32
    %dma_wait3A_71 = arith.constant 0 : i32
    %dma_wait3A_72 = tpu.memref_slice %arg2[%mul3A_9, %dma_wait3A_70, %dma_wait3A_71] : memref<2560x2x128xi32, #tpu.memory_space<hbm>> -> memref<1x2x128xi32, #tpu.memory_space<hbm>>
    %dma_wait3A_73 = tpu.memref_squeeze %dma_wait3A_72 : memref<1x2x128xi32, #tpu.memory_space<hbm>> -> memref<2x128xi32, #tpu.memory_space<hbm>>
    %dma_wait3A_74 = arith.constant 0 : i32
    %dma_wait3A_75 = arith.constant 0 : i32
    %dma_wait3A_76 = tpu.memref_slice %arg11[%dma_wait3A, %dma_wait3A_74, %dma_wait3A_75] : memref<4x2x128xi32, #tpu.memory_space<vmem>> -> memref<1x2x128xi32, #tpu.memory_space<vmem>>
    %dma_wait3A_77 = tpu.memref_squeeze %dma_wait3A_76 : memref<1x2x128xi32, #tpu.memory_space<vmem>> -> memref<2x128xi32, #tpu.memory_space<vmem>>
    %dma_wait3A_78 = arith.constant 0 : i32
    %dma_wait3A_79 = arith.constant 0 : i32
    %dma_wait3A_80 = tpu.memref_slice %arg2[%mul3A_9, %dma_wait3A_78, %dma_wait3A_79] : memref<2560x2x128xi32, #tpu.memory_space<hbm>> -> memref<1x2x128xi32, #tpu.memory_space<hbm>>
    %dma_wait3A_81 = tpu.memref_squeeze %dma_wait3A_80 : memref<1x2x128xi32, #tpu.memory_space<hbm>> -> memref<2x128xi32, #tpu.memory_space<hbm>>
    tpu.wait_dma2 semaphore(%arg17 : memref<!tpu.dma_semaphore, #tpu.memory_space<semaphore_mem>>) src(%dma_wait3A_81 : memref<2x128xi32, #tpu.memory_space<hbm>>) dst(%dma_wait3A_77 : memref<2x128xi32, #tpu.memory_space<vmem>>)
    %dma_start3A_82 = arith.constant 0 : i32
    %dma_start3A_83 = arith.constant 0 : i32
    %dma_start3A_84 = arith.constant 0 : i32
    %dma_start3A_85 = arith.constant 0 : i32
    %dma_start3A_86 = arith.constant 0 : i32
    %dma_start3A_87 = tpu.memref_slice %arg13[%dma_start3A_84, %dma_start3A_85, %dma_start3A_86] : memref<4x128x32xf32, #tpu.memory_space<vmem>> -> memref<1x64x32xf32, #tpu.memory_space<vmem>>
    %dma_start3A_88 = tpu.memref_squeeze %dma_start3A_87 : memref<1x64x32xf32, #tpu.memory_space<vmem>> -> memref<64x32xf32, #tpu.memory_space<vmem>>
    %dma_start3A_89 = arith.constant 0 : i32
    %dma_start3A_90 = tpu.memref_slice %arg11[%dma_start3A_82, %dma_start3A_83, %dma_start3A_89] : memref<4x2x128xi32, #tpu.memory_space<vmem>> -> memref<1x1x64xi32, #tpu.memory_space<vmem>>
    %dma_start3A_91 = tpu.memref_squeeze %dma_start3A_90 : memref<1x1x64xi32, #tpu.memory_space<vmem>> -> memref<64xi32, #tpu.memory_space<vmem>>
    %dma_start3A_92 = arith.constant 0 : i32
    %dma_start3A_93 = arith.constant 0 : i32
    %dma_start3A_94 = tpu.memref_slice %arg16[%dma_start3A_92, %dma_start3A_93] : memref<10112x32xf32, #tpu.memory_space<vmem_shared>> -> memref<10112x32xf32, #tpu.memory_space<vmem_shared>>
    tpu.enqueue_indirect_dma source(%dma_start3A_94 : memref<10112x32xf32, #tpu.memory_space<vmem_shared>>) target(%dma_start3A_88 : memref<64x32xf32, #tpu.memory_space<vmem>>) offsets(%dma_start3A_91 : memref<64xi32, #tpu.memory_space<vmem>>) semaphore(%arg21 : memref<!tpu.dma_semaphore, #tpu.memory_space<semaphore_mem>>)
    %dma_start3A_95 = arith.constant 0 : i32
    %dma_start3A_96 = arith.constant 0 : i32
    %dma_start3A_97 = arith.constant 0 : i32
    %dma_start3A_98 = arith.constant 64 : i32
    %dma_start3A_99 = arith.constant 0 : i32
    %dma_start3A_100 = tpu.memref_slice %arg13[%dma_start3A_97, %dma_start3A_98, %dma_start3A_99] : memref<4x128x32xf32, #tpu.memory_space<vmem>> -> memref<1x64x32xf32, #tpu.memory_space<vmem>>
    %dma_start3A_101 = tpu.memref_squeeze %dma_start3A_100 : memref<1x64x32xf32, #tpu.memory_space<vmem>> -> memref<64x32xf32, #tpu.memory_space<vmem>>
    %dma_start3A_102 = arith.constant 64 : i32
    %dma_start3A_103 = tpu.memref_slice %arg11[%dma_start3A_95, %dma_start3A_96, %dma_start3A_102] : memref<4x2x128xi32, #tpu.memory_space<vmem>> -> memref<1x1x64xi32, #tpu.memory_space<vmem>>
    %dma_start3A_104 = tpu.memref_squeeze %dma_start3A_103 : memref<1x1x64xi32, #tpu.memory_space<vmem>> -> memref<64xi32, #tpu.memory_space<vmem>>
    %dma_start3A_105 = arith.constant 0 : i32
    %dma_start3A_106 = arith.constant 0 : i32
    %dma_start3A_107 = tpu.memref_slice %arg16[%dma_start3A_105, %dma_start3A_106] : memref<10112x32xf32, #tpu.memory_space<vmem_shared>> -> memref<10112x32xf32, #tpu.memory_space<vmem_shared>>
    tpu.enqueue_indirect_dma source(%dma_start3A_107 : memref<10112x32xf32, #tpu.memory_space<vmem_shared>>) target(%dma_start3A_101 : memref<64x32xf32, #tpu.memory_space<vmem>>) offsets(%dma_start3A_104 : memref<64xi32, #tpu.memory_space<vmem>>) semaphore(%arg29 : memref<!tpu.dma_semaphore, #tpu.memory_space<semaphore_mem>>)
    %dma_wait3A_108 = arith.constant 1 : i32
    %dma_wait3A_109 = arith.constant 0 : i32
    %dma_wait3A_110 = arith.constant 0 : i32
    %dma_wait3A_111 = tpu.memref_slice %arg11[%dma_wait3A_108, %dma_wait3A_109, %dma_wait3A_110] : memref<4x2x128xi32, #tpu.memory_space<vmem>> -> memref<1x2x128xi32, #tpu.memory_space<vmem>>
    %dma_wait3A_112 = tpu.memref_squeeze %dma_wait3A_111 : memref<1x2x128xi32, #tpu.memory_space<vmem>> -> memref<2x128xi32, #tpu.memory_space<vmem>>
    %dma_wait3A_113 = arith.constant 0 : i32
    %dma_wait3A_114 = arith.constant 0 : i32
    %dma_wait3A_115 = tpu.memref_slice %arg2[%mul3A_9, %dma_wait3A_113, %dma_wait3A_114] : memref<2560x2x128xi32, #tpu.memory_space<hbm>> -> memref<1x2x128xi32, #tpu.memory_space<hbm>>
    %dma_wait3A_116 = tpu.memref_squeeze %dma_wait3A_115 : memref<1x2x128xi32, #tpu.memory_space<hbm>> -> memref<2x128xi32, #tpu.memory_space<hbm>>
    %dma_wait3A_117 = arith.constant 0 : i32
    %dma_wait3A_118 = arith.constant 0 : i32
    %dma_wait3A_119 = tpu.memref_slice %arg11[%dma_wait3A_108, %dma_wait3A_117, %dma_wait3A_118] : memref<4x2x128xi32, #tpu.memory_space<vmem>> -> memref<1x2x128xi32, #tpu.memory_space<vmem>>
    %dma_wait3A_120 = tpu.memref_squeeze %dma_wait3A_119 : memref<1x2x128xi32, #tpu.memory_space<vmem>> -> memref<2x128xi32, #tpu.memory_space<vmem>>
    %dma_wait3A_121 = arith.constant 0 : i32
    %dma_wait3A_122 = arith.constant 0 : i32
    %dma_wait3A_123 = tpu.memref_slice %arg2[%mul3A_9, %dma_wait3A_121, %dma_wait3A_122] : memref<2560x2x128xi32, #tpu.memory_space<hbm>> -> memref<1x2x128xi32, #tpu.memory_space<hbm>>
    %dma_wait3A_124 = tpu.memref_squeeze %dma_wait3A_123 : memref<1x2x128xi32, #tpu.memory_space<hbm>> -> memref<2x128xi32, #tpu.memory_space<hbm>>
    tpu.wait_dma2 semaphore(%arg18 : memref<!tpu.dma_semaphore, #tpu.memory_space<semaphore_mem>>) src(%dma_wait3A_124 : memref<2x128xi32, #tpu.memory_space<hbm>>) dst(%dma_wait3A_120 : memref<2x128xi32, #tpu.memory_space<vmem>>)
    %dma_start3A_125 = arith.constant 1 : i32
    %dma_start3A_126 = arith.constant 0 : i32
    %dma_start3A_127 = arith.constant 1 : i32
    %dma_start3A_128 = arith.constant 0 : i32
    %dma_start3A_129 = arith.constant 0 : i32
    %dma_start3A_130 = tpu.memref_slice %arg13[%dma_start3A_127, %dma_start3A_128, %dma_start3A_129] : memref<4x128x32xf32, #tpu.memory_space<vmem>> -> memref<1x64x32xf32, #tpu.memory_space<vmem>>
    %dma_start3A_131 = tpu.memref_squeeze %dma_start3A_130 : memref<1x64x32xf32, #tpu.memory_space<vmem>> -> memref<64x32xf32, #tpu.memory_space<vmem>>
    %dma_start3A_132 = arith.constant 0 : i32
    %dma_start3A_133 = tpu.memref_slice %arg11[%dma_start3A_125, %dma_start3A_126, %dma_start3A_132] : memref<4x2x128xi32, #tpu.memory_space<vmem>> -> memref<1x1x64xi32, #tpu.memory_space<vmem>>
    %dma_start3A_134 = tpu.memref_squeeze %dma_start3A_133 : memref<1x1x64xi32, #tpu.memory_space<vmem>> -> memref<64xi32, #tpu.memory_space<vmem>>
    %dma_start3A_135 = arith.constant 0 : i32
    %dma_start3A_136 = arith.constant 0 : i32
    %dma_start3A_137 = tpu.memref_slice %arg16[%dma_start3A_135, %dma_start3A_136] : memref<10112x32xf32, #tpu.memory_space<vmem_shared>> -> memref<10112x32xf32, #tpu.memory_space<vmem_shared>>
    tpu.enqueue_indirect_dma source(%dma_start3A_137 : memref<10112x32xf32, #tpu.memory_space<vmem_shared>>) target(%dma_start3A_131 : memref<64x32xf32, #tpu.memory_space<vmem>>) offsets(%dma_start3A_134 : memref<64xi32, #tpu.memory_space<vmem>>) semaphore(%arg22 : memref<!tpu.dma_semaphore, #tpu.memory_space<semaphore_mem>>)
    %dma_start3A_138 = arith.constant 1 : i32
    %dma_start3A_139 = arith.constant 0 : i32
    %dma_start3A_140 = arith.constant 1 : i32
    %dma_start3A_141 = arith.constant 64 : i32
    %dma_start3A_142 = arith.constant 0 : i32
    %dma_start3A_143 = tpu.memref_slice %arg13[%dma_start3A_140, %dma_start3A_141, %dma_start3A_142] : memref<4x128x32xf32, #tpu.memory_space<vmem>> -> memref<1x64x32xf32, #tpu.memory_space<vmem>>
    %dma_start3A_144 = tpu.memref_squeeze %dma_start3A_143 : memref<1x64x32xf32, #tpu.memory_space<vmem>> -> memref<64x32xf32, #tpu.memory_space<vmem>>
    %dma_start3A_145 = arith.constant 64 : i32
    %dma_start3A_146 = tpu.memref_slice %arg11[%dma_start3A_138, %dma_start3A_139, %dma_start3A_145] : memref<4x2x128xi32, #tpu.memory_space<vmem>> -> memref<1x1x64xi32, #tpu.memory_space<vmem>>
    %dma_start3A_147 = tpu.memref_squeeze %dma_start3A_146 : memref<1x1x64xi32, #tpu.memory_space<vmem>> -> memref<64xi32, #tpu.memory_space<vmem>>
    %dma_start3A_148 = arith.constant 0 : i32
    %dma_start3A_149 = arith.constant 0 : i32
    %dma_start3A_150 = tpu.memref_slice %arg16[%dma_start3A_148, %dma_start3A_149] : memref<10112x32xf32, #tpu.memory_space<vmem_shared>> -> memref<10112x32xf32, #tpu.memory_space<vmem_shared>>
    tpu.enqueue_indirect_dma source(%dma_start3A_150 : memref<10112x32xf32, #tpu.memory_space<vmem_shared>>) target(%dma_start3A_144 : memref<64x32xf32, #tpu.memory_space<vmem>>) offsets(%dma_start3A_147 : memref<64xi32, #tpu.memory_space<vmem>>) semaphore(%arg30 : memref<!tpu.dma_semaphore, #tpu.memory_space<semaphore_mem>>)
    %scan3A_151 = arith.constant 0 : i32
    %scan3A_152 = arith.constant 0 : i32
    %scan3A_153 = arith.constant 40 : i32
    %scan3A_154 = arith.addi %scan3A_152, %scan3A_153 : i32
    %scan3A_155 = arith.constant 1 : i32
    scf.for %scan3A_210 = %scan3A_152 to %scan3A_154 step %scan3A_155  : i32 {
      %mul3A_211 = arith.constant 4 : i32
      %mul3A_212 = arith.muli %scan3A_210, %mul3A_211 : i32
      %add3A_213 = arith.constant 0 : i32
      %add3A_214 = arith.addi %mul3A_212, %add3A_213 : i32
      %add3A_215 = arith.constant 4 : i32
      %add3A_216 = arith.addi %add3A_214, %add3A_215 : i32
      %sub3A = arith.constant 1 : i32
      %sub3A_217 = arith.subi %add3A_216, %sub3A : i32
      %lt3A = arith.constant 160 : i32
      %lt3A_218 = arith.cmpi slt, %sub3A_217, %lt3A : i32
      %convert_element_type3A = arith.extui %lt3A_218 : i1 to i32
      %cond3A = arith.constant 0 : i32
      %cond3A_219 = arith.cmpi ne, %convert_element_type3A, %cond3A : i32
      scf.if %cond3A_219 {
        %ge3A = arith.constant 1 : i32
        %ge3A_499 = arith.cmpi sge, %add3A_214, %ge3A : i32
        %convert_element_type3A_500 = arith.extui %ge3A_499 : i1 to i32
        %cond3A_501 = arith.constant 0 : i32
        %cond3A_502 = arith.cmpi ne, %convert_element_type3A_500, %cond3A_501 : i32
        scf.if %cond3A_502 {
          %dma_wait3A_525 = arith.constant 3 : i32
          %dma_wait3A_526 = arith.constant 3 : i32
          %dma_wait3A_527 = arith.constant 1 : i32
          %dma_wait3A_528 = arith.constant 0 : i32
          %dma_wait3A_529 = arith.constant 0 : i32
          %dma_wait3A_530 = tpu.memref_slice %arg13[%dma_wait3A_525, %dma_wait3A_528, %dma_wait3A_529] : memref<4x128x32xf32, #tpu.memory_space<vmem>> -> memref<1x128x32xf32, #tpu.memory_space<vmem>>
          %dma_wait3A_531 = tpu.memref_squeeze %dma_wait3A_530 : memref<1x128x32xf32, #tpu.memory_space<vmem>> -> memref<128x32xf32, #tpu.memory_space<vmem>>
          %dma_wait3A_532 = arith.constant 0 : i32
          %dma_wait3A_533 = tpu.memref_slice %arg11[%dma_wait3A_526, %dma_wait3A_527, %dma_wait3A_532] : memref<4x2x128xi32, #tpu.memory_space<vmem>> -> memref<1x1x128xi32, #tpu.memory_space<vmem>>
          %dma_wait3A_534 = tpu.memref_squeeze %dma_wait3A_533 : memref<1x1x128xi32, #tpu.memory_space<vmem>> -> memref<128xi32, #tpu.memory_space<vmem>>
          %dma_wait3A_535 = arith.constant 0 : i32
          %dma_wait3A_536 = arith.constant 0 : i32
          %dma_wait3A_537 = tpu.memref_slice %arg15[%dma_wait3A_535, %dma_wait3A_536] : memref<10112x32xf32, #tpu.memory_space<vmem_shared>> -> memref<10112x32xf32, #tpu.memory_space<vmem_shared>>
          tpu.wait_indirect_dma semaphore(%arg28 : memref<!tpu.dma_semaphore, #tpu.memory_space<semaphore_mem>>) src(%dma_wait3A_531 : memref<128x32xf32, #tpu.memory_space<vmem>>) dst(%dma_wait3A_537 : memref<10112x32xf32, #tpu.memory_space<vmem_shared>>)
        } else {
        }
        %add3A_503 = arith.constant 4 : i32
        %add3A_504 = arith.addi %add3A_214, %add3A_503 : i32
        %sub3A_505 = arith.constant 1 : i32
        %sub3A_506 = arith.subi %add3A_504, %sub3A_505 : i32
        %add3A_507 = arith.addi %mul3A_9, %sub3A_506 : i32
        %dma_start3A_508 = arith.constant 3 : i32
        %dma_start3A_509 = arith.constant 0 : i32
        %dma_start3A_510 = arith.constant 0 : i32
        %dma_start3A_511 = tpu.memref_slice %arg11[%dma_start3A_508, %dma_start3A_509, %dma_start3A_510] : memref<4x2x128xi32, #tpu.memory_space<vmem>> -> memref<1x2x128xi32, #tpu.memory_space<vmem>>
        %dma_start3A_512 = tpu.memref_squeeze %dma_start3A_511 : memref<1x2x128xi32, #tpu.memory_space<vmem>> -> memref<2x128xi32, #tpu.memory_space<vmem>>
        %dma_start3A_513 = arith.constant 0 : i32
        %dma_start3A_514 = arith.constant 0 : i32
        %dma_start3A_515 = tpu.memref_slice %arg2[%add3A_507, %dma_start3A_513, %dma_start3A_514] : memref<2560x2x128xi32, #tpu.memory_space<hbm>> -> memref<1x2x128xi32, #tpu.memory_space<hbm>>
        %dma_start3A_516 = tpu.memref_squeeze %dma_start3A_515 : memref<1x2x128xi32, #tpu.memory_space<hbm>> -> memref<2x128xi32, #tpu.memory_space<hbm>>
        %dma_start3A_517 = arith.constant 0 : i32
        %dma_start3A_518 = arith.constant 0 : i32
        %dma_start3A_519 = tpu.memref_slice %arg11[%dma_start3A_508, %dma_start3A_517, %dma_start3A_518] : memref<4x2x128xi32, #tpu.memory_space<vmem>> -> memref<1x2x128xi32, #tpu.memory_space<vmem>>
        %dma_start3A_520 = tpu.memref_squeeze %dma_start3A_519 : memref<1x2x128xi32, #tpu.memory_space<vmem>> -> memref<2x128xi32, #tpu.memory_space<vmem>>
        %dma_start3A_521 = arith.constant 0 : i32
        %dma_start3A_522 = arith.constant 0 : i32
        %dma_start3A_523 = tpu.memref_slice %arg2[%add3A_507, %dma_start3A_521, %dma_start3A_522] : memref<2560x2x128xi32, #tpu.memory_space<hbm>> -> memref<1x2x128xi32, #tpu.memory_space<hbm>>
        %dma_start3A_524 = tpu.memref_squeeze %dma_start3A_523 : memref<1x2x128xi32, #tpu.memory_space<hbm>> -> memref<2x128xi32, #tpu.memory_space<hbm>>
        tpu.enqueue_dma source(%dma_start3A_524 : memref<2x128xi32, #tpu.memory_space<hbm>>) target(%dma_start3A_520 : memref<2x128xi32, #tpu.memory_space<vmem>>) target_semaphore(%arg20 : memref<!tpu.dma_semaphore, #tpu.memory_space<semaphore_mem>>)
      } else {
      }
      %add3A_220 = arith.constant 4 : i32
      %add3A_221 = arith.addi %add3A_214, %add3A_220 : i32
      %sub3A_222 = arith.constant 2 : i32
      %sub3A_223 = arith.subi %add3A_221, %sub3A_222 : i32
      %lt3A_224 = arith.constant 160 : i32
      %lt3A_225 = arith.cmpi slt, %sub3A_223, %lt3A_224 : i32
      %convert_element_type3A_226 = arith.extui %lt3A_225 : i1 to i32
      %cond3A_227 = arith.constant 0 : i32
      %cond3A_228 = arith.cmpi ne, %convert_element_type3A_226, %cond3A_227 : i32
      scf.if %cond3A_228 {
        %dma_wait3A_499 = arith.constant 2 : i32
        %dma_wait3A_500 = arith.constant 0 : i32
        %dma_wait3A_501 = arith.constant 0 : i32
        %dma_wait3A_502 = tpu.memref_slice %arg11[%dma_wait3A_499, %dma_wait3A_500, %dma_wait3A_501] : memref<4x2x128xi32, #tpu.memory_space<vmem>> -> memref<1x2x128xi32, #tpu.memory_space<vmem>>
        %dma_wait3A_503 = tpu.memref_squeeze %dma_wait3A_502 : memref<1x2x128xi32, #tpu.memory_space<vmem>> -> memref<2x128xi32, #tpu.memory_space<vmem>>
        %dma_wait3A_504 = arith.constant 0 : i32
        %dma_wait3A_505 = arith.constant 0 : i32
        %dma_wait3A_506 = tpu.memref_slice %arg2[%mul3A_9, %dma_wait3A_504, %dma_wait3A_505] : memref<2560x2x128xi32, #tpu.memory_space<hbm>> -> memref<1x2x128xi32, #tpu.memory_space<hbm>>
        %dma_wait3A_507 = tpu.memref_squeeze %dma_wait3A_506 : memref<1x2x128xi32, #tpu.memory_space<hbm>> -> memref<2x128xi32, #tpu.memory_space<hbm>>
        %dma_wait3A_508 = arith.constant 0 : i32
        %dma_wait3A_509 = arith.constant 0 : i32
        %dma_wait3A_510 = tpu.memref_slice %arg11[%dma_wait3A_499, %dma_wait3A_508, %dma_wait3A_509] : memref<4x2x128xi32, #tpu.memory_space<vmem>> -> memref<1x2x128xi32, #tpu.memory_space<vmem>>
        %dma_wait3A_511 = tpu.memref_squeeze %dma_wait3A_510 : memref<1x2x128xi32, #tpu.memory_space<vmem>> -> memref<2x128xi32, #tpu.memory_space<vmem>>
        %dma_wait3A_512 = arith.constant 0 : i32
        %dma_wait3A_513 = arith.constant 0 : i32
        %dma_wait3A_514 = tpu.memref_slice %arg2[%mul3A_9, %dma_wait3A_512, %dma_wait3A_513] : memref<2560x2x128xi32, #tpu.memory_space<hbm>> -> memref<1x2x128xi32, #tpu.memory_space<hbm>>
        %dma_wait3A_515 = tpu.memref_squeeze %dma_wait3A_514 : memref<1x2x128xi32, #tpu.memory_space<hbm>> -> memref<2x128xi32, #tpu.memory_space<hbm>>
        tpu.wait_dma2 semaphore(%arg19 : memref<!tpu.dma_semaphore, #tpu.memory_space<semaphore_mem>>) src(%dma_wait3A_515 : memref<2x128xi32, #tpu.memory_space<hbm>>) dst(%dma_wait3A_511 : memref<2x128xi32, #tpu.memory_space<vmem>>)
        %dma_start3A_516 = arith.constant 2 : i32
        %dma_start3A_517 = arith.constant 0 : i32
        %dma_start3A_518 = arith.constant 2 : i32
        %dma_start3A_519 = arith.constant 0 : i32
        %dma_start3A_520 = arith.constant 0 : i32
        %dma_start3A_521 = tpu.memref_slice %arg13[%dma_start3A_518, %dma_start3A_519, %dma_start3A_520] : memref<4x128x32xf32, #tpu.memory_space<vmem>> -> memref<1x64x32xf32, #tpu.memory_space<vmem>>
        %dma_start3A_522 = tpu.memref_squeeze %dma_start3A_521 : memref<1x64x32xf32, #tpu.memory_space<vmem>> -> memref<64x32xf32, #tpu.memory_space<vmem>>
        %dma_start3A_523 = arith.constant 0 : i32
        %dma_start3A_524 = tpu.memref_slice %arg11[%dma_start3A_516, %dma_start3A_517, %dma_start3A_523] : memref<4x2x128xi32, #tpu.memory_space<vmem>> -> memref<1x1x64xi32, #tpu.memory_space<vmem>>
        %dma_start3A_525 = tpu.memref_squeeze %dma_start3A_524 : memref<1x1x64xi32, #tpu.memory_space<vmem>> -> memref<64xi32, #tpu.memory_space<vmem>>
        %dma_start3A_526 = arith.constant 0 : i32
        %dma_start3A_527 = arith.constant 0 : i32
        %dma_start3A_528 = tpu.memref_slice %arg16[%dma_start3A_526, %dma_start3A_527] : memref<10112x32xf32, #tpu.memory_space<vmem_shared>> -> memref<10112x32xf32, #tpu.memory_space<vmem_shared>>
        tpu.enqueue_indirect_dma source(%dma_start3A_528 : memref<10112x32xf32, #tpu.memory_space<vmem_shared>>) target(%dma_start3A_522 : memref<64x32xf32, #tpu.memory_space<vmem>>) offsets(%dma_start3A_525 : memref<64xi32, #tpu.memory_space<vmem>>) semaphore(%arg23 : memref<!tpu.dma_semaphore, #tpu.memory_space<semaphore_mem>>)
        %dma_start3A_529 = arith.constant 2 : i32
        %dma_start3A_530 = arith.constant 0 : i32
        %dma_start3A_531 = arith.constant 2 : i32
        %dma_start3A_532 = arith.constant 64 : i32
        %dma_start3A_533 = arith.constant 0 : i32
        %dma_start3A_534 = tpu.memref_slice %arg13[%dma_start3A_531, %dma_start3A_532, %dma_start3A_533] : memref<4x128x32xf32, #tpu.memory_space<vmem>> -> memref<1x64x32xf32, #tpu.memory_space<vmem>>
        %dma_start3A_535 = tpu.memref_squeeze %dma_start3A_534 : memref<1x64x32xf32, #tpu.memory_space<vmem>> -> memref<64x32xf32, #tpu.memory_space<vmem>>
        %dma_start3A_536 = arith.constant 64 : i32
        %dma_start3A_537 = tpu.memref_slice %arg11[%dma_start3A_529, %dma_start3A_530, %dma_start3A_536] : memref<4x2x128xi32, #tpu.memory_space<vmem>> -> memref<1x1x64xi32, #tpu.memory_space<vmem>>
        %dma_start3A_538 = tpu.memref_squeeze %dma_start3A_537 : memref<1x1x64xi32, #tpu.memory_space<vmem>> -> memref<64xi32, #tpu.memory_space<vmem>>
        %dma_start3A_539 = arith.constant 0 : i32
        %dma_start3A_540 = arith.constant 0 : i32
        %dma_start3A_541 = tpu.memref_slice %arg16[%dma_start3A_539, %dma_start3A_540] : memref<10112x32xf32, #tpu.memory_space<vmem_shared>> -> memref<10112x32xf32, #tpu.memory_space<vmem_shared>>
        tpu.enqueue_indirect_dma source(%dma_start3A_541 : memref<10112x32xf32, #tpu.memory_space<vmem_shared>>) target(%dma_start3A_535 : memref<64x32xf32, #tpu.memory_space<vmem>>) offsets(%dma_start3A_538 : memref<64xi32, #tpu.memory_space<vmem>>) semaphore(%arg31 : memref<!tpu.dma_semaphore, #tpu.memory_space<semaphore_mem>>)
      } else {
      }
      %scan3A_229 = arith.constant 0 : i32
      %scan3A_230 = arith.constant 0 : i32
      %scan3A_231 = arith.constant 8 : i32
      %scan3A_232 = arith.addi %scan3A_230, %scan3A_231 : i32
      %scan3A_233 = arith.constant 1 : i32
      scf.for %scan3A_499 = %scan3A_230 to %scan3A_232 step %scan3A_233  : i32 {
        %mul3A_500 = arith.constant 16 : i32
        %mul3A_501 = arith.muli %scan3A_499, %mul3A_500 : i32
        %get3A = arith.constant 0 : i32
        %get3A_502 = arith.constant 0 : i32
        %get3A_503 = arith.index_cast %get3A : i32 to index
        %get3A_504 = arith.index_cast %get3A_502 : i32 to index
        %get3A_505 = arith.index_cast %mul3A_501 : i32 to index
        %get3A_506 = tpu.vector_load %arg11[%get3A_503, %get3A_504, %get3A_505] {strides = array<i32>} : memref<4x2x128xi32, #tpu.memory_space<vmem>>, vector<16xi32>,
        %get3A_507 = arith.constant 0 : i32
        %get3A_508 = arith.constant 1 : i32
        %get3A_509 = arith.index_cast %get3A_507 : i32 to index
        %get3A_510 = arith.index_cast %get3A_508 : i32 to index
        %get3A_511 = arith.index_cast %mul3A_501 : i32 to index
        %get3A_512 = tpu.vector_load %arg11[%get3A_509, %get3A_510, %get3A_511] {strides = array<i32>} : memref<4x2x128xi32, #tpu.memory_space<vmem>>, vector<16xi32>,
        %gather3A = tpu.vector_load_idx %arg9[%get3A_506] : memref<10112xf32, #tpu.memory_space<vmem>>[vector<16xi32>], vector<16xf32>,
        %gather3A_513 = tpu.vector_load_idx %arg10[%get3A_512] : memref<10112xf32, #tpu.memory_space<vmem>>[vector<16xi32>], vector<16xf32>,
        %add3A_514 = arith.addf %gather3A, %gather3A_513 : vector<16xf32>
        %ge3A = arith.constant 0.000000e+00 : f32
        %ge3A_515 = vector.broadcast %ge3A : f32 to vector<16xf32>
        %ge3A_516 = arith.cmpf oge, %add3A_514, %ge3A_515 : vector<16xf32>
        %mul3A_517 = arith.constant 2.000000e-01 : f32
        %mul3A_518 = vector.broadcast %mul3A_517 : f32 to vector<16xf32>
        %mul3A_519 = arith.mulf %add3A_514, %mul3A_518 : vector<16xf32>
        %select_n3A = arith.select %ge3A_516, %add3A_514, %mul3A_519 : vector<16xi1>, vector<16xf32>
        %exp3A = math.exp %select_n3A : vector<16xf32>
        %swap3A = arith.index_cast %mul3A_501 : i32 to index
        %swap3A_520 = tpu.vector_load %arg12[%swap3A] {strides = array<i32>} : memref<128xf32, #tpu.memory_space<vmem>>, vector<16xf32>,
        tpu.vector_store %arg12[%swap3A], %exp3A {strides = array<i32>} : memref<128xf32, #tpu.memory_space<vmem>>, vector<16xf32>,
        tpu.vector_store_idx %arg14[%get3A_512], %exp3A {add = true} : memref<10112xf32, #tpu.memory_space<vmem>>[vector<16xi32>], vector<16xf32>,
      }
      %scan3A_234 = arith.constant 8 : i32
      %dma_wait3A_235 = arith.constant 0 : i32
      %dma_wait3A_236 = arith.constant 0 : i32
      %dma_wait3A_237 = arith.constant 0 : i32
      %dma_wait3A_238 = arith.constant 0 : i32
      %dma_wait3A_239 = arith.constant 0 : i32
      %dma_wait3A_240 = tpu.memref_slice %arg13[%dma_wait3A_237, %dma_wait3A_238, %dma_wait3A_239] : memref<4x128x32xf32, #tpu.memory_space<vmem>> -> memref<1x64x32xf32, #tpu.memory_space<vmem>>
      %dma_wait3A_241 = tpu.memref_squeeze %dma_wait3A_240 : memref<1x64x32xf32, #tpu.memory_space<vmem>> -> memref<64x32xf32, #tpu.memory_space<vmem>>
      %dma_wait3A_242 = arith.constant 0 : i32
      %dma_wait3A_243 = tpu.memref_slice %arg11[%dma_wait3A_235, %dma_wait3A_236, %dma_wait3A_242] : memref<4x2x128xi32, #tpu.memory_space<vmem>> -> memref<1x1x64xi32, #tpu.memory_space<vmem>>
      %dma_wait3A_244 = tpu.memref_squeeze %dma_wait3A_243 : memref<1x1x64xi32, #tpu.memory_space<vmem>> -> memref<64xi32, #tpu.memory_space<vmem>>
      %dma_wait3A_245 = arith.constant 0 : i32
      %dma_wait3A_246 = arith.constant 0 : i32
      %dma_wait3A_247 = tpu.memref_slice %arg16[%dma_wait3A_245, %dma_wait3A_246] : memref<10112x32xf32, #tpu.memory_space<vmem_shared>> -> memref<10112x32xf32, #tpu.memory_space<vmem_shared>>
      tpu.wait_indirect_dma semaphore(%arg21 : memref<!tpu.dma_semaphore, #tpu.memory_space<semaphore_mem>>) src(%dma_wait3A_247 : memref<10112x32xf32, #tpu.memory_space<vmem_shared>>) dst(%dma_wait3A_241 : memref<64x32xf32, #tpu.memory_space<vmem>>)
      %dma_wait3A_248 = arith.constant 0 : i32
      %dma_wait3A_249 = arith.constant 0 : i32
      %dma_wait3A_250 = arith.constant 0 : i32
      %dma_wait3A_251 = arith.constant 64 : i32
      %dma_wait3A_252 = arith.constant 0 : i32
      %dma_wait3A_253 = tpu.memref_slice %arg13[%dma_wait3A_250, %dma_wait3A_251, %dma_wait3A_252] : memref<4x128x32xf32, #tpu.memory_space<vmem>> -> memref<1x64x32xf32, #tpu.memory_space<vmem>>
      %dma_wait3A_254 = tpu.memref_squeeze %dma_wait3A_253 : memref<1x64x32xf32, #tpu.memory_space<vmem>> -> memref<64x32xf32, #tpu.memory_space<vmem>>
      %dma_wait3A_255 = arith.constant 64 : i32
      %dma_wait3A_256 = tpu.memref_slice %arg11[%dma_wait3A_248, %dma_wait3A_249, %dma_wait3A_255] : memref<4x2x128xi32, #tpu.memory_space<vmem>> -> memref<1x1x64xi32, #tpu.memory_space<vmem>>
      %dma_wait3A_257 = tpu.memref_squeeze %dma_wait3A_256 : memref<1x1x64xi32, #tpu.memory_space<vmem>> -> memref<64xi32, #tpu.memory_space<vmem>>
      %dma_wait3A_258 = arith.constant 0 : i32
      %dma_wait3A_259 = arith.constant 0 : i32
      %dma_wait3A_260 = tpu.memref_slice %arg16[%dma_wait3A_258, %dma_wait3A_259] : memref<10112x32xf32, #tpu.memory_space<vmem_shared>> -> memref<10112x32xf32, #tpu.memory_space<vmem_shared>>
      tpu.wait_indirect_dma semaphore(%arg29 : memref<!tpu.dma_semaphore, #tpu.memory_space<semaphore_mem>>) src(%dma_wait3A_260 : memref<10112x32xf32, #tpu.memory_space<vmem_shared>>) dst(%dma_wait3A_254 : memref<64x32xf32, #tpu.memory_space<vmem>>)
      %scan3A_261 = arith.constant 0 : i32
      %scan3A_262 = arith.constant 0 : i32
      %scan3A_263 = arith.constant 64 : i32
      %scan3A_264 = arith.addi %scan3A_262, %scan3A_263 : i32
      %scan3A_265 = arith.constant 1 : i32
      scf.for %scan3A_499 = %scan3A_262 to %scan3A_264 step %scan3A_265  : i32 {
        %mul3A_500 = arith.constant 2 : i32
        %mul3A_501 = arith.muli %scan3A_499, %mul3A_500 : i32
        %add3A_502 = arith.constant 0 : i32
        %add3A_503 = arith.addi %mul3A_501, %add3A_502 : i32
        %broadcast_in_dim3A = vector.broadcast %add3A_503 : i32 to vector<16xi32>
        %gather3A = tpu.vector_load_idx %arg12[%broadcast_in_dim3A] : memref<128xf32, #tpu.memory_space<vmem>>[vector<16xi32>], vector<16xf32>,
        %mul3A_504 = arith.constant 2 : i32
        %mul3A_505 = arith.muli %scan3A_499, %mul3A_504 : i32
        %add3A_506 = arith.constant 0 : i32
        %add3A_507 = arith.addi %mul3A_505, %add3A_506 : i32
        %get3A = arith.constant 0 : i32
        %get3A_508 = arith.index_cast %get3A : i32 to index
        %get3A_509 = arith.index_cast %add3A_507 : i32 to index
        %get3A_510 = arith.constant 0 : index
        %get3A_511 = tpu.vector_load %arg13[%get3A_508, %get3A_509, %get3A_510] {strides = array<i32>} : memref<4x128x32xf32, #tpu.memory_space<vmem>>, vector<16xf32>,
        %mul3A_512 = arith.mulf %get3A_511, %gather3A : vector<16xf32>
        %mul3A_513 = arith.constant 2 : i32
        %mul3A_514 = arith.muli %scan3A_499, %mul3A_513 : i32
        %add3A_515 = arith.constant 0 : i32
        %add3A_516 = arith.addi %mul3A_514, %add3A_515 : i32
        %swap3A = arith.constant 0 : i32
        %swap3A_517 = arith.index_cast %swap3A : i32 to index
        %swap3A_518 = arith.index_cast %add3A_516 : i32 to index
        %swap3A_519 = arith.constant 0 : index
        %swap3A_520 = tpu.vector_load %arg13[%swap3A_517, %swap3A_518, %swap3A_519] {strides = array<i32>} : memref<4x128x32xf32, #tpu.memory_space<vmem>>, vector<16xf32>,
        tpu.vector_store %arg13[%swap3A_517, %swap3A_518, %swap3A_519], %mul3A_512 {strides = array<i32>} : memref<4x128x32xf32, #tpu.memory_space<vmem>>, vector<16xf32>,
        %mul3A_521 = arith.constant 2 : i32
        %mul3A_522 = arith.muli %scan3A_499, %mul3A_521 : i32
        %add3A_523 = arith.constant 0 : i32
        %add3A_524 = arith.addi %mul3A_522, %add3A_523 : i32
        %get3A_525 = arith.constant 0 : i32
        %get3A_526 = arith.index_cast %get3A_525 : i32 to index
        %get3A_527 = arith.index_cast %add3A_524 : i32 to index
        %get3A_528 = arith.constant 16 : index
        %get3A_529 = tpu.vector_load %arg13[%get3A_526, %get3A_527, %get3A_528] {strides = array<i32>} : memref<4x128x32xf32, #tpu.memory_space<vmem>>, vector<16xf32>,
        %mul3A_530 = arith.mulf %get3A_529, %gather3A : vector<16xf32>
        %mul3A_531 = arith.constant 2 : i32
        %mul3A_532 = arith.muli %scan3A_499, %mul3A_531 : i32
        %add3A_533 = arith.constant 0 : i32
        %add3A_534 = arith.addi %mul3A_532, %add3A_533 : i32
        %swap3A_535 = arith.constant 0 : i32
        %swap3A_536 = arith.index_cast %swap3A_535 : i32 to index
        %swap3A_537 = arith.index_cast %add3A_534 : i32 to index
        %swap3A_538 = arith.constant 16 : index
        %swap3A_539 = tpu.vector_load %arg13[%swap3A_536, %swap3A_537, %swap3A_538] {strides = array<i32>} : memref<4x128x32xf32, #tpu.memory_space<vmem>>, vector<16xf32>,
        tpu.vector_store %arg13[%swap3A_536, %swap3A_537, %swap3A_538], %mul3A_530 {strides = array<i32>} : memref<4x128x32xf32, #tpu.memory_space<vmem>>, vector<16xf32>,
        %mul3A_540 = arith.constant 2 : i32
        %mul3A_541 = arith.muli %scan3A_499, %mul3A_540 : i32
        %add3A_542 = arith.constant 1 : i32
        %add3A_543 = arith.addi %mul3A_541, %add3A_542 : i32
        %broadcast_in_dim3A_544 = vector.broadcast %add3A_543 : i32 to vector<16xi32>
        %gather3A_545 = tpu.vector_load_idx %arg12[%broadcast_in_dim3A_544] : memref<128xf32, #tpu.memory_space<vmem>>[vector<16xi32>], vector<16xf32>,
        %mul3A_546 = arith.constant 2 : i32
        %mul3A_547 = arith.muli %scan3A_499, %mul3A_546 : i32
        %add3A_548 = arith.constant 1 : i32
        %add3A_549 = arith.addi %mul3A_547, %add3A_548 : i32
        %get3A_550 = arith.constant 0 : i32
        %get3A_551 = arith.index_cast %get3A_550 : i32 to index
        %get3A_552 = arith.index_cast %add3A_549 : i32 to index
        %get3A_553 = arith.constant 0 : index
        %get3A_554 = tpu.vector_load %arg13[%get3A_551, %get3A_552, %get3A_553] {strides = array<i32>} : memref<4x128x32xf32, #tpu.memory_space<vmem>>, vector<16xf32>,
        %mul3A_555 = arith.mulf %get3A_554, %gather3A_545 : vector<16xf32>
        %mul3A_556 = arith.constant 2 : i32
        %mul3A_557 = arith.muli %scan3A_499, %mul3A_556 : i32
        %add3A_558 = arith.constant 1 : i32
        %add3A_559 = arith.addi %mul3A_557, %add3A_558 : i32
        %swap3A_560 = arith.constant 0 : i32
        %swap3A_561 = arith.index_cast %swap3A_560 : i32 to index
        %swap3A_562 = arith.index_cast %add3A_559 : i32 to index
        %swap3A_563 = arith.constant 0 : index
        %swap3A_564 = tpu.vector_load %arg13[%swap3A_561, %swap3A_562, %swap3A_563] {strides = array<i32>} : memref<4x128x32xf32, #tpu.memory_space<vmem>>, vector<16xf32>,
        tpu.vector_store %arg13[%swap3A_561, %swap3A_562, %swap3A_563], %mul3A_555 {strides = array<i32>} : memref<4x128x32xf32, #tpu.memory_space<vmem>>, vector<16xf32>,
        %mul3A_565 = arith.constant 2 : i32
        %mul3A_566 = arith.muli %scan3A_499, %mul3A_565 : i32
        %add3A_567 = arith.constant 1 : i32
        %add3A_568 = arith.addi %mul3A_566, %add3A_567 : i32
        %get3A_569 = arith.constant 0 : i32
        %get3A_570 = arith.index_cast %get3A_569 : i32 to index
        %get3A_571 = arith.index_cast %add3A_568 : i32 to index
        %get3A_572 = arith.constant 16 : index
        %get3A_573 = tpu.vector_load %arg13[%get3A_570, %get3A_571, %get3A_572] {strides = array<i32>} : memref<4x128x32xf32, #tpu.memory_space<vmem>>, vector<16xf32>,
        %mul3A_574 = arith.mulf %get3A_573, %gather3A_545 : vector<16xf32>
        %mul3A_575 = arith.constant 2 : i32
        %mul3A_576 = arith.muli %scan3A_499, %mul3A_575 : i32
        %add3A_577 = arith.constant 1 : i32
        %add3A_578 = arith.addi %mul3A_576, %add3A_577 : i32
        %swap3A_579 = arith.constant 0 : i32
        %swap3A_580 = arith.index_cast %swap3A_579 : i32 to index
        %swap3A_581 = arith.index_cast %add3A_578 : i32 to index
        %swap3A_582 = arith.constant 16 : index
        %swap3A_583 = tpu.vector_load %arg13[%swap3A_580, %swap3A_581, %swap3A_582] {strides = array<i32>} : memref<4x128x32xf32, #tpu.memory_space<vmem>>, vector<16xf32>,
        tpu.vector_store %arg13[%swap3A_580, %swap3A_581, %swap3A_582], %mul3A_574 {strides = array<i32>} : memref<4x128x32xf32, #tpu.memory_space<vmem>>, vector<16xf32>,
      }
      %scan3A_266 = arith.constant 64 : i32
      %dma_start3A_267 = arith.constant 0 : i32
      %dma_start3A_268 = arith.constant 0 : i32
      %dma_start3A_269 = arith.constant 1 : i32
      %dma_start3A_270 = arith.constant 0 : i32
      %dma_start3A_271 = arith.constant 0 : i32
      %dma_start3A_272 = tpu.memref_slice %arg13[%dma_start3A_267, %dma_start3A_270, %dma_start3A_271] : memref<4x128x32xf32, #tpu.memory_space<vmem>> -> memref<1x128x32xf32, #tpu.memory_space<vmem>>
      %dma_start3A_273 = tpu.memref_squeeze %dma_start3A_272 : memref<1x128x32xf32, #tpu.memory_space<vmem>> -> memref<128x32xf32, #tpu.memory_space<vmem>>
      %dma_start3A_274 = arith.constant 0 : i32
      %dma_start3A_275 = tpu.memref_slice %arg11[%dma_start3A_268, %dma_start3A_269, %dma_start3A_274] : memref<4x2x128xi32, #tpu.memory_space<vmem>> -> memref<1x1x128xi32, #tpu.memory_space<vmem>>
      %dma_start3A_276 = tpu.memref_squeeze %dma_start3A_275 : memref<1x1x128xi32, #tpu.memory_space<vmem>> -> memref<128xi32, #tpu.memory_space<vmem>>
      %dma_start3A_277 = arith.constant 0 : i32
      %dma_start3A_278 = arith.constant 0 : i32
      %dma_start3A_279 = tpu.memref_slice %arg15[%dma_start3A_277, %dma_start3A_278] : memref<10112x32xf32, #tpu.memory_space<vmem_shared>> -> memref<10112x32xf32, #tpu.memory_space<vmem_shared>>
      tpu.enqueue_indirect_dma source(%dma_start3A_273 : memref<128x32xf32, #tpu.memory_space<vmem>>) target(%dma_start3A_279 : memref<10112x32xf32, #tpu.memory_space<vmem_shared>>) offsets(%dma_start3A_276 : memref<128xi32, #tpu.memory_space<vmem>>) semaphore(%arg25 : memref<!tpu.dma_semaphore, #tpu.memory_space<semaphore_mem>>) {add = true}
      %mul3A_280 = arith.constant 4 : i32
      %mul3A_281 = arith.muli %scan3A_210, %mul3A_280 : i32
      %add3A_282 = arith.constant 1 : i32
      %add3A_283 = arith.addi %mul3A_281, %add3A_282 : i32
      %add3A_284 = arith.constant 4 : i32
      %add3A_285 = arith.addi %add3A_283, %add3A_284 : i32
      %sub3A_286 = arith.constant 1 : i32
      %sub3A_287 = arith.subi %add3A_285, %sub3A_286 : i32
      %lt3A_288 = arith.constant 160 : i32
      %lt3A_289 = arith.cmpi slt, %sub3A_287, %lt3A_288 : i32
      %convert_element_type3A_290 = arith.extui %lt3A_289 : i1 to i32
      %cond3A_291 = arith.constant 0 : i32
      %cond3A_292 = arith.cmpi ne, %convert_element_type3A_290, %cond3A_291 : i32
      scf.if %cond3A_292 {
        %ge3A = arith.constant 1 : i32
        %ge3A_499 = arith.cmpi sge, %add3A_283, %ge3A : i32
        %convert_element_type3A_500 = arith.extui %ge3A_499 : i1 to i32
        %cond3A_501 = arith.constant 0 : i32
        %cond3A_502 = arith.cmpi ne, %convert_element_type3A_500, %cond3A_501 : i32
        scf.if %cond3A_502 {
          %dma_wait3A_525 = arith.constant 0 : i32
          %dma_wait3A_526 = arith.constant 0 : i32
          %dma_wait3A_527 = arith.constant 1 : i32
          %dma_wait3A_528 = arith.constant 0 : i32
          %dma_wait3A_529 = arith.constant 0 : i32
          %dma_wait3A_530 = tpu.memref_slice %arg13[%dma_wait3A_525, %dma_wait3A_528, %dma_wait3A_529] : memref<4x128x32xf32, #tpu.memory_space<vmem>> -> memref<1x128x32xf32, #tpu.memory_space<vmem>>
          %dma_wait3A_531 = tpu.memref_squeeze %dma_wait3A_530 : memref<1x128x32xf32, #tpu.memory_space<vmem>> -> memref<128x32xf32, #tpu.memory_space<vmem>>
          %dma_wait3A_532 = arith.constant 0 : i32
          %dma_wait3A_533 = tpu.memref_slice %arg11[%dma_wait3A_526, %dma_wait3A_527, %dma_wait3A_532] : memref<4x2x128xi32, #tpu.memory_space<vmem>> -> memref<1x1x128xi32, #tpu.memory_space<vmem>>
          %dma_wait3A_534 = tpu.memref_squeeze %dma_wait3A_533 : memref<1x1x128xi32, #tpu.memory_space<vmem>> -> memref<128xi32, #tpu.memory_space<vmem>>
          %dma_wait3A_535 = arith.constant 0 : i32
          %dma_wait3A_536 = arith.constant 0 : i32
          %dma_wait3A_537 = tpu.memref_slice %arg15[%dma_wait3A_535, %dma_wait3A_536] : memref<10112x32xf32, #tpu.memory_space<vmem_shared>> -> memref<10112x32xf32, #tpu.memory_space<vmem_shared>>
          tpu.wait_indirect_dma semaphore(%arg25 : memref<!tpu.dma_semaphore, #tpu.memory_space<semaphore_mem>>) src(%dma_wait3A_531 : memref<128x32xf32, #tpu.memory_space<vmem>>) dst(%dma_wait3A_537 : memref<10112x32xf32, #tpu.memory_space<vmem_shared>>)
        } else {
        }
        %add3A_503 = arith.constant 4 : i32
        %add3A_504 = arith.addi %add3A_283, %add3A_503 : i32
        %sub3A_505 = arith.constant 1 : i32
        %sub3A_506 = arith.subi %add3A_504, %sub3A_505 : i32
        %add3A_507 = arith.addi %mul3A_9, %sub3A_506 : i32
        %dma_start3A_508 = arith.constant 0 : i32
        %dma_start3A_509 = arith.constant 0 : i32
        %dma_start3A_510 = arith.constant 0 : i32
        %dma_start3A_511 = tpu.memref_slice %arg11[%dma_start3A_508, %dma_start3A_509, %dma_start3A_510] : memref<4x2x128xi32, #tpu.memory_space<vmem>> -> memref<1x2x128xi32, #tpu.memory_space<vmem>>
        %dma_start3A_512 = tpu.memref_squeeze %dma_start3A_511 : memref<1x2x128xi32, #tpu.memory_space<vmem>> -> memref<2x128xi32, #tpu.memory_space<vmem>>
        %dma_start3A_513 = arith.constant 0 : i32
        %dma_start3A_514 = arith.constant 0 : i32
        %dma_start3A_515 = tpu.memref_slice %arg2[%add3A_507, %dma_start3A_513, %dma_start3A_514] : memref<2560x2x128xi32, #tpu.memory_space<hbm>> -> memref<1x2x128xi32, #tpu.memory_space<hbm>>
        %dma_start3A_516 = tpu.memref_squeeze %dma_start3A_515 : memref<1x2x128xi32, #tpu.memory_space<hbm>> -> memref<2x128xi32, #tpu.memory_space<hbm>>
        %dma_start3A_517 = arith.constant 0 : i32
        %dma_start3A_518 = arith.constant 0 : i32
        %dma_start3A_519 = tpu.memref_slice %arg11[%dma_start3A_508, %dma_start3A_517, %dma_start3A_518] : memref<4x2x128xi32, #tpu.memory_space<vmem>> -> memref<1x2x128xi32, #tpu.memory_space<vmem>>
        %dma_start3A_520 = tpu.memref_squeeze %dma_start3A_519 : memref<1x2x128xi32, #tpu.memory_space<vmem>> -> memref<2x128xi32, #tpu.memory_space<vmem>>
        %dma_start3A_521 = arith.constant 0 : i32
        %dma_start3A_522 = arith.constant 0 : i32
        %dma_start3A_523 = tpu.memref_slice %arg2[%add3A_507, %dma_start3A_521, %dma_start3A_522] : memref<2560x2x128xi32, #tpu.memory_space<hbm>> -> memref<1x2x128xi32, #tpu.memory_space<hbm>>
        %dma_start3A_524 = tpu.memref_squeeze %dma_start3A_523 : memref<1x2x128xi32, #tpu.memory_space<hbm>> -> memref<2x128xi32, #tpu.memory_space<hbm>>
        tpu.enqueue_dma source(%dma_start3A_524 : memref<2x128xi32, #tpu.memory_space<hbm>>) target(%dma_start3A_520 : memref<2x128xi32, #tpu.memory_space<vmem>>) target_semaphore(%arg17 : memref<!tpu.dma_semaphore, #tpu.memory_space<semaphore_mem>>)
      } else {
      }
      %add3A_293 = arith.constant 4 : i32
      %add3A_294 = arith.addi %add3A_283, %add3A_293 : i32
      %sub3A_295 = arith.constant 2 : i32
      %sub3A_296 = arith.subi %add3A_294, %sub3A_295 : i32
      %lt3A_297 = arith.constant 160 : i32
      %lt3A_298 = arith.cmpi slt, %sub3A_296, %lt3A_297 : i32
      %convert_element_type3A_299 = arith.extui %lt3A_298 : i1 to i32
      %cond3A_300 = arith.constant 0 : i32
      %cond3A_301 = arith.cmpi ne, %convert_element_type3A_299, %cond3A_300 : i32
      scf.if %cond3A_301 {
        %dma_wait3A_499 = arith.constant 3 : i32
        %dma_wait3A_500 = arith.constant 0 : i32
        %dma_wait3A_501 = arith.constant 0 : i32
        %dma_wait3A_502 = tpu.memref_slice %arg11[%dma_wait3A_499, %dma_wait3A_500, %dma_wait3A_501] : memref<4x2x128xi32, #tpu.memory_space<vmem>> -> memref<1x2x128xi32, #tpu.memory_space<vmem>>
        %dma_wait3A_503 = tpu.memref_squeeze %dma_wait3A_502 : memref<1x2x128xi32, #tpu.memory_space<vmem>> -> memref<2x128xi32, #tpu.memory_space<vmem>>
        %dma_wait3A_504 = arith.constant 0 : i32
        %dma_wait3A_505 = arith.constant 0 : i32
        %dma_wait3A_506 = tpu.memref_slice %arg2[%mul3A_9, %dma_wait3A_504, %dma_wait3A_505] : memref<2560x2x128xi32, #tpu.memory_space<hbm>> -> memref<1x2x128xi32, #tpu.memory_space<hbm>>
        %dma_wait3A_507 = tpu.memref_squeeze %dma_wait3A_506 : memref<1x2x128xi32, #tpu.memory_space<hbm>> -> memref<2x128xi32, #tpu.memory_space<hbm>>
        %dma_wait3A_508 = arith.constant 0 : i32
        %dma_wait3A_509 = arith.constant 0 : i32
        %dma_wait3A_510 = tpu.memref_slice %arg11[%dma_wait3A_499, %dma_wait3A_508, %dma_wait3A_509] : memref<4x2x128xi32, #tpu.memory_space<vmem>> -> memref<1x2x128xi32, #tpu.memory_space<vmem>>
        %dma_wait3A_511 = tpu.memref_squeeze %dma_wait3A_510 : memref<1x2x128xi32, #tpu.memory_space<vmem>> -> memref<2x128xi32, #tpu.memory_space<vmem>>
        %dma_wait3A_512 = arith.constant 0 : i32
        %dma_wait3A_513 = arith.constant 0 : i32
        %dma_wait3A_514 = tpu.memref_slice %arg2[%mul3A_9, %dma_wait3A_512, %dma_wait3A_513] : memref<2560x2x128xi32, #tpu.memory_space<hbm>> -> memref<1x2x128xi32, #tpu.memory_space<hbm>>
        %dma_wait3A_515 = tpu.memref_squeeze %dma_wait3A_514 : memref<1x2x128xi32, #tpu.memory_space<hbm>> -> memref<2x128xi32, #tpu.memory_space<hbm>>
        tpu.wait_dma2 semaphore(%arg20 : memref<!tpu.dma_semaphore, #tpu.memory_space<semaphore_mem>>) src(%dma_wait3A_515 : memref<2x128xi32, #tpu.memory_space<hbm>>) dst(%dma_wait3A_511 : memref<2x128xi32, #tpu.memory_space<vmem>>)
        %dma_start3A_516 = arith.constant 3 : i32
        %dma_start3A_517 = arith.constant 0 : i32
        %dma_start3A_518 = arith.constant 3 : i32
        %dma_start3A_519 = arith.constant 0 : i32
        %dma_start3A_520 = arith.constant 0 : i32
        %dma_start3A_521 = tpu.memref_slice %arg13[%dma_start3A_518, %dma_start3A_519, %dma_start3A_520] : memref<4x128x32xf32, #tpu.memory_space<vmem>> -> memref<1x64x32xf32, #tpu.memory_space<vmem>>
        %dma_start3A_522 = tpu.memref_squeeze %dma_start3A_521 : memref<1x64x32xf32, #tpu.memory_space<vmem>> -> memref<64x32xf32, #tpu.memory_space<vmem>>
        %dma_start3A_523 = arith.constant 0 : i32
        %dma_start3A_524 = tpu.memref_slice %arg11[%dma_start3A_516, %dma_start3A_517, %dma_start3A_523] : memref<4x2x128xi32, #tpu.memory_space<vmem>> -> memref<1x1x64xi32, #tpu.memory_space<vmem>>
        %dma_start3A_525 = tpu.memref_squeeze %dma_start3A_524 : memref<1x1x64xi32, #tpu.memory_space<vmem>> -> memref<64xi32, #tpu.memory_space<vmem>>
        %dma_start3A_526 = arith.constant 0 : i32
        %dma_start3A_527 = arith.constant 0 : i32
        %dma_start3A_528 = tpu.memref_slice %arg16[%dma_start3A_526, %dma_start3A_527] : memref<10112x32xf32, #tpu.memory_space<vmem_shared>> -> memref<10112x32xf32, #tpu.memory_space<vmem_shared>>
        tpu.enqueue_indirect_dma source(%dma_start3A_528 : memref<10112x32xf32, #tpu.memory_space<vmem_shared>>) target(%dma_start3A_522 : memref<64x32xf32, #tpu.memory_space<vmem>>) offsets(%dma_start3A_525 : memref<64xi32, #tpu.memory_space<vmem>>) semaphore(%arg24 : memref<!tpu.dma_semaphore, #tpu.memory_space<semaphore_mem>>)
        %dma_start3A_529 = arith.constant 3 : i32
        %dma_start3A_530 = arith.constant 0 : i32
        %dma_start3A_531 = arith.constant 3 : i32
        %dma_start3A_532 = arith.constant 64 : i32
        %dma_start3A_533 = arith.constant 0 : i32
        %dma_start3A_534 = tpu.memref_slice %arg13[%dma_start3A_531, %dma_start3A_532, %dma_start3A_533] : memref<4x128x32xf32, #tpu.memory_space<vmem>> -> memref<1x64x32xf32, #tpu.memory_space<vmem>>
        %dma_start3A_535 = tpu.memref_squeeze %dma_start3A_534 : memref<1x64x32xf32, #tpu.memory_space<vmem>> -> memref<64x32xf32, #tpu.memory_space<vmem>>
        %dma_start3A_536 = arith.constant 64 : i32
        %dma_start3A_537 = tpu.memref_slice %arg11[%dma_start3A_529, %dma_start3A_530, %dma_start3A_536] : memref<4x2x128xi32, #tpu.memory_space<vmem>> -> memref<1x1x64xi32, #tpu.memory_space<vmem>>
        %dma_start3A_538 = tpu.memref_squeeze %dma_start3A_537 : memref<1x1x64xi32, #tpu.memory_space<vmem>> -> memref<64xi32, #tpu.memory_space<vmem>>
        %dma_start3A_539 = arith.constant 0 : i32
        %dma_start3A_540 = arith.constant 0 : i32
        %dma_start3A_541 = tpu.memref_slice %arg16[%dma_start3A_539, %dma_start3A_540] : memref<10112x32xf32, #tpu.memory_space<vmem_shared>> -> memref<10112x32xf32, #tpu.memory_space<vmem_shared>>
        tpu.enqueue_indirect_dma source(%dma_start3A_541 : memref<10112x32xf32, #tpu.memory_space<vmem_shared>>) target(%dma_start3A_535 : memref<64x32xf32, #tpu.memory_space<vmem>>) offsets(%dma_start3A_538 : memref<64xi32, #tpu.memory_space<vmem>>) semaphore(%arg32 : memref<!tpu.dma_semaphore, #tpu.memory_space<semaphore_mem>>)
      } else {
      }
      %scan3A_302 = arith.constant 0 : i32
      %scan3A_303 = arith.constant 0 : i32
      %scan3A_304 = arith.constant 8 : i32
      %scan3A_305 = arith.addi %scan3A_303, %scan3A_304 : i32
      %scan3A_306 = arith.constant 1 : i32
      scf.for %scan3A_499 = %scan3A_303 to %scan3A_305 step %scan3A_306  : i32 {
        %mul3A_500 = arith.constant 16 : i32
        %mul3A_501 = arith.muli %scan3A_499, %mul3A_500 : i32
        %get3A = arith.constant 1 : i32
        %get3A_502 = arith.constant 0 : i32
        %get3A_503 = arith.index_cast %get3A : i32 to index
        %get3A_504 = arith.index_cast %get3A_502 : i32 to index
        %get3A_505 = arith.index_cast %mul3A_501 : i32 to index
        %get3A_506 = tpu.vector_load %arg11[%get3A_503, %get3A_504, %get3A_505] {strides = array<i32>} : memref<4x2x128xi32, #tpu.memory_space<vmem>>, vector<16xi32>,
        %get3A_507 = arith.constant 1 : i32
        %get3A_508 = arith.constant 1 : i32
        %get3A_509 = arith.index_cast %get3A_507 : i32 to index
        %get3A_510 = arith.index_cast %get3A_508 : i32 to index
        %get3A_511 = arith.index_cast %mul3A_501 : i32 to index
        %get3A_512 = tpu.vector_load %arg11[%get3A_509, %get3A_510, %get3A_511] {strides = array<i32>} : memref<4x2x128xi32, #tpu.memory_space<vmem>>, vector<16xi32>,
        %gather3A = tpu.vector_load_idx %arg9[%get3A_506] : memref<10112xf32, #tpu.memory_space<vmem>>[vector<16xi32>], vector<16xf32>,
        %gather3A_513 = tpu.vector_load_idx %arg10[%get3A_512] : memref<10112xf32, #tpu.memory_space<vmem>>[vector<16xi32>], vector<16xf32>,
        %add3A_514 = arith.addf %gather3A, %gather3A_513 : vector<16xf32>
        %ge3A = arith.constant 0.000000e+00 : f32
        %ge3A_515 = vector.broadcast %ge3A : f32 to vector<16xf32>
        %ge3A_516 = arith.cmpf oge, %add3A_514, %ge3A_515 : vector<16xf32>
        %mul3A_517 = arith.constant 2.000000e-01 : f32
        %mul3A_518 = vector.broadcast %mul3A_517 : f32 to vector<16xf32>
        %mul3A_519 = arith.mulf %add3A_514, %mul3A_518 : vector<16xf32>
        %select_n3A = arith.select %ge3A_516, %add3A_514, %mul3A_519 : vector<16xi1>, vector<16xf32>
        %exp3A = math.exp %select_n3A : vector<16xf32>
        %swap3A = arith.index_cast %mul3A_501 : i32 to index
        %swap3A_520 = tpu.vector_load %arg12[%swap3A] {strides = array<i32>} : memref<128xf32, #tpu.memory_space<vmem>>, vector<16xf32>,
        tpu.vector_store %arg12[%swap3A], %exp3A {strides = array<i32>} : memref<128xf32, #tpu.memory_space<vmem>>, vector<16xf32>,
        tpu.vector_store_idx %arg14[%get3A_512], %exp3A {add = true} : memref<10112xf32, #tpu.memory_space<vmem>>[vector<16xi32>], vector<16xf32>,
      }
      %scan3A_307 = arith.constant 8 : i32
      %dma_wait3A_308 = arith.constant 1 : i32
      %dma_wait3A_309 = arith.constant 0 : i32
      %dma_wait3A_310 = arith.constant 1 : i32
      %dma_wait3A_311 = arith.constant 0 : i32
      %dma_wait3A_312 = arith.constant 0 : i32
      %dma_wait3A_313 = tpu.memref_slice %arg13[%dma_wait3A_310, %dma_wait3A_311, %dma_wait3A_312] : memref<4x128x32xf32, #tpu.memory_space<vmem>> -> memref<1x64x32xf32, #tpu.memory_space<vmem>>
      %dma_wait3A_314 = tpu.memref_squeeze %dma_wait3A_313 : memref<1x64x32xf32, #tpu.memory_space<vmem>> -> memref<64x32xf32, #tpu.memory_space<vmem>>
      %dma_wait3A_315 = arith.constant 0 : i32
      %dma_wait3A_316 = tpu.memref_slice %arg11[%dma_wait3A_308, %dma_wait3A_309, %dma_wait3A_315] : memref<4x2x128xi32, #tpu.memory_space<vmem>> -> memref<1x1x64xi32, #tpu.memory_space<vmem>>
      %dma_wait3A_317 = tpu.memref_squeeze %dma_wait3A_316 : memref<1x1x64xi32, #tpu.memory_space<vmem>> -> memref<64xi32, #tpu.memory_space<vmem>>
      %dma_wait3A_318 = arith.constant 0 : i32
      %dma_wait3A_319 = arith.constant 0 : i32
      %dma_wait3A_320 = tpu.memref_slice %arg16[%dma_wait3A_318, %dma_wait3A_319] : memref<10112x32xf32, #tpu.memory_space<vmem_shared>> -> memref<10112x32xf32, #tpu.memory_space<vmem_shared>>
      tpu.wait_indirect_dma semaphore(%arg22 : memref<!tpu.dma_semaphore, #tpu.memory_space<semaphore_mem>>) src(%dma_wait3A_320 : memref<10112x32xf32, #tpu.memory_space<vmem_shared>>) dst(%dma_wait3A_314 : memref<64x32xf32, #tpu.memory_space<vmem>>)
      %dma_wait3A_321 = arith.constant 1 : i32
      %dma_wait3A_322 = arith.constant 0 : i32
      %dma_wait3A_323 = arith.constant 1 : i32
      %dma_wait3A_324 = arith.constant 64 : i32
      %dma_wait3A_325 = arith.constant 0 : i32
      %dma_wait3A_326 = tpu.memref_slice %arg13[%dma_wait3A_323, %dma_wait3A_324, %dma_wait3A_325] : memref<4x128x32xf32, #tpu.memory_space<vmem>> -> memref<1x64x32xf32, #tpu.memory_space<vmem>>
      %dma_wait3A_327 = tpu.memref_squeeze %dma_wait3A_326 : memref<1x64x32xf32, #tpu.memory_space<vmem>> -> memref<64x32xf32, #tpu.memory_space<vmem>>
      %dma_wait3A_328 = arith.constant 64 : i32
      %dma_wait3A_329 = tpu.memref_slice %arg11[%dma_wait3A_321, %dma_wait3A_322, %dma_wait3A_328] : memref<4x2x128xi32, #tpu.memory_space<vmem>> -> memref<1x1x64xi32, #tpu.memory_space<vmem>>
      %dma_wait3A_330 = tpu.memref_squeeze %dma_wait3A_329 : memref<1x1x64xi32, #tpu.memory_space<vmem>> -> memref<64xi32, #tpu.memory_space<vmem>>
      %dma_wait3A_331 = arith.constant 0 : i32
      %dma_wait3A_332 = arith.constant 0 : i32
      %dma_wait3A_333 = tpu.memref_slice %arg16[%dma_wait3A_331, %dma_wait3A_332] : memref<10112x32xf32, #tpu.memory_space<vmem_shared>> -> memref<10112x32xf32, #tpu.memory_space<vmem_shared>>
      tpu.wait_indirect_dma semaphore(%arg30 : memref<!tpu.dma_semaphore, #tpu.memory_space<semaphore_mem>>) src(%dma_wait3A_333 : memref<10112x32xf32, #tpu.memory_space<vmem_shared>>) dst(%dma_wait3A_327 : memref<64x32xf32, #tpu.memory_space<vmem>>)
      %scan3A_334 = arith.constant 0 : i32
      %scan3A_335 = arith.constant 0 : i32
      %scan3A_336 = arith.constant 64 : i32
      %scan3A_337 = arith.addi %scan3A_335, %scan3A_336 : i32
      %scan3A_338 = arith.constant 1 : i32
      scf.for %scan3A_499 = %scan3A_335 to %scan3A_337 step %scan3A_338  : i32 {
        %mul3A_500 = arith.constant 2 : i32
        %mul3A_501 = arith.muli %scan3A_499, %mul3A_500 : i32
        %add3A_502 = arith.constant 0 : i32
        %add3A_503 = arith.addi %mul3A_501, %add3A_502 : i32
        %broadcast_in_dim3A = vector.broadcast %add3A_503 : i32 to vector<16xi32>
        %gather3A = tpu.vector_load_idx %arg12[%broadcast_in_dim3A] : memref<128xf32, #tpu.memory_space<vmem>>[vector<16xi32>], vector<16xf32>,
        %mul3A_504 = arith.constant 2 : i32
        %mul3A_505 = arith.muli %scan3A_499, %mul3A_504 : i32
        %add3A_506 = arith.constant 0 : i32
        %add3A_507 = arith.addi %mul3A_505, %add3A_506 : i32
        %get3A = arith.constant 1 : i32
        %get3A_508 = arith.index_cast %get3A : i32 to index
        %get3A_509 = arith.index_cast %add3A_507 : i32 to index
        %get3A_510 = arith.constant 0 : index
        %get3A_511 = tpu.vector_load %arg13[%get3A_508, %get3A_509, %get3A_510] {strides = array<i32>} : memref<4x128x32xf32, #tpu.memory_space<vmem>>, vector<16xf32>,
        %mul3A_512 = arith.mulf %get3A_511, %gather3A : vector<16xf32>
        %mul3A_513 = arith.constant 2 : i32
        %mul3A_514 = arith.muli %scan3A_499, %mul3A_513 : i32
        %add3A_515 = arith.constant 0 : i32
        %add3A_516 = arith.addi %mul3A_514, %add3A_515 : i32
        %swap3A = arith.constant 1 : i32
        %swap3A_517 = arith.index_cast %swap3A : i32 to index
        %swap3A_518 = arith.index_cast %add3A_516 : i32 to index
        %swap3A_519 = arith.constant 0 : index
        %swap3A_520 = tpu.vector_load %arg13[%swap3A_517, %swap3A_518, %swap3A_519] {strides = array<i32>} : memref<4x128x32xf32, #tpu.memory_space<vmem>>, vector<16xf32>,
        tpu.vector_store %arg13[%swap3A_517, %swap3A_518, %swap3A_519], %mul3A_512 {strides = array<i32>} : memref<4x128x32xf32, #tpu.memory_space<vmem>>, vector<16xf32>,
        %mul3A_521 = arith.constant 2 : i32
        %mul3A_522 = arith.muli %scan3A_499, %mul3A_521 : i32
        %add3A_523 = arith.constant 0 : i32
        %add3A_524 = arith.addi %mul3A_522, %add3A_523 : i32
        %get3A_525 = arith.constant 1 : i32
        %get3A_526 = arith.index_cast %get3A_525 : i32 to index
        %get3A_527 = arith.index_cast %add3A_524 : i32 to index
        %get3A_528 = arith.constant 16 : index
        %get3A_529 = tpu.vector_load %arg13[%get3A_526, %get3A_527, %get3A_528] {strides = array<i32>} : memref<4x128x32xf32, #tpu.memory_space<vmem>>, vector<16xf32>,
        %mul3A_530 = arith.mulf %get3A_529, %gather3A : vector<16xf32>
        %mul3A_531 = arith.constant 2 : i32
        %mul3A_532 = arith.muli %scan3A_499, %mul3A_531 : i32
        %add3A_533 = arith.constant 0 : i32
        %add3A_534 = arith.addi %mul3A_532, %add3A_533 : i32
        %swap3A_535 = arith.constant 1 : i32
        %swap3A_536 = arith.index_cast %swap3A_535 : i32 to index
        %swap3A_537 = arith.index_cast %add3A_534 : i32 to index
        %swap3A_538 = arith.constant 16 : index
        %swap3A_539 = tpu.vector_load %arg13[%swap3A_536, %swap3A_537, %swap3A_538] {strides = array<i32>} : memref<4x128x32xf32, #tpu.memory_space<vmem>>, vector<16xf32>,
        tpu.vector_store %arg13[%swap3A_536, %swap3A_537, %swap3A_538], %mul3A_530 {strides = array<i32>} : memref<4x128x32xf32, #tpu.memory_space<vmem>>, vector<16xf32>,
        %mul3A_540 = arith.constant 2 : i32
        %mul3A_541 = arith.muli %scan3A_499, %mul3A_540 : i32
        %add3A_542 = arith.constant 1 : i32
        %add3A_543 = arith.addi %mul3A_541, %add3A_542 : i32
        %broadcast_in_dim3A_544 = vector.broadcast %add3A_543 : i32 to vector<16xi32>
        %gather3A_545 = tpu.vector_load_idx %arg12[%broadcast_in_dim3A_544] : memref<128xf32, #tpu.memory_space<vmem>>[vector<16xi32>], vector<16xf32>,
        %mul3A_546 = arith.constant 2 : i32
        %mul3A_547 = arith.muli %scan3A_499, %mul3A_546 : i32
        %add3A_548 = arith.constant 1 : i32
        %add3A_549 = arith.addi %mul3A_547, %add3A_548 : i32
        %get3A_550 = arith.constant 1 : i32
        %get3A_551 = arith.index_cast %get3A_550 : i32 to index
        %get3A_552 = arith.index_cast %add3A_549 : i32 to index
        %get3A_553 = arith.constant 0 : index
        %get3A_554 = tpu.vector_load %arg13[%get3A_551, %get3A_552, %get3A_553] {strides = array<i32>} : memref<4x128x32xf32, #tpu.memory_space<vmem>>, vector<16xf32>,
        %mul3A_555 = arith.mulf %get3A_554, %gather3A_545 : vector<16xf32>
        %mul3A_556 = arith.constant 2 : i32
        %mul3A_557 = arith.muli %scan3A_499, %mul3A_556 : i32
        %add3A_558 = arith.constant 1 : i32
        %add3A_559 = arith.addi %mul3A_557, %add3A_558 : i32
        %swap3A_560 = arith.constant 1 : i32
        %swap3A_561 = arith.index_cast %swap3A_560 : i32 to index
        %swap3A_562 = arith.index_cast %add3A_559 : i32 to index
        %swap3A_563 = arith.constant 0 : index
        %swap3A_564 = tpu.vector_load %arg13[%swap3A_561, %swap3A_562, %swap3A_563] {strides = array<i32>} : memref<4x128x32xf32, #tpu.memory_space<vmem>>, vector<16xf32>,
        tpu.vector_store %arg13[%swap3A_561, %swap3A_562, %swap3A_563], %mul3A_555 {strides = array<i32>} : memref<4x128x32xf32, #tpu.memory_space<vmem>>, vector<16xf32>,
        %mul3A_565 = arith.constant 2 : i32
        %mul3A_566 = arith.muli %scan3A_499, %mul3A_565 : i32
        %add3A_567 = arith.constant 1 : i32
        %add3A_568 = arith.addi %mul3A_566, %add3A_567 : i32
        %get3A_569 = arith.constant 1 : i32
        %get3A_570 = arith.index_cast %get3A_569 : i32 to index
        %get3A_571 = arith.index_cast %add3A_568 : i32 to index
        %get3A_572 = arith.constant 16 : index
        %get3A_573 = tpu.vector_load %arg13[%get3A_570, %get3A_571, %get3A_572] {strides = array<i32>} : memref<4x128x32xf32, #tpu.memory_space<vmem>>, vector<16xf32>,
        %mul3A_574 = arith.mulf %get3A_573, %gather3A_545 : vector<16xf32>
        %mul3A_575 = arith.constant 2 : i32
        %mul3A_576 = arith.muli %scan3A_499, %mul3A_575 : i32
        %add3A_577 = arith.constant 1 : i32
        %add3A_578 = arith.addi %mul3A_576, %add3A_577 : i32
        %swap3A_579 = arith.constant 1 : i32
        %swap3A_580 = arith.index_cast %swap3A_579 : i32 to index
        %swap3A_581 = arith.index_cast %add3A_578 : i32 to index
        %swap3A_582 = arith.constant 16 : index
        %swap3A_583 = tpu.vector_load %arg13[%swap3A_580, %swap3A_581, %swap3A_582] {strides = array<i32>} : memref<4x128x32xf32, #tpu.memory_space<vmem>>, vector<16xf32>,
        tpu.vector_store %arg13[%swap3A_580, %swap3A_581, %swap3A_582], %mul3A_574 {strides = array<i32>} : memref<4x128x32xf32, #tpu.memory_space<vmem>>, vector<16xf32>,
      }
      %scan3A_339 = arith.constant 64 : i32
      %dma_start3A_340 = arith.constant 1 : i32
      %dma_start3A_341 = arith.constant 1 : i32
      %dma_start3A_342 = arith.constant 1 : i32
      %dma_start3A_343 = arith.constant 0 : i32
      %dma_start3A_344 = arith.constant 0 : i32
      %dma_start3A_345 = tpu.memref_slice %arg13[%dma_start3A_340, %dma_start3A_343, %dma_start3A_344] : memref<4x128x32xf32, #tpu.memory_space<vmem>> -> memref<1x128x32xf32, #tpu.memory_space<vmem>>
      %dma_start3A_346 = tpu.memref_squeeze %dma_start3A_345 : memref<1x128x32xf32, #tpu.memory_space<vmem>> -> memref<128x32xf32, #tpu.memory_space<vmem>>
      %dma_start3A_347 = arith.constant 0 : i32
      %dma_start3A_348 = tpu.memref_slice %arg11[%dma_start3A_341, %dma_start3A_342, %dma_start3A_347] : memref<4x2x128xi32, #tpu.memory_space<vmem>> -> memref<1x1x128xi32, #tpu.memory_space<vmem>>
      %dma_start3A_349 = tpu.memref_squeeze %dma_start3A_348 : memref<1x1x128xi32, #tpu.memory_space<vmem>> -> memref<128xi32, #tpu.memory_space<vmem>>
      %dma_start3A_350 = arith.constant 0 : i32
      %dma_start3A_351 = arith.constant 0 : i32
      %dma_start3A_352 = tpu.memref_slice %arg15[%dma_start3A_350, %dma_start3A_351] : memref<10112x32xf32, #tpu.memory_space<vmem_shared>> -> memref<10112x32xf32, #tpu.memory_space<vmem_shared>>
      tpu.enqueue_indirect_dma source(%dma_start3A_346 : memref<128x32xf32, #tpu.memory_space<vmem>>) target(%dma_start3A_352 : memref<10112x32xf32, #tpu.memory_space<vmem_shared>>) offsets(%dma_start3A_349 : memref<128xi32, #tpu.memory_space<vmem>>) semaphore(%arg26 : memref<!tpu.dma_semaphore, #tpu.memory_space<semaphore_mem>>) {add = true}
      %mul3A_353 = arith.constant 4 : i32
      %mul3A_354 = arith.muli %scan3A_210, %mul3A_353 : i32
      %add3A_355 = arith.constant 2 : i32
      %add3A_356 = arith.addi %mul3A_354, %add3A_355 : i32
      %add3A_357 = arith.constant 4 : i32
      %add3A_358 = arith.addi %add3A_356, %add3A_357 : i32
      %sub3A_359 = arith.constant 1 : i32
      %sub3A_360 = arith.subi %add3A_358, %sub3A_359 : i32
      %lt3A_361 = arith.constant 160 : i32
      %lt3A_362 = arith.cmpi slt, %sub3A_360, %lt3A_361 : i32
      %convert_element_type3A_363 = arith.extui %lt3A_362 : i1 to i32
      %cond3A_364 = arith.constant 0 : i32
      %cond3A_365 = arith.cmpi ne, %convert_element_type3A_363, %cond3A_364 : i32
      scf.if %cond3A_365 {
        %ge3A = arith.constant 1 : i32
        %ge3A_499 = arith.cmpi sge, %add3A_356, %ge3A : i32
        %convert_element_type3A_500 = arith.extui %ge3A_499 : i1 to i32
        %cond3A_501 = arith.constant 0 : i32
        %cond3A_502 = arith.cmpi ne, %convert_element_type3A_500, %cond3A_501 : i32
        scf.if %cond3A_502 {
          %dma_wait3A_525 = arith.constant 1 : i32
          %dma_wait3A_526 = arith.constant 1 : i32
          %dma_wait3A_527 = arith.constant 1 : i32
          %dma_wait3A_528 = arith.constant 0 : i32
          %dma_wait3A_529 = arith.constant 0 : i32
          %dma_wait3A_530 = tpu.memref_slice %arg13[%dma_wait3A_525, %dma_wait3A_528, %dma_wait3A_529] : memref<4x128x32xf32, #tpu.memory_space<vmem>> -> memref<1x128x32xf32, #tpu.memory_space<vmem>>
          %dma_wait3A_531 = tpu.memref_squeeze %dma_wait3A_530 : memref<1x128x32xf32, #tpu.memory_space<vmem>> -> memref<128x32xf32, #tpu.memory_space<vmem>>
          %dma_wait3A_532 = arith.constant 0 : i32
          %dma_wait3A_533 = tpu.memref_slice %arg11[%dma_wait3A_526, %dma_wait3A_527, %dma_wait3A_532] : memref<4x2x128xi32, #tpu.memory_space<vmem>> -> memref<1x1x128xi32, #tpu.memory_space<vmem>>
          %dma_wait3A_534 = tpu.memref_squeeze %dma_wait3A_533 : memref<1x1x128xi32, #tpu.memory_space<vmem>> -> memref<128xi32, #tpu.memory_space<vmem>>
          %dma_wait3A_535 = arith.constant 0 : i32
          %dma_wait3A_536 = arith.constant 0 : i32
          %dma_wait3A_537 = tpu.memref_slice %arg15[%dma_wait3A_535, %dma_wait3A_536] : memref<10112x32xf32, #tpu.memory_space<vmem_shared>> -> memref<10112x32xf32, #tpu.memory_space<vmem_shared>>
          tpu.wait_indirect_dma semaphore(%arg26 : memref<!tpu.dma_semaphore, #tpu.memory_space<semaphore_mem>>) src(%dma_wait3A_531 : memref<128x32xf32, #tpu.memory_space<vmem>>) dst(%dma_wait3A_537 : memref<10112x32xf32, #tpu.memory_space<vmem_shared>>)
        } else {
        }
        %add3A_503 = arith.constant 4 : i32
        %add3A_504 = arith.addi %add3A_356, %add3A_503 : i32
        %sub3A_505 = arith.constant 1 : i32
        %sub3A_506 = arith.subi %add3A_504, %sub3A_505 : i32
        %add3A_507 = arith.addi %mul3A_9, %sub3A_506 : i32
        %dma_start3A_508 = arith.constant 1 : i32
        %dma_start3A_509 = arith.constant 0 : i32
        %dma_start3A_510 = arith.constant 0 : i32
        %dma_start3A_511 = tpu.memref_slice %arg11[%dma_start3A_508, %dma_start3A_509, %dma_start3A_510] : memref<4x2x128xi32, #tpu.memory_space<vmem>> -> memref<1x2x128xi32, #tpu.memory_space<vmem>>
        %dma_start3A_512 = tpu.memref_squeeze %dma_start3A_511 : memref<1x2x128xi32, #tpu.memory_space<vmem>> -> memref<2x128xi32, #tpu.memory_space<vmem>>
        %dma_start3A_513 = arith.constant 0 : i32
        %dma_start3A_514 = arith.constant 0 : i32
        %dma_start3A_515 = tpu.memref_slice %arg2[%add3A_507, %dma_start3A_513, %dma_start3A_514] : memref<2560x2x128xi32, #tpu.memory_space<hbm>> -> memref<1x2x128xi32, #tpu.memory_space<hbm>>
        %dma_start3A_516 = tpu.memref_squeeze %dma_start3A_515 : memref<1x2x128xi32, #tpu.memory_space<hbm>> -> memref<2x128xi32, #tpu.memory_space<hbm>>
        %dma_start3A_517 = arith.constant 0 : i32
        %dma_start3A_518 = arith.constant 0 : i32
        %dma_start3A_519 = tpu.memref_slice %arg11[%dma_start3A_508, %dma_start3A_517, %dma_start3A_518] : memref<4x2x128xi32, #tpu.memory_space<vmem>> -> memref<1x2x128xi32, #tpu.memory_space<vmem>>
        %dma_start3A_520 = tpu.memref_squeeze %dma_start3A_519 : memref<1x2x128xi32, #tpu.memory_space<vmem>> -> memref<2x128xi32, #tpu.memory_space<vmem>>
        %dma_start3A_521 = arith.constant 0 : i32
        %dma_start3A_522 = arith.constant 0 : i32
        %dma_start3A_523 = tpu.memref_slice %arg2[%add3A_507, %dma_start3A_521, %dma_start3A_522] : memref<2560x2x128xi32, #tpu.memory_space<hbm>> -> memref<1x2x128xi32, #tpu.memory_space<hbm>>
        %dma_start3A_524 = tpu.memref_squeeze %dma_start3A_523 : memref<1x2x128xi32, #tpu.memory_space<hbm>> -> memref<2x128xi32, #tpu.memory_space<hbm>>
        tpu.enqueue_dma source(%dma_start3A_524 : memref<2x128xi32, #tpu.memory_space<hbm>>) target(%dma_start3A_520 : memref<2x128xi32, #tpu.memory_space<vmem>>) target_semaphore(%arg18 : memref<!tpu.dma_semaphore, #tpu.memory_space<semaphore_mem>>)
      } else {
      }
      %add3A_366 = arith.constant 4 : i32
      %add3A_367 = arith.addi %add3A_356, %add3A_366 : i32
      %sub3A_368 = arith.constant 2 : i32
      %sub3A_369 = arith.subi %add3A_367, %sub3A_368 : i32
      %lt3A_370 = arith.constant 160 : i32
      %lt3A_371 = arith.cmpi slt, %sub3A_369, %lt3A_370 : i32
      %convert_element_type3A_372 = arith.extui %lt3A_371 : i1 to i32
      %cond3A_373 = arith.constant 0 : i32
      %cond3A_374 = arith.cmpi ne, %convert_element_type3A_372, %cond3A_373 : i32
      scf.if %cond3A_374 {
        %dma_wait3A_499 = arith.constant 0 : i32
        %dma_wait3A_500 = arith.constant 0 : i32
        %dma_wait3A_501 = arith.constant 0 : i32
        %dma_wait3A_502 = tpu.memref_slice %arg11[%dma_wait3A_499, %dma_wait3A_500, %dma_wait3A_501] : memref<4x2x128xi32, #tpu.memory_space<vmem>> -> memref<1x2x128xi32, #tpu.memory_space<vmem>>
        %dma_wait3A_503 = tpu.memref_squeeze %dma_wait3A_502 : memref<1x2x128xi32, #tpu.memory_space<vmem>> -> memref<2x128xi32, #tpu.memory_space<vmem>>
        %dma_wait3A_504 = arith.constant 0 : i32
        %dma_wait3A_505 = arith.constant 0 : i32
        %dma_wait3A_506 = tpu.memref_slice %arg2[%mul3A_9, %dma_wait3A_504, %dma_wait3A_505] : memref<2560x2x128xi32, #tpu.memory_space<hbm>> -> memref<1x2x128xi32, #tpu.memory_space<hbm>>
        %dma_wait3A_507 = tpu.memref_squeeze %dma_wait3A_506 : memref<1x2x128xi32, #tpu.memory_space<hbm>> -> memref<2x128xi32, #tpu.memory_space<hbm>>
        %dma_wait3A_508 = arith.constant 0 : i32
        %dma_wait3A_509 = arith.constant 0 : i32
        %dma_wait3A_510 = tpu.memref_slice %arg11[%dma_wait3A_499, %dma_wait3A_508, %dma_wait3A_509] : memref<4x2x128xi32, #tpu.memory_space<vmem>> -> memref<1x2x128xi32, #tpu.memory_space<vmem>>
        %dma_wait3A_511 = tpu.memref_squeeze %dma_wait3A_510 : memref<1x2x128xi32, #tpu.memory_space<vmem>> -> memref<2x128xi32, #tpu.memory_space<vmem>>
        %dma_wait3A_512 = arith.constant 0 : i32
        %dma_wait3A_513 = arith.constant 0 : i32
        %dma_wait3A_514 = tpu.memref_slice %arg2[%mul3A_9, %dma_wait3A_512, %dma_wait3A_513] : memref<2560x2x128xi32, #tpu.memory_space<hbm>> -> memref<1x2x128xi32, #tpu.memory_space<hbm>>
        %dma_wait3A_515 = tpu.memref_squeeze %dma_wait3A_514 : memref<1x2x128xi32, #tpu.memory_space<hbm>> -> memref<2x128xi32, #tpu.memory_space<hbm>>
        tpu.wait_dma2 semaphore(%arg17 : memref<!tpu.dma_semaphore, #tpu.memory_space<semaphore_mem>>) src(%dma_wait3A_515 : memref<2x128xi32, #tpu.memory_space<hbm>>) dst(%dma_wait3A_511 : memref<2x128xi32, #tpu.memory_space<vmem>>)
        %dma_start3A_516 = arith.constant 0 : i32
        %dma_start3A_517 = arith.constant 0 : i32
        %dma_start3A_518 = arith.constant 0 : i32
        %dma_start3A_519 = arith.constant 0 : i32
        %dma_start3A_520 = arith.constant 0 : i32
        %dma_start3A_521 = tpu.memref_slice %arg13[%dma_start3A_518, %dma_start3A_519, %dma_start3A_520] : memref<4x128x32xf32, #tpu.memory_space<vmem>> -> memref<1x64x32xf32, #tpu.memory_space<vmem>>
        %dma_start3A_522 = tpu.memref_squeeze %dma_start3A_521 : memref<1x64x32xf32, #tpu.memory_space<vmem>> -> memref<64x32xf32, #tpu.memory_space<vmem>>
        %dma_start3A_523 = arith.constant 0 : i32
        %dma_start3A_524 = tpu.memref_slice %arg11[%dma_start3A_516, %dma_start3A_517, %dma_start3A_523] : memref<4x2x128xi32, #tpu.memory_space<vmem>> -> memref<1x1x64xi32, #tpu.memory_space<vmem>>
        %dma_start3A_525 = tpu.memref_squeeze %dma_start3A_524 : memref<1x1x64xi32, #tpu.memory_space<vmem>> -> memref<64xi32, #tpu.memory_space<vmem>>
        %dma_start3A_526 = arith.constant 0 : i32
        %dma_start3A_527 = arith.constant 0 : i32
        %dma_start3A_528 = tpu.memref_slice %arg16[%dma_start3A_526, %dma_start3A_527] : memref<10112x32xf32, #tpu.memory_space<vmem_shared>> -> memref<10112x32xf32, #tpu.memory_space<vmem_shared>>
        tpu.enqueue_indirect_dma source(%dma_start3A_528 : memref<10112x32xf32, #tpu.memory_space<vmem_shared>>) target(%dma_start3A_522 : memref<64x32xf32, #tpu.memory_space<vmem>>) offsets(%dma_start3A_525 : memref<64xi32, #tpu.memory_space<vmem>>) semaphore(%arg21 : memref<!tpu.dma_semaphore, #tpu.memory_space<semaphore_mem>>)
        %dma_start3A_529 = arith.constant 0 : i32
        %dma_start3A_530 = arith.constant 0 : i32
        %dma_start3A_531 = arith.constant 0 : i32
        %dma_start3A_532 = arith.constant 64 : i32
        %dma_start3A_533 = arith.constant 0 : i32
        %dma_start3A_534 = tpu.memref_slice %arg13[%dma_start3A_531, %dma_start3A_532, %dma_start3A_533] : memref<4x128x32xf32, #tpu.memory_space<vmem>> -> memref<1x64x32xf32, #tpu.memory_space<vmem>>
        %dma_start3A_535 = tpu.memref_squeeze %dma_start3A_534 : memref<1x64x32xf32, #tpu.memory_space<vmem>> -> memref<64x32xf32, #tpu.memory_space<vmem>>
        %dma_start3A_536 = arith.constant 64 : i32
        %dma_start3A_537 = tpu.memref_slice %arg11[%dma_start3A_529, %dma_start3A_530, %dma_start3A_536] : memref<4x2x128xi32, #tpu.memory_space<vmem>> -> memref<1x1x64xi32, #tpu.memory_space<vmem>>
        %dma_start3A_538 = tpu.memref_squeeze %dma_start3A_537 : memref<1x1x64xi32, #tpu.memory_space<vmem>> -> memref<64xi32, #tpu.memory_space<vmem>>
        %dma_start3A_539 = arith.constant 0 : i32
        %dma_start3A_540 = arith.constant 0 : i32
        %dma_start3A_541 = tpu.memref_slice %arg16[%dma_start3A_539, %dma_start3A_540] : memref<10112x32xf32, #tpu.memory_space<vmem_shared>> -> memref<10112x32xf32, #tpu.memory_space<vmem_shared>>
        tpu.enqueue_indirect_dma source(%dma_start3A_541 : memref<10112x32xf32, #tpu.memory_space<vmem_shared>>) target(%dma_start3A_535 : memref<64x32xf32, #tpu.memory_space<vmem>>) offsets(%dma_start3A_538 : memref<64xi32, #tpu.memory_space<vmem>>) semaphore(%arg29 : memref<!tpu.dma_semaphore, #tpu.memory_space<semaphore_mem>>)
      } else {
      }
      %scan3A_375 = arith.constant 0 : i32
      %scan3A_376 = arith.constant 0 : i32
      %scan3A_377 = arith.constant 8 : i32
      %scan3A_378 = arith.addi %scan3A_376, %scan3A_377 : i32
      %scan3A_379 = arith.constant 1 : i32
      scf.for %scan3A_499 = %scan3A_376 to %scan3A_378 step %scan3A_379  : i32 {
        %mul3A_500 = arith.constant 16 : i32
        %mul3A_501 = arith.muli %scan3A_499, %mul3A_500 : i32
        %get3A = arith.constant 2 : i32
        %get3A_502 = arith.constant 0 : i32
        %get3A_503 = arith.index_cast %get3A : i32 to index
        %get3A_504 = arith.index_cast %get3A_502 : i32 to index
        %get3A_505 = arith.index_cast %mul3A_501 : i32 to index
        %get3A_506 = tpu.vector_load %arg11[%get3A_503, %get3A_504, %get3A_505] {strides = array<i32>} : memref<4x2x128xi32, #tpu.memory_space<vmem>>, vector<16xi32>,
        %get3A_507 = arith.constant 2 : i32
        %get3A_508 = arith.constant 1 : i32
        %get3A_509 = arith.index_cast %get3A_507 : i32 to index
        %get3A_510 = arith.index_cast %get3A_508 : i32 to index
        %get3A_511 = arith.index_cast %mul3A_501 : i32 to index
        %get3A_512 = tpu.vector_load %arg11[%get3A_509, %get3A_510, %get3A_511] {strides = array<i32>} : memref<4x2x128xi32, #tpu.memory_space<vmem>>, vector<16xi32>,
        %gather3A = tpu.vector_load_idx %arg9[%get3A_506] : memref<10112xf32, #tpu.memory_space<vmem>>[vector<16xi32>], vector<16xf32>,
        %gather3A_513 = tpu.vector_load_idx %arg10[%get3A_512] : memref<10112xf32, #tpu.memory_space<vmem>>[vector<16xi32>], vector<16xf32>,
        %add3A_514 = arith.addf %gather3A, %gather3A_513 : vector<16xf32>
        %ge3A = arith.constant 0.000000e+00 : f32
        %ge3A_515 = vector.broadcast %ge3A : f32 to vector<16xf32>
        %ge3A_516 = arith.cmpf oge, %add3A_514, %ge3A_515 : vector<16xf32>
        %mul3A_517 = arith.constant 2.000000e-01 : f32
        %mul3A_518 = vector.broadcast %mul3A_517 : f32 to vector<16xf32>
        %mul3A_519 = arith.mulf %add3A_514, %mul3A_518 : vector<16xf32>
        %select_n3A = arith.select %ge3A_516, %add3A_514, %mul3A_519 : vector<16xi1>, vector<16xf32>
        %exp3A = math.exp %select_n3A : vector<16xf32>
        %swap3A = arith.index_cast %mul3A_501 : i32 to index
        %swap3A_520 = tpu.vector_load %arg12[%swap3A] {strides = array<i32>} : memref<128xf32, #tpu.memory_space<vmem>>, vector<16xf32>,
        tpu.vector_store %arg12[%swap3A], %exp3A {strides = array<i32>} : memref<128xf32, #tpu.memory_space<vmem>>, vector<16xf32>,
        tpu.vector_store_idx %arg14[%get3A_512], %exp3A {add = true} : memref<10112xf32, #tpu.memory_space<vmem>>[vector<16xi32>], vector<16xf32>,
      }
      %scan3A_380 = arith.constant 8 : i32
      %dma_wait3A_381 = arith.constant 2 : i32
      %dma_wait3A_382 = arith.constant 0 : i32
      %dma_wait3A_383 = arith.constant 2 : i32
      %dma_wait3A_384 = arith.constant 0 : i32
      %dma_wait3A_385 = arith.constant 0 : i32
      %dma_wait3A_386 = tpu.memref_slice %arg13[%dma_wait3A_383, %dma_wait3A_384, %dma_wait3A_385] : memref<4x128x32xf32, #tpu.memory_space<vmem>> -> memref<1x64x32xf32, #tpu.memory_space<vmem>>
      %dma_wait3A_387 = tpu.memref_squeeze %dma_wait3A_386 : memref<1x64x32xf32, #tpu.memory_space<vmem>> -> memref<64x32xf32, #tpu.memory_space<vmem>>
      %dma_wait3A_388 = arith.constant 0 : i32
      %dma_wait3A_389 = tpu.memref_slice %arg11[%dma_wait3A_381, %dma_wait3A_382, %dma_wait3A_388] : memref<4x2x128xi32, #tpu.memory_space<vmem>> -> memref<1x1x64xi32, #tpu.memory_space<vmem>>
      %dma_wait3A_390 = tpu.memref_squeeze %dma_wait3A_389 : memref<1x1x64xi32, #tpu.memory_space<vmem>> -> memref<64xi32, #tpu.memory_space<vmem>>
      %dma_wait3A_391 = arith.constant 0 : i32
      %dma_wait3A_392 = arith.constant 0 : i32
      %dma_wait3A_393 = tpu.memref_slice %arg16[%dma_wait3A_391, %dma_wait3A_392] : memref<10112x32xf32, #tpu.memory_space<vmem_shared>> -> memref<10112x32xf32, #tpu.memory_space<vmem_shared>>
      tpu.wait_indirect_dma semaphore(%arg23 : memref<!tpu.dma_semaphore, #tpu.memory_space<semaphore_mem>>) src(%dma_wait3A_393 : memref<10112x32xf32, #tpu.memory_space<vmem_shared>>) dst(%dma_wait3A_387 : memref<64x32xf32, #tpu.memory_space<vmem>>)
      %dma_wait3A_394 = arith.constant 2 : i32
      %dma_wait3A_395 = arith.constant 0 : i32
      %dma_wait3A_396 = arith.constant 2 : i32
      %dma_wait3A_397 = arith.constant 64 : i32
      %dma_wait3A_398 = arith.constant 0 : i32
      %dma_wait3A_399 = tpu.memref_slice %arg13[%dma_wait3A_396, %dma_wait3A_397, %dma_wait3A_398] : memref<4x128x32xf32, #tpu.memory_space<vmem>> -> memref<1x64x32xf32, #tpu.memory_space<vmem>>
      %dma_wait3A_400 = tpu.memref_squeeze %dma_wait3A_399 : memref<1x64x32xf32, #tpu.memory_space<vmem>> -> memref<64x32xf32, #tpu.memory_space<vmem>>
      %dma_wait3A_401 = arith.constant 64 : i32
      %dma_wait3A_402 = tpu.memref_slice %arg11[%dma_wait3A_394, %dma_wait3A_395, %dma_wait3A_401] : memref<4x2x128xi32, #tpu.memory_space<vmem>> -> memref<1x1x64xi32, #tpu.memory_space<vmem>>
      %dma_wait3A_403 = tpu.memref_squeeze %dma_wait3A_402 : memref<1x1x64xi32, #tpu.memory_space<vmem>> -> memref<64xi32, #tpu.memory_space<vmem>>
      %dma_wait3A_404 = arith.constant 0 : i32
      %dma_wait3A_405 = arith.constant 0 : i32
      %dma_wait3A_406 = tpu.memref_slice %arg16[%dma_wait3A_404, %dma_wait3A_405] : memref<10112x32xf32, #tpu.memory_space<vmem_shared>> -> memref<10112x32xf32, #tpu.memory_space<vmem_shared>>
      tpu.wait_indirect_dma semaphore(%arg31 : memref<!tpu.dma_semaphore, #tpu.memory_space<semaphore_mem>>) src(%dma_wait3A_406 : memref<10112x32xf32, #tpu.memory_space<vmem_shared>>) dst(%dma_wait3A_400 : memref<64x32xf32, #tpu.memory_space<vmem>>)
      %scan3A_407 = arith.constant 0 : i32
      %scan3A_408 = arith.constant 0 : i32
      %scan3A_409 = arith.constant 64 : i32
      %scan3A_410 = arith.addi %scan3A_408, %scan3A_409 : i32
      %scan3A_411 = arith.constant 1 : i32
      scf.for %scan3A_499 = %scan3A_408 to %scan3A_410 step %scan3A_411  : i32 {
        %mul3A_500 = arith.constant 2 : i32
        %mul3A_501 = arith.muli %scan3A_499, %mul3A_500 : i32
        %add3A_502 = arith.constant 0 : i32
        %add3A_503 = arith.addi %mul3A_501, %add3A_502 : i32
        %broadcast_in_dim3A = vector.broadcast %add3A_503 : i32 to vector<16xi32>
        %gather3A = tpu.vector_load_idx %arg12[%broadcast_in_dim3A] : memref<128xf32, #tpu.memory_space<vmem>>[vector<16xi32>], vector<16xf32>,
        %mul3A_504 = arith.constant 2 : i32
        %mul3A_505 = arith.muli %scan3A_499, %mul3A_504 : i32
        %add3A_506 = arith.constant 0 : i32
        %add3A_507 = arith.addi %mul3A_505, %add3A_506 : i32
        %get3A = arith.constant 2 : i32
        %get3A_508 = arith.index_cast %get3A : i32 to index
        %get3A_509 = arith.index_cast %add3A_507 : i32 to index
        %get3A_510 = arith.constant 0 : index
        %get3A_511 = tpu.vector_load %arg13[%get3A_508, %get3A_509, %get3A_510] {strides = array<i32>} : memref<4x128x32xf32, #tpu.memory_space<vmem>>, vector<16xf32>,
        %mul3A_512 = arith.mulf %get3A_511, %gather3A : vector<16xf32>
        %mul3A_513 = arith.constant 2 : i32
        %mul3A_514 = arith.muli %scan3A_499, %mul3A_513 : i32
        %add3A_515 = arith.constant 0 : i32
        %add3A_516 = arith.addi %mul3A_514, %add3A_515 : i32
        %swap3A = arith.constant 2 : i32
        %swap3A_517 = arith.index_cast %swap3A : i32 to index
        %swap3A_518 = arith.index_cast %add3A_516 : i32 to index
        %swap3A_519 = arith.constant 0 : index
        %swap3A_520 = tpu.vector_load %arg13[%swap3A_517, %swap3A_518, %swap3A_519] {strides = array<i32>} : memref<4x128x32xf32, #tpu.memory_space<vmem>>, vector<16xf32>,
        tpu.vector_store %arg13[%swap3A_517, %swap3A_518, %swap3A_519], %mul3A_512 {strides = array<i32>} : memref<4x128x32xf32, #tpu.memory_space<vmem>>, vector<16xf32>,
        %mul3A_521 = arith.constant 2 : i32
        %mul3A_522 = arith.muli %scan3A_499, %mul3A_521 : i32
        %add3A_523 = arith.constant 0 : i32
        %add3A_524 = arith.addi %mul3A_522, %add3A_523 : i32
        %get3A_525 = arith.constant 2 : i32
        %get3A_526 = arith.index_cast %get3A_525 : i32 to index
        %get3A_527 = arith.index_cast %add3A_524 : i32 to index
        %get3A_528 = arith.constant 16 : index
        %get3A_529 = tpu.vector_load %arg13[%get3A_526, %get3A_527, %get3A_528] {strides = array<i32>} : memref<4x128x32xf32, #tpu.memory_space<vmem>>, vector<16xf32>,
        %mul3A_530 = arith.mulf %get3A_529, %gather3A : vector<16xf32>
        %mul3A_531 = arith.constant 2 : i32
        %mul3A_532 = arith.muli %scan3A_499, %mul3A_531 : i32
        %add3A_533 = arith.constant 0 : i32
        %add3A_534 = arith.addi %mul3A_532, %add3A_533 : i32
        %swap3A_535 = arith.constant 2 : i32
        %swap3A_536 = arith.index_cast %swap3A_535 : i32 to index
        %swap3A_537 = arith.index_cast %add3A_534 : i32 to index
        %swap3A_538 = arith.constant 16 : index
        %swap3A_539 = tpu.vector_load %arg13[%swap3A_536, %swap3A_537, %swap3A_538] {strides = array<i32>} : memref<4x128x32xf32, #tpu.memory_space<vmem>>, vector<16xf32>,
        tpu.vector_store %arg13[%swap3A_536, %swap3A_537, %swap3A_538], %mul3A_530 {strides = array<i32>} : memref<4x128x32xf32, #tpu.memory_space<vmem>>, vector<16xf32>,
        %mul3A_540 = arith.constant 2 : i32
        %mul3A_541 = arith.muli %scan3A_499, %mul3A_540 : i32
        %add3A_542 = arith.constant 1 : i32
        %add3A_543 = arith.addi %mul3A_541, %add3A_542 : i32
        %broadcast_in_dim3A_544 = vector.broadcast %add3A_543 : i32 to vector<16xi32>
        %gather3A_545 = tpu.vector_load_idx %arg12[%broadcast_in_dim3A_544] : memref<128xf32, #tpu.memory_space<vmem>>[vector<16xi32>], vector<16xf32>,
        %mul3A_546 = arith.constant 2 : i32
        %mul3A_547 = arith.muli %scan3A_499, %mul3A_546 : i32
        %add3A_548 = arith.constant 1 : i32
        %add3A_549 = arith.addi %mul3A_547, %add3A_548 : i32
        %get3A_550 = arith.constant 2 : i32
        %get3A_551 = arith.index_cast %get3A_550 : i32 to index
        %get3A_552 = arith.index_cast %add3A_549 : i32 to index
        %get3A_553 = arith.constant 0 : index
        %get3A_554 = tpu.vector_load %arg13[%get3A_551, %get3A_552, %get3A_553] {strides = array<i32>} : memref<4x128x32xf32, #tpu.memory_space<vmem>>, vector<16xf32>,
        %mul3A_555 = arith.mulf %get3A_554, %gather3A_545 : vector<16xf32>
        %mul3A_556 = arith.constant 2 : i32
        %mul3A_557 = arith.muli %scan3A_499, %mul3A_556 : i32
        %add3A_558 = arith.constant 1 : i32
        %add3A_559 = arith.addi %mul3A_557, %add3A_558 : i32
        %swap3A_560 = arith.constant 2 : i32
        %swap3A_561 = arith.index_cast %swap3A_560 : i32 to index
        %swap3A_562 = arith.index_cast %add3A_559 : i32 to index
        %swap3A_563 = arith.constant 0 : index
        %swap3A_564 = tpu.vector_load %arg13[%swap3A_561, %swap3A_562, %swap3A_563] {strides = array<i32>} : memref<4x128x32xf32, #tpu.memory_space<vmem>>, vector<16xf32>,
        tpu.vector_store %arg13[%swap3A_561, %swap3A_562, %swap3A_563], %mul3A_555 {strides = array<i32>} : memref<4x128x32xf32, #tpu.memory_space<vmem>>, vector<16xf32>,
        %mul3A_565 = arith.constant 2 : i32
        %mul3A_566 = arith.muli %scan3A_499, %mul3A_565 : i32
        %add3A_567 = arith.constant 1 : i32
        %add3A_568 = arith.addi %mul3A_566, %add3A_567 : i32
        %get3A_569 = arith.constant 2 : i32
        %get3A_570 = arith.index_cast %get3A_569 : i32 to index
        %get3A_571 = arith.index_cast %add3A_568 : i32 to index
        %get3A_572 = arith.constant 16 : index
        %get3A_573 = tpu.vector_load %arg13[%get3A_570, %get3A_571, %get3A_572] {strides = array<i32>} : memref<4x128x32xf32, #tpu.memory_space<vmem>>, vector<16xf32>,
        %mul3A_574 = arith.mulf %get3A_573, %gather3A_545 : vector<16xf32>
        %mul3A_575 = arith.constant 2 : i32
        %mul3A_576 = arith.muli %scan3A_499, %mul3A_575 : i32
        %add3A_577 = arith.constant 1 : i32
        %add3A_578 = arith.addi %mul3A_576, %add3A_577 : i32
        %swap3A_579 = arith.constant 2 : i32
        %swap3A_580 = arith.index_cast %swap3A_579 : i32 to index
        %swap3A_581 = arith.index_cast %add3A_578 : i32 to index
        %swap3A_582 = arith.constant 16 : index
        %swap3A_583 = tpu.vector_load %arg13[%swap3A_580, %swap3A_581, %swap3A_582] {strides = array<i32>} : memref<4x128x32xf32, #tpu.memory_space<vmem>>, vector<16xf32>,
        tpu.vector_store %arg13[%swap3A_580, %swap3A_581, %swap3A_582], %mul3A_574 {strides = array<i32>} : memref<4x128x32xf32, #tpu.memory_space<vmem>>, vector<16xf32>,
      }
      %scan3A_412 = arith.constant 64 : i32
      %dma_start3A_413 = arith.constant 2 : i32
      %dma_start3A_414 = arith.constant 2 : i32
      %dma_start3A_415 = arith.constant 1 : i32
      %dma_start3A_416 = arith.constant 0 : i32
      %dma_start3A_417 = arith.constant 0 : i32
      %dma_start3A_418 = tpu.memref_slice %arg13[%dma_start3A_413, %dma_start3A_416, %dma_start3A_417] : memref<4x128x32xf32, #tpu.memory_space<vmem>> -> memref<1x128x32xf32, #tpu.memory_space<vmem>>
      %dma_start3A_419 = tpu.memref_squeeze %dma_start3A_418 : memref<1x128x32xf32, #tpu.memory_space<vmem>> -> memref<128x32xf32, #tpu.memory_space<vmem>>
      %dma_start3A_420 = arith.constant 0 : i32
      %dma_start3A_421 = tpu.memref_slice %arg11[%dma_start3A_414, %dma_start3A_415, %dma_start3A_420] : memref<4x2x128xi32, #tpu.memory_space<vmem>> -> memref<1x1x128xi32, #tpu.memory_space<vmem>>
      %dma_start3A_422 = tpu.memref_squeeze %dma_start3A_421 : memref<1x1x128xi32, #tpu.memory_space<vmem>> -> memref<128xi32, #tpu.memory_space<vmem>>
      %dma_start3A_423 = arith.constant 0 : i32
      %dma_start3A_424 = arith.constant 0 : i32
      %dma_start3A_425 = tpu.memref_slice %arg15[%dma_start3A_423, %dma_start3A_424] : memref<10112x32xf32, #tpu.memory_space<vmem_shared>> -> memref<10112x32xf32, #tpu.memory_space<vmem_shared>>
      tpu.enqueue_indirect_dma source(%dma_start3A_419 : memref<128x32xf32, #tpu.memory_space<vmem>>) target(%dma_start3A_425 : memref<10112x32xf32, #tpu.memory_space<vmem_shared>>) offsets(%dma_start3A_422 : memref<128xi32, #tpu.memory_space<vmem>>) semaphore(%arg27 : memref<!tpu.dma_semaphore, #tpu.memory_space<semaphore_mem>>) {add = true}
      %mul3A_426 = arith.constant 4 : i32
      %mul3A_427 = arith.muli %scan3A_210, %mul3A_426 : i32
      %add3A_428 = arith.constant 3 : i32
      %add3A_429 = arith.addi %mul3A_427, %add3A_428 : i32
      %add3A_430 = arith.constant 4 : i32
      %add3A_431 = arith.addi %add3A_429, %add3A_430 : i32
      %sub3A_432 = arith.constant 1 : i32
      %sub3A_433 = arith.subi %add3A_431, %sub3A_432 : i32
      %lt3A_434 = arith.constant 160 : i32
      %lt3A_435 = arith.cmpi slt, %sub3A_433, %lt3A_434 : i32
      %convert_element_type3A_436 = arith.extui %lt3A_435 : i1 to i32
      %cond3A_437 = arith.constant 0 : i32
      %cond3A_438 = arith.cmpi ne, %convert_element_type3A_436, %cond3A_437 : i32
      scf.if %cond3A_438 {
        %ge3A = arith.constant 1 : i32
        %ge3A_499 = arith.cmpi sge, %add3A_429, %ge3A : i32
        %convert_element_type3A_500 = arith.extui %ge3A_499 : i1 to i32
        %cond3A_501 = arith.constant 0 : i32
        %cond3A_502 = arith.cmpi ne, %convert_element_type3A_500, %cond3A_501 : i32
        scf.if %cond3A_502 {
          %dma_wait3A_525 = arith.constant 2 : i32
          %dma_wait3A_526 = arith.constant 2 : i32
          %dma_wait3A_527 = arith.constant 1 : i32
          %dma_wait3A_528 = arith.constant 0 : i32
          %dma_wait3A_529 = arith.constant 0 : i32
          %dma_wait3A_530 = tpu.memref_slice %arg13[%dma_wait3A_525, %dma_wait3A_528, %dma_wait3A_529] : memref<4x128x32xf32, #tpu.memory_space<vmem>> -> memref<1x128x32xf32, #tpu.memory_space<vmem>>
          %dma_wait3A_531 = tpu.memref_squeeze %dma_wait3A_530 : memref<1x128x32xf32, #tpu.memory_space<vmem>> -> memref<128x32xf32, #tpu.memory_space<vmem>>
          %dma_wait3A_532 = arith.constant 0 : i32
          %dma_wait3A_533 = tpu.memref_slice %arg11[%dma_wait3A_526, %dma_wait3A_527, %dma_wait3A_532] : memref<4x2x128xi32, #tpu.memory_space<vmem>> -> memref<1x1x128xi32, #tpu.memory_space<vmem>>
          %dma_wait3A_534 = tpu.memref_squeeze %dma_wait3A_533 : memref<1x1x128xi32, #tpu.memory_space<vmem>> -> memref<128xi32, #tpu.memory_space<vmem>>
          %dma_wait3A_535 = arith.constant 0 : i32
          %dma_wait3A_536 = arith.constant 0 : i32
          %dma_wait3A_537 = tpu.memref_slice %arg15[%dma_wait3A_535, %dma_wait3A_536] : memref<10112x32xf32, #tpu.memory_space<vmem_shared>> -> memref<10112x32xf32, #tpu.memory_space<vmem_shared>>
          tpu.wait_indirect_dma semaphore(%arg27 : memref<!tpu.dma_semaphore, #tpu.memory_space<semaphore_mem>>) src(%dma_wait3A_531 : memref<128x32xf32, #tpu.memory_space<vmem>>) dst(%dma_wait3A_537 : memref<10112x32xf32, #tpu.memory_space<vmem_shared>>)
        } else {
        }
        %add3A_503 = arith.constant 4 : i32
        %add3A_504 = arith.addi %add3A_429, %add3A_503 : i32
        %sub3A_505 = arith.constant 1 : i32
        %sub3A_506 = arith.subi %add3A_504, %sub3A_505 : i32
        %add3A_507 = arith.addi %mul3A_9, %sub3A_506 : i32
        %dma_start3A_508 = arith.constant 2 : i32
        %dma_start3A_509 = arith.constant 0 : i32
        %dma_start3A_510 = arith.constant 0 : i32
        %dma_start3A_511 = tpu.memref_slice %arg11[%dma_start3A_508, %dma_start3A_509, %dma_start3A_510] : memref<4x2x128xi32, #tpu.memory_space<vmem>> -> memref<1x2x128xi32, #tpu.memory_space<vmem>>
        %dma_start3A_512 = tpu.memref_squeeze %dma_start3A_511 : memref<1x2x128xi32, #tpu.memory_space<vmem>> -> memref<2x128xi32, #tpu.memory_space<vmem>>
        %dma_start3A_513 = arith.constant 0 : i32
        %dma_start3A_514 = arith.constant 0 : i32
        %dma_start3A_515 = tpu.memref_slice %arg2[%add3A_507, %dma_start3A_513, %dma_start3A_514] : memref<2560x2x128xi32, #tpu.memory_space<hbm>> -> memref<1x2x128xi32, #tpu.memory_space<hbm>>
        %dma_start3A_516 = tpu.memref_squeeze %dma_start3A_515 : memref<1x2x128xi32, #tpu.memory_space<hbm>> -> memref<2x128xi32, #tpu.memory_space<hbm>>
        %dma_start3A_517 = arith.constant 0 : i32
        %dma_start3A_518 = arith.constant 0 : i32
        %dma_start3A_519 = tpu.memref_slice %arg11[%dma_start3A_508, %dma_start3A_517, %dma_start3A_518] : memref<4x2x128xi32, #tpu.memory_space<vmem>> -> memref<1x2x128xi32, #tpu.memory_space<vmem>>
        %dma_start3A_520 = tpu.memref_squeeze %dma_start3A_519 : memref<1x2x128xi32, #tpu.memory_space<vmem>> -> memref<2x128xi32, #tpu.memory_space<vmem>>
        %dma_start3A_521 = arith.constant 0 : i32
        %dma_start3A_522 = arith.constant 0 : i32
        %dma_start3A_523 = tpu.memref_slice %arg2[%add3A_507, %dma_start3A_521, %dma_start3A_522] : memref<2560x2x128xi32, #tpu.memory_space<hbm>> -> memref<1x2x128xi32, #tpu.memory_space<hbm>>
        %dma_start3A_524 = tpu.memref_squeeze %dma_start3A_523 : memref<1x2x128xi32, #tpu.memory_space<hbm>> -> memref<2x128xi32, #tpu.memory_space<hbm>>
        tpu.enqueue_dma source(%dma_start3A_524 : memref<2x128xi32, #tpu.memory_space<hbm>>) target(%dma_start3A_520 : memref<2x128xi32, #tpu.memory_space<vmem>>) target_semaphore(%arg19 : memref<!tpu.dma_semaphore, #tpu.memory_space<semaphore_mem>>)
      } else {
      }
      %add3A_439 = arith.constant 4 : i32
      %add3A_440 = arith.addi %add3A_429, %add3A_439 : i32
      %sub3A_441 = arith.constant 2 : i32
      %sub3A_442 = arith.subi %add3A_440, %sub3A_441 : i32
      %lt3A_443 = arith.constant 160 : i32
      %lt3A_444 = arith.cmpi slt, %sub3A_442, %lt3A_443 : i32
      %convert_element_type3A_445 = arith.extui %lt3A_444 : i1 to i32
      %cond3A_446 = arith.constant 0 : i32
      %cond3A_447 = arith.cmpi ne, %convert_element_type3A_445, %cond3A_446 : i32
      scf.if %cond3A_447 {
        %dma_wait3A_499 = arith.constant 1 : i32
        %dma_wait3A_500 = arith.constant 0 : i32
        %dma_wait3A_501 = arith.constant 0 : i32
        %dma_wait3A_502 = tpu.memref_slice %arg11[%dma_wait3A_499, %dma_wait3A_500, %dma_wait3A_501] : memref<4x2x128xi32, #tpu.memory_space<vmem>> -> memref<1x2x128xi32, #tpu.memory_space<vmem>>
        %dma_wait3A_503 = tpu.memref_squeeze %dma_wait3A_502 : memref<1x2x128xi32, #tpu.memory_space<vmem>> -> memref<2x128xi32, #tpu.memory_space<vmem>>
        %dma_wait3A_504 = arith.constant 0 : i32
        %dma_wait3A_505 = arith.constant 0 : i32
        %dma_wait3A_506 = tpu.memref_slice %arg2[%mul3A_9, %dma_wait3A_504, %dma_wait3A_505] : memref<2560x2x128xi32, #tpu.memory_space<hbm>> -> memref<1x2x128xi32, #tpu.memory_space<hbm>>
        %dma_wait3A_507 = tpu.memref_squeeze %dma_wait3A_506 : memref<1x2x128xi32, #tpu.memory_space<hbm>> -> memref<2x128xi32, #tpu.memory_space<hbm>>
        %dma_wait3A_508 = arith.constant 0 : i32
        %dma_wait3A_509 = arith.constant 0 : i32
        %dma_wait3A_510 = tpu.memref_slice %arg11[%dma_wait3A_499, %dma_wait3A_508, %dma_wait3A_509] : memref<4x2x128xi32, #tpu.memory_space<vmem>> -> memref<1x2x128xi32, #tpu.memory_space<vmem>>
        %dma_wait3A_511 = tpu.memref_squeeze %dma_wait3A_510 : memref<1x2x128xi32, #tpu.memory_space<vmem>> -> memref<2x128xi32, #tpu.memory_space<vmem>>
        %dma_wait3A_512 = arith.constant 0 : i32
        %dma_wait3A_513 = arith.constant 0 : i32
        %dma_wait3A_514 = tpu.memref_slice %arg2[%mul3A_9, %dma_wait3A_512, %dma_wait3A_513] : memref<2560x2x128xi32, #tpu.memory_space<hbm>> -> memref<1x2x128xi32, #tpu.memory_space<hbm>>
        %dma_wait3A_515 = tpu.memref_squeeze %dma_wait3A_514 : memref<1x2x128xi32, #tpu.memory_space<hbm>> -> memref<2x128xi32, #tpu.memory_space<hbm>>
        tpu.wait_dma2 semaphore(%arg18 : memref<!tpu.dma_semaphore, #tpu.memory_space<semaphore_mem>>) src(%dma_wait3A_515 : memref<2x128xi32, #tpu.memory_space<hbm>>) dst(%dma_wait3A_511 : memref<2x128xi32, #tpu.memory_space<vmem>>)
        %dma_start3A_516 = arith.constant 1 : i32
        %dma_start3A_517 = arith.constant 0 : i32
        %dma_start3A_518 = arith.constant 1 : i32
        %dma_start3A_519 = arith.constant 0 : i32
        %dma_start3A_520 = arith.constant 0 : i32
        %dma_start3A_521 = tpu.memref_slice %arg13[%dma_start3A_518, %dma_start3A_519, %dma_start3A_520] : memref<4x128x32xf32, #tpu.memory_space<vmem>> -> memref<1x64x32xf32, #tpu.memory_space<vmem>>
        %dma_start3A_522 = tpu.memref_squeeze %dma_start3A_521 : memref<1x64x32xf32, #tpu.memory_space<vmem>> -> memref<64x32xf32, #tpu.memory_space<vmem>>
        %dma_start3A_523 = arith.constant 0 : i32
        %dma_start3A_524 = tpu.memref_slice %arg11[%dma_start3A_516, %dma_start3A_517, %dma_start3A_523] : memref<4x2x128xi32, #tpu.memory_space<vmem>> -> memref<1x1x64xi32, #tpu.memory_space<vmem>>
        %dma_start3A_525 = tpu.memref_squeeze %dma_start3A_524 : memref<1x1x64xi32, #tpu.memory_space<vmem>> -> memref<64xi32, #tpu.memory_space<vmem>>
        %dma_start3A_526 = arith.constant 0 : i32
        %dma_start3A_527 = arith.constant 0 : i32
        %dma_start3A_528 = tpu.memref_slice %arg16[%dma_start3A_526, %dma_start3A_527] : memref<10112x32xf32, #tpu.memory_space<vmem_shared>> -> memref<10112x32xf32, #tpu.memory_space<vmem_shared>>
        tpu.enqueue_indirect_dma source(%dma_start3A_528 : memref<10112x32xf32, #tpu.memory_space<vmem_shared>>) target(%dma_start3A_522 : memref<64x32xf32, #tpu.memory_space<vmem>>) offsets(%dma_start3A_525 : memref<64xi32, #tpu.memory_space<vmem>>) semaphore(%arg22 : memref<!tpu.dma_semaphore, #tpu.memory_space<semaphore_mem>>)
        %dma_start3A_529 = arith.constant 1 : i32
        %dma_start3A_530 = arith.constant 0 : i32
        %dma_start3A_531 = arith.constant 1 : i32
        %dma_start3A_532 = arith.constant 64 : i32
        %dma_start3A_533 = arith.constant 0 : i32
        %dma_start3A_534 = tpu.memref_slice %arg13[%dma_start3A_531, %dma_start3A_532, %dma_start3A_533] : memref<4x128x32xf32, #tpu.memory_space<vmem>> -> memref<1x64x32xf32, #tpu.memory_space<vmem>>
        %dma_start3A_535 = tpu.memref_squeeze %dma_start3A_534 : memref<1x64x32xf32, #tpu.memory_space<vmem>> -> memref<64x32xf32, #tpu.memory_space<vmem>>
        %dma_start3A_536 = arith.constant 64 : i32
        %dma_start3A_537 = tpu.memref_slice %arg11[%dma_start3A_529, %dma_start3A_530, %dma_start3A_536] : memref<4x2x128xi32, #tpu.memory_space<vmem>> -> memref<1x1x64xi32, #tpu.memory_space<vmem>>
        %dma_start3A_538 = tpu.memref_squeeze %dma_start3A_537 : memref<1x1x64xi32, #tpu.memory_space<vmem>> -> memref<64xi32, #tpu.memory_space<vmem>>
        %dma_start3A_539 = arith.constant 0 : i32
        %dma_start3A_540 = arith.constant 0 : i32
        %dma_start3A_541 = tpu.memref_slice %arg16[%dma_start3A_539, %dma_start3A_540] : memref<10112x32xf32, #tpu.memory_space<vmem_shared>> -> memref<10112x32xf32, #tpu.memory_space<vmem_shared>>
        tpu.enqueue_indirect_dma source(%dma_start3A_541 : memref<10112x32xf32, #tpu.memory_space<vmem_shared>>) target(%dma_start3A_535 : memref<64x32xf32, #tpu.memory_space<vmem>>) offsets(%dma_start3A_538 : memref<64xi32, #tpu.memory_space<vmem>>) semaphore(%arg30 : memref<!tpu.dma_semaphore, #tpu.memory_space<semaphore_mem>>)
      } else {
      }
      %scan3A_448 = arith.constant 0 : i32
      %scan3A_449 = arith.constant 0 : i32
      %scan3A_450 = arith.constant 8 : i32
      %scan3A_451 = arith.addi %scan3A_449, %scan3A_450 : i32
      %scan3A_452 = arith.constant 1 : i32
      scf.for %scan3A_499 = %scan3A_449 to %scan3A_451 step %scan3A_452  : i32 {
        %mul3A_500 = arith.constant 16 : i32
        %mul3A_501 = arith.muli %scan3A_499, %mul3A_500 : i32
        %get3A = arith.constant 3 : i32
        %get3A_502 = arith.constant 0 : i32
        %get3A_503 = arith.index_cast %get3A : i32 to index
        %get3A_504 = arith.index_cast %get3A_502 : i32 to index
        %get3A_505 = arith.index_cast %mul3A_501 : i32 to index
        %get3A_506 = tpu.vector_load %arg11[%get3A_503, %get3A_504, %get3A_505] {strides = array<i32>} : memref<4x2x128xi32, #tpu.memory_space<vmem>>, vector<16xi32>,
        %get3A_507 = arith.constant 3 : i32
        %get3A_508 = arith.constant 1 : i32
        %get3A_509 = arith.index_cast %get3A_507 : i32 to index
        %get3A_510 = arith.index_cast %get3A_508 : i32 to index
        %get3A_511 = arith.index_cast %mul3A_501 : i32 to index
        %get3A_512 = tpu.vector_load %arg11[%get3A_509, %get3A_510, %get3A_511] {strides = array<i32>} : memref<4x2x128xi32, #tpu.memory_space<vmem>>, vector<16xi32>,
        %gather3A = tpu.vector_load_idx %arg9[%get3A_506] : memref<10112xf32, #tpu.memory_space<vmem>>[vector<16xi32>], vector<16xf32>,
        %gather3A_513 = tpu.vector_load_idx %arg10[%get3A_512] : memref<10112xf32, #tpu.memory_space<vmem>>[vector<16xi32>], vector<16xf32>,
        %add3A_514 = arith.addf %gather3A, %gather3A_513 : vector<16xf32>
        %ge3A = arith.constant 0.000000e+00 : f32
        %ge3A_515 = vector.broadcast %ge3A : f32 to vector<16xf32>
        %ge3A_516 = arith.cmpf oge, %add3A_514, %ge3A_515 : vector<16xf32>
        %mul3A_517 = arith.constant 2.000000e-01 : f32
        %mul3A_518 = vector.broadcast %mul3A_517 : f32 to vector<16xf32>
        %mul3A_519 = arith.mulf %add3A_514, %mul3A_518 : vector<16xf32>
        %select_n3A = arith.select %ge3A_516, %add3A_514, %mul3A_519 : vector<16xi1>, vector<16xf32>
        %exp3A = math.exp %select_n3A : vector<16xf32>
        %swap3A = arith.index_cast %mul3A_501 : i32 to index
        %swap3A_520 = tpu.vector_load %arg12[%swap3A] {strides = array<i32>} : memref<128xf32, #tpu.memory_space<vmem>>, vector<16xf32>,
        tpu.vector_store %arg12[%swap3A], %exp3A {strides = array<i32>} : memref<128xf32, #tpu.memory_space<vmem>>, vector<16xf32>,
        tpu.vector_store_idx %arg14[%get3A_512], %exp3A {add = true} : memref<10112xf32, #tpu.memory_space<vmem>>[vector<16xi32>], vector<16xf32>,
      }
      %scan3A_453 = arith.constant 8 : i32
      %dma_wait3A_454 = arith.constant 3 : i32
      %dma_wait3A_455 = arith.constant 0 : i32
      %dma_wait3A_456 = arith.constant 3 : i32
      %dma_wait3A_457 = arith.constant 0 : i32
      %dma_wait3A_458 = arith.constant 0 : i32
      %dma_wait3A_459 = tpu.memref_slice %arg13[%dma_wait3A_456, %dma_wait3A_457, %dma_wait3A_458] : memref<4x128x32xf32, #tpu.memory_space<vmem>> -> memref<1x64x32xf32, #tpu.memory_space<vmem>>
      %dma_wait3A_460 = tpu.memref_squeeze %dma_wait3A_459 : memref<1x64x32xf32, #tpu.memory_space<vmem>> -> memref<64x32xf32, #tpu.memory_space<vmem>>
      %dma_wait3A_461 = arith.constant 0 : i32
      %dma_wait3A_462 = tpu.memref_slice %arg11[%dma_wait3A_454, %dma_wait3A_455, %dma_wait3A_461] : memref<4x2x128xi32, #tpu.memory_space<vmem>> -> memref<1x1x64xi32, #tpu.memory_space<vmem>>
      %dma_wait3A_463 = tpu.memref_squeeze %dma_wait3A_462 : memref<1x1x64xi32, #tpu.memory_space<vmem>> -> memref<64xi32, #tpu.memory_space<vmem>>
      %dma_wait3A_464 = arith.constant 0 : i32
      %dma_wait3A_465 = arith.constant 0 : i32
      %dma_wait3A_466 = tpu.memref_slice %arg16[%dma_wait3A_464, %dma_wait3A_465] : memref<10112x32xf32, #tpu.memory_space<vmem_shared>> -> memref<10112x32xf32, #tpu.memory_space<vmem_shared>>
      tpu.wait_indirect_dma semaphore(%arg24 : memref<!tpu.dma_semaphore, #tpu.memory_space<semaphore_mem>>) src(%dma_wait3A_466 : memref<10112x32xf32, #tpu.memory_space<vmem_shared>>) dst(%dma_wait3A_460 : memref<64x32xf32, #tpu.memory_space<vmem>>)
      %dma_wait3A_467 = arith.constant 3 : i32
      %dma_wait3A_468 = arith.constant 0 : i32
      %dma_wait3A_469 = arith.constant 3 : i32
      %dma_wait3A_470 = arith.constant 64 : i32
      %dma_wait3A_471 = arith.constant 0 : i32
      %dma_wait3A_472 = tpu.memref_slice %arg13[%dma_wait3A_469, %dma_wait3A_470, %dma_wait3A_471] : memref<4x128x32xf32, #tpu.memory_space<vmem>> -> memref<1x64x32xf32, #tpu.memory_space<vmem>>
      %dma_wait3A_473 = tpu.memref_squeeze %dma_wait3A_472 : memref<1x64x32xf32, #tpu.memory_space<vmem>> -> memref<64x32xf32, #tpu.memory_space<vmem>>
      %dma_wait3A_474 = arith.constant 64 : i32
      %dma_wait3A_475 = tpu.memref_slice %arg11[%dma_wait3A_467, %dma_wait3A_468, %dma_wait3A_474] : memref<4x2x128xi32, #tpu.memory_space<vmem>> -> memref<1x1x64xi32, #tpu.memory_space<vmem>>
      %dma_wait3A_476 = tpu.memref_squeeze %dma_wait3A_475 : memref<1x1x64xi32, #tpu.memory_space<vmem>> -> memref<64xi32, #tpu.memory_space<vmem>>
      %dma_wait3A_477 = arith.constant 0 : i32
      %dma_wait3A_478 = arith.constant 0 : i32
      %dma_wait3A_479 = tpu.memref_slice %arg16[%dma_wait3A_477, %dma_wait3A_478] : memref<10112x32xf32, #tpu.memory_space<vmem_shared>> -> memref<10112x32xf32, #tpu.memory_space<vmem_shared>>
      tpu.wait_indirect_dma semaphore(%arg32 : memref<!tpu.dma_semaphore, #tpu.memory_space<semaphore_mem>>) src(%dma_wait3A_479 : memref<10112x32xf32, #tpu.memory_space<vmem_shared>>) dst(%dma_wait3A_473 : memref<64x32xf32, #tpu.memory_space<vmem>>)
      %scan3A_480 = arith.constant 0 : i32
      %scan3A_481 = arith.constant 0 : i32
      %scan3A_482 = arith.constant 64 : i32
      %scan3A_483 = arith.addi %scan3A_481, %scan3A_482 : i32
      %scan3A_484 = arith.constant 1 : i32
      scf.for %scan3A_499 = %scan3A_481 to %scan3A_483 step %scan3A_484  : i32 {
        %mul3A_500 = arith.constant 2 : i32
        %mul3A_501 = arith.muli %scan3A_499, %mul3A_500 : i32
        %add3A_502 = arith.constant 0 : i32
        %add3A_503 = arith.addi %mul3A_501, %add3A_502 : i32
        %broadcast_in_dim3A = vector.broadcast %add3A_503 : i32 to vector<16xi32>
        %gather3A = tpu.vector_load_idx %arg12[%broadcast_in_dim3A] : memref<128xf32, #tpu.memory_space<vmem>>[vector<16xi32>], vector<16xf32>,
        %mul3A_504 = arith.constant 2 : i32
        %mul3A_505 = arith.muli %scan3A_499, %mul3A_504 : i32
        %add3A_506 = arith.constant 0 : i32
        %add3A_507 = arith.addi %mul3A_505, %add3A_506 : i32
        %get3A = arith.constant 3 : i32
        %get3A_508 = arith.index_cast %get3A : i32 to index
        %get3A_509 = arith.index_cast %add3A_507 : i32 to index
        %get3A_510 = arith.constant 0 : index
        %get3A_511 = tpu.vector_load %arg13[%get3A_508, %get3A_509, %get3A_510] {strides = array<i32>} : memref<4x128x32xf32, #tpu.memory_space<vmem>>, vector<16xf32>,
        %mul3A_512 = arith.mulf %get3A_511, %gather3A : vector<16xf32>
        %mul3A_513 = arith.constant 2 : i32
        %mul3A_514 = arith.muli %scan3A_499, %mul3A_513 : i32
        %add3A_515 = arith.constant 0 : i32
        %add3A_516 = arith.addi %mul3A_514, %add3A_515 : i32
        %swap3A = arith.constant 3 : i32
        %swap3A_517 = arith.index_cast %swap3A : i32 to index
        %swap3A_518 = arith.index_cast %add3A_516 : i32 to index
        %swap3A_519 = arith.constant 0 : index
        %swap3A_520 = tpu.vector_load %arg13[%swap3A_517, %swap3A_518, %swap3A_519] {strides = array<i32>} : memref<4x128x32xf32, #tpu.memory_space<vmem>>, vector<16xf32>,
        tpu.vector_store %arg13[%swap3A_517, %swap3A_518, %swap3A_519], %mul3A_512 {strides = array<i32>} : memref<4x128x32xf32, #tpu.memory_space<vmem>>, vector<16xf32>,
        %mul3A_521 = arith.constant 2 : i32
        %mul3A_522 = arith.muli %scan3A_499, %mul3A_521 : i32
        %add3A_523 = arith.constant 0 : i32
        %add3A_524 = arith.addi %mul3A_522, %add3A_523 : i32
        %get3A_525 = arith.constant 3 : i32
        %get3A_526 = arith.index_cast %get3A_525 : i32 to index
        %get3A_527 = arith.index_cast %add3A_524 : i32 to index
        %get3A_528 = arith.constant 16 : index
        %get3A_529 = tpu.vector_load %arg13[%get3A_526, %get3A_527, %get3A_528] {strides = array<i32>} : memref<4x128x32xf32, #tpu.memory_space<vmem>>, vector<16xf32>,
        %mul3A_530 = arith.mulf %get3A_529, %gather3A : vector<16xf32>
        %mul3A_531 = arith.constant 2 : i32
        %mul3A_532 = arith.muli %scan3A_499, %mul3A_531 : i32
        %add3A_533 = arith.constant 0 : i32
        %add3A_534 = arith.addi %mul3A_532, %add3A_533 : i32
        %swap3A_535 = arith.constant 3 : i32
        %swap3A_536 = arith.index_cast %swap3A_535 : i32 to index
        %swap3A_537 = arith.index_cast %add3A_534 : i32 to index
        %swap3A_538 = arith.constant 16 : index
        %swap3A_539 = tpu.vector_load %arg13[%swap3A_536, %swap3A_537, %swap3A_538] {strides = array<i32>} : memref<4x128x32xf32, #tpu.memory_space<vmem>>, vector<16xf32>,
        tpu.vector_store %arg13[%swap3A_536, %swap3A_537, %swap3A_538], %mul3A_530 {strides = array<i32>} : memref<4x128x32xf32, #tpu.memory_space<vmem>>, vector<16xf32>,
        %mul3A_540 = arith.constant 2 : i32
        %mul3A_541 = arith.muli %scan3A_499, %mul3A_540 : i32
        %add3A_542 = arith.constant 1 : i32
        %add3A_543 = arith.addi %mul3A_541, %add3A_542 : i32
        %broadcast_in_dim3A_544 = vector.broadcast %add3A_543 : i32 to vector<16xi32>
        %gather3A_545 = tpu.vector_load_idx %arg12[%broadcast_in_dim3A_544] : memref<128xf32, #tpu.memory_space<vmem>>[vector<16xi32>], vector<16xf32>,
        %mul3A_546 = arith.constant 2 : i32
        %mul3A_547 = arith.muli %scan3A_499, %mul3A_546 : i32
        %add3A_548 = arith.constant 1 : i32
        %add3A_549 = arith.addi %mul3A_547, %add3A_548 : i32
        %get3A_550 = arith.constant 3 : i32
        %get3A_551 = arith.index_cast %get3A_550 : i32 to index
        %get3A_552 = arith.index_cast %add3A_549 : i32 to index
        %get3A_553 = arith.constant 0 : index
        %get3A_554 = tpu.vector_load %arg13[%get3A_551, %get3A_552, %get3A_553] {strides = array<i32>} : memref<4x128x32xf32, #tpu.memory_space<vmem>>, vector<16xf32>,
        %mul3A_555 = arith.mulf %get3A_554, %gather3A_545 : vector<16xf32>
        %mul3A_556 = arith.constant 2 : i32
        %mul3A_557 = arith.muli %scan3A_499, %mul3A_556 : i32
        %add3A_558 = arith.constant 1 : i32
        %add3A_559 = arith.addi %mul3A_557, %add3A_558 : i32
        %swap3A_560 = arith.constant 3 : i32
        %swap3A_561 = arith.index_cast %swap3A_560 : i32 to index
        %swap3A_562 = arith.index_cast %add3A_559 : i32 to index
        %swap3A_563 = arith.constant 0 : index
        %swap3A_564 = tpu.vector_load %arg13[%swap3A_561, %swap3A_562, %swap3A_563] {strides = array<i32>} : memref<4x128x32xf32, #tpu.memory_space<vmem>>, vector<16xf32>,
        tpu.vector_store %arg13[%swap3A_561, %swap3A_562, %swap3A_563], %mul3A_555 {strides = array<i32>} : memref<4x128x32xf32, #tpu.memory_space<vmem>>, vector<16xf32>,
        %mul3A_565 = arith.constant 2 : i32
        %mul3A_566 = arith.muli %scan3A_499, %mul3A_565 : i32
        %add3A_567 = arith.constant 1 : i32
        %add3A_568 = arith.addi %mul3A_566, %add3A_567 : i32
        %get3A_569 = arith.constant 3 : i32
        %get3A_570 = arith.index_cast %get3A_569 : i32 to index
        %get3A_571 = arith.index_cast %add3A_568 : i32 to index
        %get3A_572 = arith.constant 16 : index
        %get3A_573 = tpu.vector_load %arg13[%get3A_570, %get3A_571, %get3A_572] {strides = array<i32>} : memref<4x128x32xf32, #tpu.memory_space<vmem>>, vector<16xf32>,
        %mul3A_574 = arith.mulf %get3A_573, %gather3A_545 : vector<16xf32>
        %mul3A_575 = arith.constant 2 : i32
        %mul3A_576 = arith.muli %scan3A_499, %mul3A_575 : i32
        %add3A_577 = arith.constant 1 : i32
        %add3A_578 = arith.addi %mul3A_576, %add3A_577 : i32
        %swap3A_579 = arith.constant 3 : i32
        %swap3A_580 = arith.index_cast %swap3A_579 : i32 to index
        %swap3A_581 = arith.index_cast %add3A_578 : i32 to index
        %swap3A_582 = arith.constant 16 : index
        %swap3A_583 = tpu.vector_load %arg13[%swap3A_580, %swap3A_581, %swap3A_582] {strides = array<i32>} : memref<4x128x32xf32, #tpu.memory_space<vmem>>, vector<16xf32>,
        tpu.vector_store %arg13[%swap3A_580, %swap3A_581, %swap3A_582], %mul3A_574 {strides = array<i32>} : memref<4x128x32xf32, #tpu.memory_space<vmem>>, vector<16xf32>,
      }
      %scan3A_485 = arith.constant 64 : i32
      %dma_start3A_486 = arith.constant 3 : i32
      %dma_start3A_487 = arith.constant 3 : i32
      %dma_start3A_488 = arith.constant 1 : i32
      %dma_start3A_489 = arith.constant 0 : i32
      %dma_start3A_490 = arith.constant 0 : i32
      %dma_start3A_491 = tpu.memref_slice %arg13[%dma_start3A_486, %dma_start3A_489, %dma_start3A_490] : memref<4x128x32xf32, #tpu.memory_space<vmem>> -> memref<1x128x32xf32, #tpu.memory_space<vmem>>
      %dma_start3A_492 = tpu.memref_squeeze %dma_start3A_491 : memref<1x128x32xf32, #tpu.memory_space<vmem>> -> memref<128x32xf32, #tpu.memory_space<vmem>>
      %dma_start3A_493 = arith.constant 0 : i32
      %dma_start3A_494 = tpu.memref_slice %arg11[%dma_start3A_487, %dma_start3A_488, %dma_start3A_493] : memref<4x2x128xi32, #tpu.memory_space<vmem>> -> memref<1x1x128xi32, #tpu.memory_space<vmem>>
      %dma_start3A_495 = tpu.memref_squeeze %dma_start3A_494 : memref<1x1x128xi32, #tpu.memory_space<vmem>> -> memref<128xi32, #tpu.memory_space<vmem>>
      %dma_start3A_496 = arith.constant 0 : i32
      %dma_start3A_497 = arith.constant 0 : i32
      %dma_start3A_498 = tpu.memref_slice %arg15[%dma_start3A_496, %dma_start3A_497] : memref<10112x32xf32, #tpu.memory_space<vmem_shared>> -> memref<10112x32xf32, #tpu.memory_space<vmem_shared>>
      tpu.enqueue_indirect_dma source(%dma_start3A_492 : memref<128x32xf32, #tpu.memory_space<vmem>>) target(%dma_start3A_498 : memref<10112x32xf32, #tpu.memory_space<vmem_shared>>) offsets(%dma_start3A_495 : memref<128xi32, #tpu.memory_space<vmem>>) semaphore(%arg28 : memref<!tpu.dma_semaphore, #tpu.memory_space<semaphore_mem>>) {add = true}
    }
    %scan3A_156 = arith.constant 40 : i32
    %dma_wait3A_157 = arith.constant 0 : i32
    %dma_wait3A_158 = arith.constant 0 : i32
    %dma_wait3A_159 = arith.constant 1 : i32
    %dma_wait3A_160 = arith.constant 0 : i32
    %dma_wait3A_161 = arith.constant 0 : i32
    %dma_wait3A_162 = tpu.memref_slice %arg13[%dma_wait3A_157, %dma_wait3A_160, %dma_wait3A_161] : memref<4x128x32xf32, #tpu.memory_space<vmem>> -> memref<1x128x32xf32, #tpu.memory_space<vmem>>
    %dma_wait3A_163 = tpu.memref_squeeze %dma_wait3A_162 : memref<1x128x32xf32, #tpu.memory_space<vmem>> -> memref<128x32xf32, #tpu.memory_space<vmem>>
    %dma_wait3A_164 = arith.constant 0 : i32
    %dma_wait3A_165 = tpu.memref_slice %arg11[%dma_wait3A_158, %dma_wait3A_159, %dma_wait3A_164] : memref<4x2x128xi32, #tpu.memory_space<vmem>> -> memref<1x1x128xi32, #tpu.memory_space<vmem>>
    %dma_wait3A_166 = tpu.memref_squeeze %dma_wait3A_165 : memref<1x1x128xi32, #tpu.memory_space<vmem>> -> memref<128xi32, #tpu.memory_space<vmem>>
    %dma_wait3A_167 = arith.constant 0 : i32
    %dma_wait3A_168 = arith.constant 0 : i32
    %dma_wait3A_169 = tpu.memref_slice %arg15[%dma_wait3A_167, %dma_wait3A_168] : memref<10112x32xf32, #tpu.memory_space<vmem_shared>> -> memref<10112x32xf32, #tpu.memory_space<vmem_shared>>
    tpu.wait_indirect_dma semaphore(%arg25 : memref<!tpu.dma_semaphore, #tpu.memory_space<semaphore_mem>>) src(%dma_wait3A_163 : memref<128x32xf32, #tpu.memory_space<vmem>>) dst(%dma_wait3A_169 : memref<10112x32xf32, #tpu.memory_space<vmem_shared>>)
    %dma_wait3A_170 = arith.constant 1 : i32
    %dma_wait3A_171 = arith.constant 1 : i32
    %dma_wait3A_172 = arith.constant 1 : i32
    %dma_wait3A_173 = arith.constant 0 : i32
    %dma_wait3A_174 = arith.constant 0 : i32
    %dma_wait3A_175 = tpu.memref_slice %arg13[%dma_wait3A_170, %dma_wait3A_173, %dma_wait3A_174] : memref<4x128x32xf32, #tpu.memory_space<vmem>> -> memref<1x128x32xf32, #tpu.memory_space<vmem>>
    %dma_wait3A_176 = tpu.memref_squeeze %dma_wait3A_175 : memref<1x128x32xf32, #tpu.memory_space<vmem>> -> memref<128x32xf32, #tpu.memory_space<vmem>>
    %dma_wait3A_177 = arith.constant 0 : i32
    %dma_wait3A_178 = tpu.memref_slice %arg11[%dma_wait3A_171, %dma_wait3A_172, %dma_wait3A_177] : memref<4x2x128xi32, #tpu.memory_space<vmem>> -> memref<1x1x128xi32, #tpu.memory_space<vmem>>
    %dma_wait3A_179 = tpu.memref_squeeze %dma_wait3A_178 : memref<1x1x128xi32, #tpu.memory_space<vmem>> -> memref<128xi32, #tpu.memory_space<vmem>>
    %dma_wait3A_180 = arith.constant 0 : i32
    %dma_wait3A_181 = arith.constant 0 : i32
    %dma_wait3A_182 = tpu.memref_slice %arg15[%dma_wait3A_180, %dma_wait3A_181] : memref<10112x32xf32, #tpu.memory_space<vmem_shared>> -> memref<10112x32xf32, #tpu.memory_space<vmem_shared>>
    tpu.wait_indirect_dma semaphore(%arg26 : memref<!tpu.dma_semaphore, #tpu.memory_space<semaphore_mem>>) src(%dma_wait3A_176 : memref<128x32xf32, #tpu.memory_space<vmem>>) dst(%dma_wait3A_182 : memref<10112x32xf32, #tpu.memory_space<vmem_shared>>)
    %dma_wait3A_183 = arith.constant 2 : i32
    %dma_wait3A_184 = arith.constant 2 : i32
    %dma_wait3A_185 = arith.constant 1 : i32
    %dma_wait3A_186 = arith.constant 0 : i32
    %dma_wait3A_187 = arith.constant 0 : i32
    %dma_wait3A_188 = tpu.memref_slice %arg13[%dma_wait3A_183, %dma_wait3A_186, %dma_wait3A_187] : memref<4x128x32xf32, #tpu.memory_space<vmem>> -> memref<1x128x32xf32, #tpu.memory_space<vmem>>
    %dma_wait3A_189 = tpu.memref_squeeze %dma_wait3A_188 : memref<1x128x32xf32, #tpu.memory_space<vmem>> -> memref<128x32xf32, #tpu.memory_space<vmem>>
    %dma_wait3A_190 = arith.constant 0 : i32
    %dma_wait3A_191 = tpu.memref_slice %arg11[%dma_wait3A_184, %dma_wait3A_185, %dma_wait3A_190] : memref<4x2x128xi32, #tpu.memory_space<vmem>> -> memref<1x1x128xi32, #tpu.memory_space<vmem>>
    %dma_wait3A_192 = tpu.memref_squeeze %dma_wait3A_191 : memref<1x1x128xi32, #tpu.memory_space<vmem>> -> memref<128xi32, #tpu.memory_space<vmem>>
    %dma_wait3A_193 = arith.constant 0 : i32
    %dma_wait3A_194 = arith.constant 0 : i32
    %dma_wait3A_195 = tpu.memref_slice %arg15[%dma_wait3A_193, %dma_wait3A_194] : memref<10112x32xf32, #tpu.memory_space<vmem_shared>> -> memref<10112x32xf32, #tpu.memory_space<vmem_shared>>
    tpu.wait_indirect_dma semaphore(%arg27 : memref<!tpu.dma_semaphore, #tpu.memory_space<semaphore_mem>>) src(%dma_wait3A_189 : memref<128x32xf32, #tpu.memory_space<vmem>>) dst(%dma_wait3A_195 : memref<10112x32xf32, #tpu.memory_space<vmem_shared>>)
    %dma_wait3A_196 = arith.constant 3 : i32
    %dma_wait3A_197 = arith.constant 3 : i32
    %dma_wait3A_198 = arith.constant 1 : i32
    %dma_wait3A_199 = arith.constant 0 : i32
    %dma_wait3A_200 = arith.constant 0 : i32
    %dma_wait3A_201 = tpu.memref_slice %arg13[%dma_wait3A_196, %dma_wait3A_199, %dma_wait3A_200] : memref<4x128x32xf32, #tpu.memory_space<vmem>> -> memref<1x128x32xf32, #tpu.memory_space<vmem>>
    %dma_wait3A_202 = tpu.memref_squeeze %dma_wait3A_201 : memref<1x128x32xf32, #tpu.memory_space<vmem>> -> memref<128x32xf32, #tpu.memory_space<vmem>>
    %dma_wait3A_203 = arith.constant 0 : i32
    %dma_wait3A_204 = tpu.memref_slice %arg11[%dma_wait3A_197, %dma_wait3A_198, %dma_wait3A_203] : memref<4x2x128xi32, #tpu.memory_space<vmem>> -> memref<1x1x128xi32, #tpu.memory_space<vmem>>
    %dma_wait3A_205 = tpu.memref_squeeze %dma_wait3A_204 : memref<1x1x128xi32, #tpu.memory_space<vmem>> -> memref<128xi32, #tpu.memory_space<vmem>>
    %dma_wait3A_206 = arith.constant 0 : i32
    %dma_wait3A_207 = arith.constant 0 : i32
    %dma_wait3A_208 = tpu.memref_slice %arg15[%dma_wait3A_206, %dma_wait3A_207] : memref<10112x32xf32, #tpu.memory_space<vmem_shared>> -> memref<10112x32xf32, #tpu.memory_space<vmem_shared>>
    tpu.wait_indirect_dma semaphore(%arg28 : memref<!tpu.dma_semaphore, #tpu.memory_space<semaphore_mem>>) src(%dma_wait3A_202 : memref<128x32xf32, #tpu.memory_space<vmem>>) dst(%dma_wait3A_208 : memref<10112x32xf32, #tpu.memory_space<vmem_shared>>)
    "tpu.region"() ({
      %run_scoped3A = tpu.sem_alloc : memref<!tpu.dma_semaphore, #tpu.memory_space<semaphore_mem>>
      %dma_start3A_210 = arith.constant 0 : i32
      %dma_start3A_211 = tpu.memref_slice %arg8[%add3A, %dma_start3A_210] : memref<32x10112xf32, #tpu.memory_space<hbm>> -> memref<1x10112xf32, #tpu.memory_space<hbm>>
      %dma_start3A_212 = tpu.memref_squeeze %dma_start3A_211 : memref<1x10112xf32, #tpu.memory_space<hbm>> -> memref<10112xf32, #tpu.memory_space<hbm>>
      %dma_start3A_213 = arith.constant 0 : i32
      %dma_start3A_214 = tpu.memref_slice %arg8[%add3A, %dma_start3A_213] : memref<32x10112xf32, #tpu.memory_space<hbm>> -> memref<1x10112xf32, #tpu.memory_space<hbm>>
      %dma_start3A_215 = tpu.memref_squeeze %dma_start3A_214 : memref<1x10112xf32, #tpu.memory_space<hbm>> -> memref<10112xf32, #tpu.memory_space<hbm>>
      tpu.enqueue_dma source(%arg14 : memref<10112xf32, #tpu.memory_space<vmem>>) target(%dma_start3A_215 : memref<10112xf32, #tpu.memory_space<hbm>>) target_semaphore(%run_scoped3A : memref<!tpu.dma_semaphore, #tpu.memory_space<semaphore_mem>>)
      %dma_wait3A_216 = arith.constant 0 : i32
      %dma_wait3A_217 = tpu.memref_slice %arg8[%add3A, %dma_wait3A_216] : memref<32x10112xf32, #tpu.memory_space<hbm>> -> memref<1x10112xf32, #tpu.memory_space<hbm>>
      %dma_wait3A_218 = tpu.memref_squeeze %dma_wait3A_217 : memref<1x10112xf32, #tpu.memory_space<hbm>> -> memref<10112xf32, #tpu.memory_space<hbm>>
      %dma_wait3A_219 = arith.constant 0 : i32
      %dma_wait3A_220 = tpu.memref_slice %arg8[%add3A, %dma_wait3A_219] : memref<32x10112xf32, #tpu.memory_space<hbm>> -> memref<1x10112xf32, #tpu.memory_space<hbm>>
      %dma_wait3A_221 = tpu.memref_squeeze %dma_wait3A_220 : memref<1x10112xf32, #tpu.memory_space<hbm>> -> memref<10112xf32, #tpu.memory_space<hbm>>
      tpu.wait_dma2 semaphore(%run_scoped3A : memref<!tpu.dma_semaphore, #tpu.memory_space<semaphore_mem>>) src(%arg14 : memref<10112xf32, #tpu.memory_space<vmem>>) dst(%dma_wait3A_221 : memref<10112xf32, #tpu.memory_space<hbm>>)
      tpu.yield
    }) : () -> ()
    %barrier3A_209 = arith.constant 0 : index
    tpu.barrier barrier_id(%barrier3A_209)
    "tpu.region"() ({
      %run_scoped3A = tpu.sem_alloc : memref<!tpu.dma_semaphore, #tpu.memory_space<semaphore_mem>>
      %dma_start3A_210 = arith.constant 0 : i32
      %dma_start3A_211 = tpu.memref_slice %arg7[%arg0, %mul3A_2, %dma_start3A_210] : memref<2x10112x32xf32, #tpu.memory_space<hbm>> -> memref<1x632x32xf32, #tpu.memory_space<hbm>>
      %dma_start3A_212 = tpu.memref_squeeze %dma_start3A_211 : memref<1x632x32xf32, #tpu.memory_space<hbm>> -> memref<632x32xf32, #tpu.memory_space<hbm>>
      %dma_start3A_213 = arith.constant 0 : i32
      %dma_start3A_214 = tpu.memref_slice %arg15[%mul3A_2, %dma_start3A_213] : memref<10112x32xf32, #tpu.memory_space<vmem_shared>> -> memref<632x32xf32, #tpu.memory_space<vmem_shared>>
      tpu.enqueue_dma source(%dma_start3A_214 : memref<632x32xf32, #tpu.memory_space<vmem_shared>>) target(%dma_start3A_212 : memref<632x32xf32, #tpu.memory_space<hbm>>) target_semaphore(%run_scoped3A : memref<!tpu.dma_semaphore, #tpu.memory_space<semaphore_mem>>)
      %dma_wait3A_215 = arith.constant 0 : i32
      %dma_wait3A_216 = tpu.memref_slice %arg7[%arg0, %mul3A_2, %dma_wait3A_215] : memref<2x10112x32xf32, #tpu.memory_space<hbm>> -> memref<1x632x32xf32, #tpu.memory_space<hbm>>
      %dma_wait3A_217 = tpu.memref_squeeze %dma_wait3A_216 : memref<1x632x32xf32, #tpu.memory_space<hbm>> -> memref<632x32xf32, #tpu.memory_space<hbm>>
      %dma_wait3A_218 = arith.constant 0 : i32
      %dma_wait3A_219 = tpu.memref_slice %arg15[%mul3A_2, %dma_wait3A_218] : memref<10112x32xf32, #tpu.memory_space<vmem_shared>> -> memref<632x32xf32, #tpu.memory_space<vmem_shared>>
      tpu.wait_dma2 semaphore(%run_scoped3A : memref<!tpu.dma_semaphore, #tpu.memory_space<semaphore_mem>>) src(%dma_wait3A_219 : memref<632x32xf32, #tpu.memory_space<vmem_shared>>) dst(%dma_wait3A_217 : memref<632x32xf32, #tpu.memory_space<hbm>>)
      tpu.yield
    }) : () -> ()
    return
  }
}

module attributes {stable_mosaic.version = 14 : i64} {
  func.func @_pre_body(%arg0: memref<10000x128xf32, #tpu.memory_space<vmem>>, %arg1: memref<128x64xf32, #tpu.memory_space<vmem>>, %arg2: memref<64x1xf32, #tpu.memory_space<vmem>>, %arg3: memref<64x1xf32, #tpu.memory_space<vmem>>, %arg4: memref<10112x64xf32, #tpu.memory_space<vmem>>, %arg5: memref<10112x1xf32, #tpu.memory_space<vmem>>, %arg6: memref<10112x1xf32, #tpu.memory_space<vmem>>) attributes {dimension_semantics = [], scalar_prefetch = 0 : i64, scratch_operands = 0 : i64, tpu.core_type = #tpu.core_type<tc>} {
    %get3A = arith.constant 0 : index
    %get3A_0 = arith.constant 0 : index
    %get3A_1 = vector.load %arg0[%get3A, %get3A_0] : memref<10000x128xf32, #tpu.memory_space<vmem>>, vector<10000x128xf32>
    %get3A_2 = arith.constant 0 : index
    %get3A_3 = arith.constant 0 : index
    %get3A_4 = vector.load %arg1[%get3A_2, %get3A_3] : memref<128x64xf32, #tpu.memory_space<vmem>>, vector<128x64xf32>
    %dot_general3A = arith.constant dense<0.000000e+00> : vector<10000x64xf32>
    %dot_general3A_5 = tpu.matmul %get3A_1, %get3A_4, %dot_general3A {dimension_numbers = #tpu.dot_dimension_numbers<[1], [0], [0], [1], [0, 0, 1, 1], [], []>, transpose_lhs_hint = false} : vector<10000x128xf32>, vector<128x64xf32>, vector<10000x64xf32> -> vector<10000x64xf32>
    %swap3A = arith.constant 0 : index
    %swap3A_6 = arith.constant 0 : index
    %swap3A_7 = vector.load %arg4[%swap3A, %swap3A_6] : memref<10112x64xf32, #tpu.memory_space<vmem>>, vector<10000x64xf32>
    tpu.vector_store %arg4[%swap3A, %swap3A_6], %dot_general3A_5 {strides = array<i32>} : memref<10112x64xf32, #tpu.memory_space<vmem>>, vector<10000x64xf32>,
    %broadcast_in_dim3A = arith.constant 0.000000e+00 : f32
    %broadcast_in_dim3A_8 = vector.broadcast %broadcast_in_dim3A : f32 to vector<112x64xf32>
    %swap3A_9 = arith.constant 10000 : index
    %swap3A_10 = arith.constant 0 : index
    %swap3A_11 = vector.load %arg4[%swap3A_9, %swap3A_10] : memref<10112x64xf32, #tpu.memory_space<vmem>>, vector<112x64xf32>
    tpu.vector_store %arg4[%swap3A_9, %swap3A_10], %broadcast_in_dim3A_8 {strides = array<i32>} : memref<10112x64xf32, #tpu.memory_space<vmem>>, vector<112x64xf32>,
    %get3A_12 = arith.constant 0 : index
    %get3A_13 = arith.constant 0 : index
    %get3A_14 = vector.load %arg2[%get3A_12, %get3A_13] : memref<64x1xf32, #tpu.memory_space<vmem>>, vector<64x1xf32>
    %dot_general3A_15 = arith.constant dense<0.000000e+00> : vector<10000x1xf32>
    %dot_general3A_16 = tpu.matmul %dot_general3A_5, %get3A_14, %dot_general3A_15 {dimension_numbers = #tpu.dot_dimension_numbers<[1], [0], [0], [1], [0, 0, 1, 1], [], []>, transpose_lhs_hint = false} : vector<10000x64xf32>, vector<64x1xf32>, vector<10000x1xf32> -> vector<10000x1xf32>
    %swap3A_17 = arith.constant 0 : index
    %swap3A_18 = arith.constant 0 : index
    %swap3A_19 = vector.load %arg5[%swap3A_17, %swap3A_18] : memref<10112x1xf32, #tpu.memory_space<vmem>>, vector<10000x1xf32>
    tpu.vector_store %arg5[%swap3A_17, %swap3A_18], %dot_general3A_16 {strides = array<i32>} : memref<10112x1xf32, #tpu.memory_space<vmem>>, vector<10000x1xf32>,
    %broadcast_in_dim3A_20 = arith.constant 0.000000e+00 : f32
    %broadcast_in_dim3A_21 = vector.broadcast %broadcast_in_dim3A_20 : f32 to vector<112x1xf32>
    %swap3A_22 = arith.constant 10000 : index
    %swap3A_23 = arith.constant 0 : index
    %swap3A_24 = vector.load %arg5[%swap3A_22, %swap3A_23] : memref<10112x1xf32, #tpu.memory_space<vmem>>, vector<112x1xf32>
    tpu.vector_store %arg5[%swap3A_22, %swap3A_23], %broadcast_in_dim3A_21 {strides = array<i32>} : memref<10112x1xf32, #tpu.memory_space<vmem>>, vector<112x1xf32>,
    %get3A_25 = arith.constant 0 : index
    %get3A_26 = arith.constant 0 : index
    %get3A_27 = vector.load %arg3[%get3A_25, %get3A_26] : memref<64x1xf32, #tpu.memory_space<vmem>>, vector<64x1xf32>
    %dot_general3A_28 = arith.constant dense<0.000000e+00> : vector<10000x1xf32>
    %dot_general3A_29 = tpu.matmul %dot_general3A_5, %get3A_27, %dot_general3A_28 {dimension_numbers = #tpu.dot_dimension_numbers<[1], [0], [0], [1], [0, 0, 1, 1], [], []>, transpose_lhs_hint = false} : vector<10000x64xf32>, vector<64x1xf32>, vector<10000x1xf32> -> vector<10000x1xf32>
    %swap3A_30 = arith.constant 0 : index
    %swap3A_31 = arith.constant 0 : index
    %swap3A_32 = vector.load %arg6[%swap3A_30, %swap3A_31] : memref<10112x1xf32, #tpu.memory_space<vmem>>, vector<10000x1xf32>
    tpu.vector_store %arg6[%swap3A_30, %swap3A_31], %dot_general3A_29 {strides = array<i32>} : memref<10112x1xf32, #tpu.memory_space<vmem>>, vector<10000x1xf32>,
    %broadcast_in_dim3A_33 = arith.constant 0.000000e+00 : f32
    %broadcast_in_dim3A_34 = vector.broadcast %broadcast_in_dim3A_33 : f32 to vector<112x1xf32>
    %swap3A_35 = arith.constant 10000 : index
    %swap3A_36 = arith.constant 0 : index
    %swap3A_37 = vector.load %arg6[%swap3A_35, %swap3A_36] : memref<10112x1xf32, #tpu.memory_space<vmem>>, vector<112x1xf32>
    tpu.vector_store %arg6[%swap3A_35, %swap3A_36], %broadcast_in_dim3A_34 {strides = array<i32>} : memref<10112x1xf32, #tpu.memory_space<vmem>>, vector<112x1xf32>,
    return
  }
}

module attributes {stable_mosaic.version = 14 : i64} {
  func.func @_post_body(%arg0: memref<2x10112x32xf32, #tpu.memory_space<vmem>>, %arg1: memref<32x10112xf32, #tpu.memory_space<vmem>>, %arg2: memref<10112x64xf32, #tpu.memory_space<vmem>>, %arg3: memref<10112x1xf32, #tpu.memory_space<vmem>>, %arg4: memref<10112x1xf32, #tpu.memory_space<vmem>>, %arg5: memref<1x64xf32, #tpu.memory_space<vmem>>, %arg6: memref<10112x1xi32, #tpu.memory_space<vmem>>, %arg7: memref<64x3xf32, #tpu.memory_space<vmem>>, %arg8: memref<1x3xf32, #tpu.memory_space<vmem>>, %arg9: memref<64x3xf32, #tpu.memory_space<vmem>>) attributes {dimension_semantics = [], scalar_prefetch = 0 : i64, scratch_operands = 0 : i64, tpu.core_type = #tpu.core_type<tc>} {
    %get3A = arith.constant 0 : index
    %get3A_0 = arith.constant 0 : index
    %get3A_1 = arith.constant 0 : index
    %get3A_2 = vector.load %arg0[%get3A, %get3A_0, %get3A_1] : memref<2x10112x32xf32, #tpu.memory_space<vmem>>, vector<1x10112x32xf32>
    %get3A_3 = vector.shape_cast %get3A_2 : vector<1x10112x32xf32> to vector<10112x32xf32>
    %get3A_4 = arith.constant 1 : index
    %get3A_5 = arith.constant 0 : index
    %get3A_6 = arith.constant 0 : index
    %get3A_7 = vector.load %arg0[%get3A_4, %get3A_5, %get3A_6] : memref<2x10112x32xf32, #tpu.memory_space<vmem>>, vector<1x10112x32xf32>
    %get3A_8 = vector.shape_cast %get3A_7 : vector<1x10112x32xf32> to vector<10112x32xf32>
    %concatenate3A = tpu.concatenate %get3A_3, %get3A_8 in 1 : vector<10112x32xf32>, vector<10112x32xf32> -> vector<10112x64xf32>
    %get3A_9 = arith.constant 0 : index
    %get3A_10 = arith.constant 0 : index
    %get3A_11 = vector.load %arg1[%get3A_9, %get3A_10] : memref<32x10112xf32, #tpu.memory_space<vmem>>, vector<32x10112xf32>
    %reduce_sum3A = arith.constant dense<0.000000e+00> : vector<10112xf32>
    %reduce_sum3A_12 = vector.multi_reduction <add>, %get3A_11, %reduce_sum3A [0] : vector<32x10112xf32> to vector<10112xf32>
    %mul3A = arith.constant 5.000000e-01 : f32
    %mul3A_13 = vector.broadcast %mul3A : f32 to vector<10112xf32>
    %mul3A_14 = arith.mulf %reduce_sum3A_12, %mul3A_13 : vector<10112xf32>
    %get3A_15 = arith.constant 0 : index
    %get3A_16 = arith.constant 0 : index
    %get3A_17 = vector.load %arg3[%get3A_15, %get3A_16] : memref<10112x1xf32, #tpu.memory_space<vmem>>, vector<10112x1xf32>
    %get3A_18 = arith.constant 0 : index
    %get3A_19 = arith.constant 0 : index
    %get3A_20 = vector.load %arg4[%get3A_18, %get3A_19] : memref<10112x1xf32, #tpu.memory_space<vmem>>, vector<10112x1xf32>
    %add3A = arith.addf %get3A_17, %get3A_20 : vector<10112x1xf32>
    %ge3A = arith.constant 0.000000e+00 : f32
    %ge3A_21 = vector.broadcast %ge3A : f32 to vector<10112x1xf32>
    %ge3A_22 = arith.cmpf oge, %add3A, %ge3A_21 : vector<10112x1xf32>
    %mul3A_23 = arith.constant 2.000000e-01 : f32
    %mul3A_24 = vector.broadcast %mul3A_23 : f32 to vector<10112x1xf32>
    %mul3A_25 = arith.mulf %add3A, %mul3A_24 : vector<10112x1xf32>
    %select_n3A = arith.select %ge3A_22, %add3A, %mul3A_25 : vector<10112x1xi1>, vector<10112x1xf32>
    %exp3A = math.exp %select_n3A : vector<10112x1xf32>
    %get3A_26 = arith.constant 0 : index
    %get3A_27 = arith.constant 0 : index
    %get3A_28 = vector.load %arg2[%get3A_26, %get3A_27] : memref<10112x64xf32, #tpu.memory_space<vmem>>, vector<10112x64xf32>
    %mul3A_29 = vector.broadcast %exp3A : vector<10112x1xf32> to vector<10112x64xf32>
    %mul3A_30 = arith.mulf %mul3A_29, %get3A_28 : vector<10112x64xf32>
    %add3A_31 = arith.addf %concatenate3A, %mul3A_30 : vector<10112x64xf32>
    %squeeze3A = vector.shape_cast %exp3A : vector<10112x1xf32> to vector<10112xf32>
    %add3A_32 = arith.addf %mul3A_14, %squeeze3A : vector<10112xf32>
    %add3A_33 = arith.constant 1.000000e-16 : f32
    %add3A_34 = vector.broadcast %add3A_33 : f32 to vector<10112xf32>
    %add3A_35 = arith.addf %add3A_32, %add3A_34 : vector<10112xf32>
    %broadcast_in_dim3A = vector.shape_cast %add3A_35 : vector<10112xf32> to vector<10112x1xf32>
    %div3A = vector.broadcast %broadcast_in_dim3A : vector<10112x1xf32> to vector<10112x64xf32>
    %div3A_36 = arith.divf %add3A_31, %div3A : vector<10112x64xf32>
    %get3A_37 = arith.constant 0 : index
    %get3A_38 = arith.constant 0 : index
    %get3A_39 = vector.load %arg5[%get3A_37, %get3A_38] : memref<1x64xf32, #tpu.memory_space<vmem>>, vector<1x64xf32>
    %add3A_40 = vector.broadcast %get3A_39 : vector<1x64xf32> to vector<10112x64xf32>
    %add3A_41 = arith.addf %div3A_36, %add3A_40 : vector<10112x64xf32>
    %iota3A = tpu.iota {dimensions = array<i32: 1>} : vector<1x64xi32>
    %get3A_42 = arith.constant 0 : index
    %get3A_43 = arith.constant 0 : index
    %get3A_44 = vector.load %arg6[%get3A_42, %get3A_43] : memref<10112x1xi32, #tpu.memory_space<vmem>>, vector<10112x1xi32>
    %eq3A = vector.broadcast %get3A_44 : vector<10112x1xi32> to vector<10112x64xi32>
    %eq3A_45 = vector.broadcast %iota3A : vector<1x64xi32> to vector<10112x64xi32>
    %eq3A_46 = arith.cmpi eq, %eq3A, %eq3A_45 : vector<10112x64xi32>
    %convert_element_type3A = arith.extui %eq3A_46 : vector<10112x64xi1> to vector<10112x64xi32>
    %convert_element_type3A_47 = arith.sitofp %convert_element_type3A : vector<10112x64xi32> to vector<10112x64xf32>
    %dot_general3A = arith.constant dense<0.000000e+00> : vector<64x64xf32>
    %dot_general3A_48 = tpu.matmul %convert_element_type3A_47, %add3A_41, %dot_general3A {dimension_numbers = #tpu.dot_dimension_numbers<[0], [0], [1], [1], [0, 1, 1, 1], [], []>, transpose_lhs_hint = false} : vector<10112x64xf32>, vector<10112x64xf32>, vector<64x64xf32> -> vector<64x64xf32>
    %reduce_sum3A_49 = arith.constant dense<0.000000e+00> : vector<64xf32>
    %reduce_sum3A_50 = vector.multi_reduction <add>, %convert_element_type3A_47, %reduce_sum3A_49 [0] : vector<10112x64xf32> to vector<64xf32>
    %max3A = arith.constant 1.000000e+00 : f32
    %max3A_51 = vector.broadcast %max3A : f32 to vector<64xf32>
    %max3A_52 = arith.maximumf %reduce_sum3A_50, %max3A_51 : vector<64xf32>
    %broadcast_in_dim3A_53 = vector.shape_cast %max3A_52 : vector<64xf32> to vector<64x1xf32>
    %div3A_54 = vector.broadcast %broadcast_in_dim3A_53 : vector<64x1xf32> to vector<64x64xf32>
    %div3A_55 = arith.divf %dot_general3A_48, %div3A_54 : vector<64x64xf32>
    %get3A_56 = arith.constant 0 : index
    %get3A_57 = arith.constant 0 : index
    %get3A_58 = vector.load %arg7[%get3A_56, %get3A_57] : memref<64x3xf32, #tpu.memory_space<vmem>>, vector<64x3xf32>
    %dot_general3A_59 = arith.constant dense<0.000000e+00> : vector<64x3xf32>
    %dot_general3A_60 = tpu.matmul %div3A_55, %get3A_58, %dot_general3A_59 {dimension_numbers = #tpu.dot_dimension_numbers<[1], [0], [0], [1], [0, 0, 1, 1], [], []>, transpose_lhs_hint = false} : vector<64x64xf32>, vector<64x3xf32>, vector<64x3xf32> -> vector<64x3xf32>
    %get3A_61 = arith.constant 0 : index
    %get3A_62 = arith.constant 0 : index
    %get3A_63 = vector.load %arg8[%get3A_61, %get3A_62] : memref<1x3xf32, #tpu.memory_space<vmem>>, vector<1x3xf32>
    %add3A_64 = vector.broadcast %get3A_63 : vector<1x3xf32> to vector<64x3xf32>
    %add3A_65 = arith.addf %dot_general3A_60, %add3A_64 : vector<64x3xf32>
    %reduce_max3A = arith.constant dense<0xFF800000> : vector<64xf32>
    %reduce_max3A_66 = vector.multi_reduction <maximumf>, %add3A_65, %reduce_max3A [1] : vector<64x3xf32> to vector<64xf32>
    %broadcast_in_dim3A_67 = vector.shape_cast %reduce_max3A_66 : vector<64xf32> to vector<64x1xf32>
    %sub3A = vector.broadcast %broadcast_in_dim3A_67 : vector<64x1xf32> to vector<64x3xf32>
    %sub3A_68 = arith.subf %add3A_65, %sub3A : vector<64x3xf32>
    %exp3A_69 = math.exp %sub3A_68 : vector<64x3xf32>
    %reduce_sum3A_70 = arith.constant dense<0.000000e+00> : vector<64xf32>
    %reduce_sum3A_71 = vector.multi_reduction <add>, %exp3A_69, %reduce_sum3A_70 [1] : vector<64x3xf32> to vector<64xf32>
    %broadcast_in_dim3A_72 = vector.shape_cast %reduce_sum3A_71 : vector<64xf32> to vector<64x1xf32>
    %log3A = math.log %broadcast_in_dim3A_72 : vector<64x1xf32>
    %add3A_73 = arith.addf %log3A, %broadcast_in_dim3A_67 : vector<64x1xf32>
    %sub3A_74 = vector.broadcast %add3A_73 : vector<64x1xf32> to vector<64x3xf32>
    %sub3A_75 = arith.subf %add3A_65, %sub3A_74 : vector<64x3xf32>
    %swap3A = arith.constant 0 : index
    %swap3A_76 = arith.constant 0 : index
    %swap3A_77 = vector.load %arg9[%swap3A, %swap3A_76] : memref<64x3xf32, #tpu.memory_space<vmem>>, vector<64x3xf32>
    tpu.vector_store %arg9[%swap3A, %swap3A_76], %sub3A_75 {strides = array<i32>} : memref<64x3xf32, #tpu.memory_space<vmem>>, vector<64x3xf32>,
    return
  }
}

</mosaic_0001>

<sc_bundles>
// kernel: kernel.5.cloned.1.call-start
scs
__scs_entry_jumppad:
0x0: {  	(pc) =	sbr.rel $0x88, $3  }
0x1: {  	(tag) =	ssettag $0x0;
	lr =	simm.s32 $0x1  }
0x2: {  	[smem:$0x3F98] =	sst lr;
	_ =	strace $0xD0000000  }
0x3: {  	_ = 	snop  }
0x4: {  	_ = 	snop  }
0x5: {  	_ = 	snop  }
0x6: {  	_ = 	snop  }
0x7: {  	_ = 	snop  }
__scs_overlays_trampoline_lowered:
0x8: {  	[smem:$0x3FA7] =	sst s0  }
0x9: {  	[smem:$0x3FA8] =	sst s1  }
0xa: {  	[smem:$0x3FA9] =	sst s2  }
0xb: {  	[smem:$0x3FAA] =	sst s3  }
0xc: {  	[smem:$0x3FAB] =	sst s4  }
0xd: {  	[smem:$0x3FAC] =	sst s5  }
0xe: {  	[smem:$0x3FAD] =	sst s6  }
0xf: {  	[smem:$0x3FAE] =	sst s7  }
0x10: {  	[smem:$0x3FAF] =	sst s8  }
0x11: {  	[smem:$0x3FB0] =	sst s9;
	s0 =	simm.s32 @!p0 $0x0  }
0x12: {  	s1 =	sld [smem:$0x3F96];
	s0 =	simm.s32 @p0 $0x1  }
0x13: {  	[smem:$0x3FB1] =	sst s0;
	s0 =	simm.s32 @!p1 $0x0  }
0x14: {  	s2 =	sld [smem:$0x3F95];
	s0 =	simm.s32 @p1 $0x1  }
0x15: {  	[smem:$0x3FB2] =	sst s0;
	s0 =	simm.s32 @!p2 $0x0  }
0x16: {  	s3 =	sld [smem:$0x3FDB];
	s0 =	simm.s32 @p2 $0x1  }
0x17: {  	s4 =	simm.s32 $0x1BF5;
	[smem:$0x3FB4] =	sst s0  }
0x18: {  	s0 =	sld [smem:$0x3F97];
	_ =	swait.ge [sflag:s4], $0x0  }
0x19: {  	s7 =	sld [smem:$0x3F98]  }
0x1a: {  	s8 =	sadd.s32 $0xFFFFE003, lr  }
0x1b: {  	s9 =	sadd.s32 $0xFFFFFEF7, lr;
	s5 =	simm.s32 $0xFFFFFFFF;
	p2 =	slt.u32 s8, $0xFFFFF086  }
0x1c: {  	p1 =	slt.u32 s9, $0xF7A;
	s5 =	simm.s32 @!p2 $0x0  }
0x1d: {  	s5 =	simm.s32 @p1 $0x1;
	p0 =	seq.s32 s7, s2  }
0x1e: {  	s7 =	smul.u32 @!p0 $0xF7A, s2;
	p2 =	seq.s32 @!p0 s5, $0x0  }
0x1f: {  	s9 =	smul.u32 $0xF7A, s1;
	s8 =	simm.s32 @!p0 $0x1BF5;
	p2 =	por !p2, p0  }
0x20: {  	[sflag:s8] =	ssyncset.s32 @!p0 $0xFFFFF086;
	s6 =	sadd.s32 @!p0 s3, s7;
	s7 =	simm.s32 @!p0 $0x108  }
0x21: {  	s3 =	sadd.s32 s3, s9;
	s6 =	sadd.s32 @!p0 $0x88, s6;
	s7 =	simm.s32 @p2 $0x1082  }
0x22: {  	[simem:s7], [sflag:s8] =	dma.local @!p0 [hbm:s6], $0xF7A  }
0x23: {  	s9 =	sor.u32 $0xD0000000, s2;
	s6 =	simm.s32 $0x108;
	_ =	swait.ge @!p0 [sflag:s8], $0x0  }
0x24: {  	s3 =	sadd.s32 $0x88, s3;
	s6 =	simm.s32 @!p1 $0x1082;
	[sflag:s4] =	ssyncset.s32 $0xFFFFF086  }
0x25: {  	[simem:s6], [sflag:s4] =	dma.local [hbm:s3], $0xF7A  }
0x26: {  	[smem:$0x3F98] =	sst s1;
	(tag) =	ssettag s2;
	_ =	strace s9  }
0x27: {  	s1 =	sld [smem:$0x3FA8]  }
0x28: {  	s2 =	sld [smem:$0x3FA9]  }
0x29: {  	s4 =	sld [smem:$0x3FAB]  }
0x2a: {  	p0 =	seq.s32 s5, $0x0;
	s5 =	sld [smem:$0x3FAC]  }
0x2b: {  	s6 =	sld [smem:$0x3FAD]  }
0x2c: {  	s7 =	sld [smem:$0x3FAE]  }
0x2d: {  	s3 =	simm.s32 $0x108;
	s8 =	sld [smem:$0x3FAF]  }
0x2e: {  	s3 =	simm.s32 @!p0 $0x1082;
	s9 =	sld [smem:$0x3FB0]  }
0x2f: {  	lr =	sadd.s32 s0, s3;
	s0 =	sld [smem:$0x3FA7]  }
0x30: {  	s3 =	sld [smem:$0x3FAA]  }
0x31: {  	[smem:$0x3FB3] =	sst s10  }
0x32: {  	s10 =	sld [smem:$0x3FB1];
	_ =	sdelay $0x3  }
0x33: {  	p0 =	seq.s32 s10, $0x1;
	s10 =	sld [smem:$0x3FB3];
	_ =	sdelay $0x3  }
0x34: {  	[smem:$0x3FB3] =	sst s10  }
0x35: {  	s10 =	sld [smem:$0x3FB2];
	_ =	sdelay $0x3  }
0x36: {  	p1 =	seq.s32 s10, $0x1;
	s10 =	sld [smem:$0x3FB3];
	_ =	sdelay $0x3  }
0x37: {  	[smem:$0x3FB3] =	sst s10  }
0x38: {  	s10 =	sld [smem:$0x3FB4]  }
0x39: {  	_ = 	snop;
	(pc) =	sbr.ind lr, $3  }
0x3a: {  	_ = 	snop  }
0x3b: {  	_ = 	snop  }
0x3c: {  	p2 =	seq.s32 s10, $0x1;
	s10 =	sld [smem:$0x3FB3]  }
0x3d: {  	_ =	shalt  }
0x3e: {  	_ =	shalt  }
0x3f: {  	_ =	shalt  }
0x40: {  	_ =	shalt  }
0x41: {  	_ =	shalt  }
0x42: {  	_ =	shalt  }
0x43: {  	_ =	shalt  }
0x44: {  	_ =	shalt  }
0x45: {  	_ =	shalt  }
0x46: {  	_ =	shalt  }
0x47: {  	_ =	shalt  }
0x48: {  	_ =	shalt  }
0x49: {  	_ =	shalt  }
0x4a: {  	_ =	shalt  }
0x4b: {  	_ =	shalt  }
0x4c: {  	_ =	shalt  }
0x4d: {  	_ =	shalt  }
0x4e: {  	_ =	shalt  }
0x4f: {  	_ =	shalt  }
0x50: {  	_ =	shalt  }
0x51: {  	_ =	shalt  }
0x52: {  	_ =	shalt  }
0x53: {  	_ =	shalt  }
0x54: {  	_ =	shalt  }
0x55: {  	_ =	shalt  }
0x56: {  	_ =	shalt  }
0x57: {  	_ =	shalt  }
0x58: {  	_ =	shalt  }
0x59: {  	_ =	shalt  }
0x5a: {  	_ =	shalt  }
0x5b: {  	_ =	shalt  }
0x5c: {  	_ =	shalt  }
0x5d: {  	_ =	shalt  }
0x5e: {  	_ =	shalt  }
0x5f: {  	_ =	shalt  }
0x60: {  	_ =	shalt  }
0x61: {  	_ =	shalt  }
0x62: {  	_ =	shalt  }
0x63: {  	_ =	shalt  }
0x64: {  	_ =	shalt  }
0x65: {  	_ =	shalt  }
0x66: {  	_ =	shalt  }
0x67: {  	_ =	shalt  }
0x68: {  	_ =	shalt  }
0x69: {  	_ =	shalt  }
0x6a: {  	_ =	shalt  }
0x6b: {  	_ =	shalt  }
0x6c: {  	_ =	shalt  }
0x6d: {  	_ =	shalt  }
0x6e: {  	_ =	shalt  }
0x6f: {  	_ =	shalt  }
0x70: {  	_ =	shalt  }
0x71: {  	_ =	shalt  }
0x72: {  	_ =	shalt  }
0x73: {  	_ =	shalt  }
0x74: {  	_ =	shalt  }
0x75: {  	_ =	shalt  }
0x76: {  	_ =	shalt  }
0x77: {  	_ =	shalt  }
0x78: {  	_ =	shalt  }
0x79: {  	_ =	shalt  }
0x7a: {  	_ =	shalt  }
0x7b: {  	_ =	shalt  }
0x7c: {  	_ =	shalt  }
0x7d: {  	_ =	shalt  }
0x7e: {  	_ =	shalt  }
0x7f: {  	_ =	shalt  }
0x80: {  	_ =	shalt  }
0x81: {  	_ =	shalt  }
0x82: {  	_ =	shalt  }
0x83: {  	_ =	shalt  }
0x84: {  	_ =	shalt  }
0x85: {  	_ =	shalt  }
0x86: {  	_ =	shalt  }
0x87: {  	_ =	shalt  }
.Lfunc_end0:
.L_simem_size_0:
called_computation_lowered:
.L_overlay_start_0:
0x88: {  	s2 =	sld [smem:$0x3FD9]  }
0x89: {  	s3 =	sld [smem:$0x3FFE];
	_ =	sdelay $0x1  }
0x8a: {  	s1 =	srdreg.scid  }
0x8b: {  	s0 =	sand.u32 $0x1, s1  }
0x8c: {  	s16 =	sshll.u32 s0, $0xA;
	s2 =	sadd.s32 s3, s2  }
0x8d: {  	s2 =	sadd.s32 s2, s16  }
0x8e: {  	[smem:$0x3FBF] =	sst s2  }
0x8f: {  	_ = 	snop  }
0x90: {  	(tm) =	ssettm $0x1  }
0x91: {  	s17 =	sld [smem:$0x3FFB];
	_ =	sdelay $0x3  }
0x92: {  	_ =	strace s17  }
0x93: {  	s2 =	sld [smem:$0x3FFC];
	_ =	sdelay $0x3  }
0x94: {  	_ =	strace s2  }
0x95: {  	s2 =	sld [smem:$0x3FFD];
	_ =	sdelay $0x3  }
0x96: {  	_ =	strace s2  }
0x97: {  	_ =	strace $0x8FFFFFFF  }
0x98: {  	s18 =	sld [smem:$0x3FDB];
	_ =	sdelay $0x1  }
0x99: {  	s19 =	simm.s32 $_scs_section_size  }
0x9a: {  	s4 =	simm.s32 $_size__tile_overlayer_lowered;
	s5 =	simm.s32 $_tile_overlayer_lowered  }
0x9b: {  	s22 =	simm.s32 $0x1BFF;
	s21 =	sshll.u32 s5, $0x1;
	s2 =	sadd.s32 s19, s18  }
0x9c: {  	s6 =	simm.s32 $0x0;
	s20 =	sshll.u32 s4, $0x1;
	s4 =	sadd.s32 s21, s2  }
0x9d: {  	[timem:s6], [sflag:s22] =	dma.local [hbm:s4], s20  }
0x9e: {  	_ =	swait.ge [sflag:s22], s20  }
0x9f: {  	s3 =	ssub.s32 $0x0, s20;
	[sflag:s22] =	ssyncset.done $0x0  }
0xa0: {  	[sflag:s22] =	ssyncadd.s32 s3;
	_ =	sdelay $0x1  }
0xa1: {  	s23 =	simm.s32 $0x1B8B  }
0xa2: {  	_ =	swait.ge [sflag:s23], $0x1  }
0xa3: {  	[sflag:s23] =	ssyncset.done $0x0  }
0xa4: {  	s25 =	simm.s32 $0x1B8E;
	s24 =	sld [smem:$0x3FFE];
	[sflag:s23] =	ssyncadd.s32 $0xFFFFFFFF  }
0xa5: {  	s26 =	simm.s32 $execute0_lowered;
	[smem:$0x3FD2] =	sst s25  }
0xa6: {  	s4 =	sshll.u32 s26, $0x1;
	_ =	strace $0x80000046;
	[dreg:$0x1] =	wrdreg $0xFFFFFFFF  }
0xa7: {  	s28 =	simm.s32 $_size_execute0_lowered;
	s2 =	sadd.s32 s2, s4;
	[dreg:$0x0] =	wrdreg $0x0  }
0xa8: {  	s4 =	sshll.u32 s28, $0x1;
	[dreg:$0x2] =	wrdreg s2  }
0xa9: {  	[dreg:$0x3] =	wrdreg s4  }
0xaa: {  	[dreg:$0x4] =	wrdreg $0xC0  }
0xab: {  	_ =	task [dreg:s6], $0x5FFFF  }
0xac: {  	[dreg:$0x1] =	wrdreg $0xFFFFFFFF  }
0xad: {  	[dreg:$0x0] =	wrdreg $0x60  }
0xae: {  	[dreg:$0x2] =	wrdreg s24  }
0xaf: {  	[dreg:$0x3] =	wrdreg $0xBB000  }
0xb0: {  	[dreg:$0x4] =	wrdreg $0x10A000  }
0xb1: {  	[dreg:$0x5] =	wrdreg $0x9  }
0xb2: {  	_ =	task.clear_ibuf [dreg:s6], $0x6FFFF;
	_ =	strace $0x90000046  }
0xb3: {  	s29 =	simm.s32 $0x9;
	_ =	strace $0x80000048  }
0xb4: {  	_ =	swait.ge [sflag:s29], $0x1  }
0xb5: {  	[sflag:s29] =	ssyncadd.s32 $0xFFFFFFFF  }
0xb6: {  	_ =	strace $0x90000048  }
0xb7: {  	_ =	sfence  }
0xb8: {  	s30 =	sld [smem:$0x0];
	_ =	sdelay $0x2  }
0xb9: {  	s31 =	sshll.u32 s1, $0xD;
	s1 =	sshrl.u32 s1, $0x2  }
0xba: {  	s3 =	sand.u32 $0x4000, s31;
	s1 =	sadd.s32 s1, s30  }
0xbb: {  	s0 =	sor.u32 s3, s0;
	s1 =	sshll.u32 s1, $0x11  }
0xbc: {  	s0 =	sor.u32 s1, s0  }
0xbd: {  	s0 =	sadd.s32 $0x8F2B, s0  }
0xbe: {  	[sflag:s0] =	ssyncadd.remote.s32 $0x1  }
0xbf: {  	_ =	sfence.sel $0xFFFF  }
0xc0: {  	[dreg:$0x0] =	wrdreg $0xFFFFFFFF;
	(pc) =	sbr.abs _section_cstart, $3  }
0xc1: {  	[dreg:$0x1] =	wrdreg $0xFFFFFFFF  }
0xc2: {  	_ =	task.clear_ibuf [dreg:s6], $0x2FFFF;
	_ =	strace $0x9FFFFFFF  }
0xc3: {  	(tm) =	ssettm $0x7FFFFFFF  }
tec
execute0_lowered:
.L_overlay_start_1:
0x0: {  	(tag) =	ssettag $0x1  }
0x1: {  	s0 =	rddreg [dreg:$0x0]  }
0x2: {  	s1 =	rddreg [dreg:$0x1]  }
0x3: {  	s3 =	rddreg [dreg:$0x2];
	s14 =	simm.s32 $0x0;
	s2 =	srdreg.scid  }
0x4: {  	s10 =	stileid.u32;
	s30 =	simm.s32 $0x40;
	s12 =	simm.s32 $0x5  }
0x5: {  	s13 =	simm.s32 $0xD;
	s11 =	simm.s32 $0x8380;
	[smem:$0x7FF] =	sst s14  }
0x6: {  	s2 =	sand.u32 $0x1, s2;
	s4 =	smul.u32 $0x4F00, s10;
	s7 =	sshll.u32 s10, $0x1  }
0x7: {  	s5 =	sadd.s32 $0x14C00, s0;
	s8 =	sadd.s32 $0x14600, s0;
	s16 =	sadd.s32 $0x14000, s0  }
0x8: {  	s17 =	sadd.s32 $0x28C00, s0;
	s19 =	sshll.u32 s10, $0x6;
	s20 =	smul.u32 $0x1400, s10  }
0x9: {  	s21 =	smul.u32 $0xA0, s10;
	_ =	strace $0x80000047;
	[dreg:$0x4] =	wrdreg s8  }
0xa: {  	s10 =	simm.s32 $0x11;
	s6 =	smul.u32 $0x4F000, s2;
	[dreg:$0x5] =	wrdreg s16  }
0xb: {  	s7 =	sor.u32 s2, s7;
	[dreg:$0x6] =	wrdreg s17;
	s2 =	ssub.s32 $0x2, s2  }
0xc: {  	s15 =	sor.u32 $0x1C11, s19;
	s19 =	simm.s32 $0x80;
	s16 =	simm.s32 $0x0  }
0xd: {  	s7 =	smul.u32 $0x4F0, s7;
	s18 =	sshrl.u32 s2, $0x1;
	s9 =	sadd.s32 s4, s1  }
0xe: {  	s8 =	sadd.s32 s5, s20;
	s24 =	sor.u32 $0x3, s21;
	s25 =	sor.u32 $0x4, s21  }
0xf: {  	s26 =	sor.u32 $0x5, s21;
	s17 =	sor.u32 $0x6, s21;
	[dreg:$0x7] =	wrdreg s15  }
0x10: {  	s21 =	simm.s32 $0xE;
	s20 =	simm.s32 $0x8;
	[dreg:$0x9] =	wrdreg s8  }
0x11: {  	s6 =	sadd.s32 s4, s6;
	s2 =	ssub.s32 s2, s18;
	[dreg:$0xc] =	wrdreg s24  }
0x12: {  	s4 =	sadd.s32 s4, s3;
	s23 =	sadd.s32 $0x20, s8;
	[dreg:$0xd] =	wrdreg s25  }
0x13: {  	s8 =	sadd.s32 $0x40, s8;
	[dreg:$0xe] =	wrdreg s26;
	s9 =	sshrl.u32 s9, $0x3  }
0x14: {  	s24 =	simm.s32 $0x2780;
	s26 =	simm.s32 $0x9380;
	s18 =	simm.s32 $0x5300  }
0x15: {  	s25 =	simm.s32 $0xF;
	s6 =	sshrl.u32 s6, $0x3;
	[dreg:$0xa] =	wrdreg s23  }
0x16: {  	[dreg:$0xb] =	wrdreg s8;
	s29 =	smax.u32 s2, $0x1;
	s31 =	sshrl.u32 s4, $0x3  }
0x17: {  	s8 =	simm.s32 $0x7380;
	s23 =	simm.s32 $0x4;
	[dreg:$0x12] =	wrdreg s9  }
0x18: {  	s4 =	simm.s32 $0x10;
	s6 =	sadd.s32 s6, s0;
	[dreg:$0x11] =	wrdreg s29  }
0x19: {  	s0 =	sadd.s32 s7, s0;
	[dreg:$0x13] =	wrdreg s31;
	s22 =	sadd.s32 $0x400, s6  }
0x1a: {  	s7 =	simm.s32 $0x3;
	s0 =	sadd.s32 $0x3D200, s0;
	[dreg:$0x8] =	wrdreg s22  }
0x1b: {  	s28 =	sadd.s32 $0x29600, s6;
	s6 =	simm.s32 $0x5200;
	[dreg:$0xf] =	wrdreg s0  }
0x1c: {  	v0 =	vimm.f32 $0.0e+00;
	[dreg:$0x10] =	wrdreg s28;
	s0 =	simm.s32 $0x6;
	s22 =	simm.s32 $0x7  }
.LBB2_1:
0x1d: {  	[dreg:$0x14] =	wrdreg s16  }
0x1e: {  	s2 =	rddreg [dreg:$0x6]  }
0x1f: {  	[spmem:s9], [sflag:s15] =	dma.local [hbm:s2], $0x9E0  }
0x20: {  	_ =	swait.ge [sflag:s10], $0x9E0  }
0x21: {  	[sflag:s10] =	ssyncset.done $0x0;
	s16 =	rddreg [dreg:$0x8]  }
0x22: {  	s28 =	rddreg [dreg:$0x13];
	[sflag:s10] =	ssyncadd.s32 $0xFFFFF620  }
0x23: {  	[spmem:s28], [sflag:s15] =	dma.local [hbm:s16], $0x9E0  }
0x24: {  	_ =	swait.ge [sflag:s10], $0x9E0  }
0x25: {  	[sflag:s10] =	ssyncset.done $0x0  }
0x26: {  	s29 =	rddreg [dreg:$0x4];
	[sflag:s10] =	ssyncadd.s32 $0xFFFFF620  }
0x27: {  	[tilespmem:s14], [sflag:$0x11] =	stream.linear.gather [hbm4b:s29+s14], $0x2780, $0x38;
	[tilespmem:$0x15900] =	vst v63  }
0x28: {  	_ =	swait.ge [sflag:s10], $0x2780  }
0x29: {  	[sflag:s10] =	ssyncset.done $0x0  }
0x2a: {  	s31 =	rddreg [dreg:$0x5];
	[sflag:s10] =	ssyncadd.s32 $0xFFFFD880  }
0x2b: {  	[tilespmem:s24], [sflag:$0x11] =	stream.linear.gather [hbm4b:s31+s14], $0x2780, $0x38;
	[tilespmem:$0x15900] =	vst v63  }
0x2c: {  	_ =	swait.ge [sflag:s10], $0x2780  }
0x2d: {  	[sflag:s10] =	ssyncset.done $0x0  }
0x2e: {  	s2 =	simm.s32 $0x40;
	s9 =	simm.s32 $0x0;
	[sflag:s10] =	ssyncadd.s32 $0xFFFFD880  }
.LBB2_2:
0x2f: {  	p0 =	sne.s32 s2, $0x9DC0;
	[tilespmem:s9+$0x9380] =	vst v0;
	s9 =	smov.u32 s2;
	s2 =	sadd.s32 $0x40, s2  }
.Ltmp0:
0x30: {  	(pc) =	sbr.rel @p0 .LBB2_2-.Ltmp0, $2  }
0x31: {  	_ =	sdelay $0x2  }
0x32: {  	s9 =	sshra.s32 s9, $0x2  }
0x33: {  	[tilespmem:s9+$0x9380] =	vst v0  }
0x34: {  	[bflag:$0x0] =	sbarrier.arrive $0xFFFF  }
0x35: {  	s9 =	simm.s32 $0x0;
	s10 =	simm.s32 $0x4F00;
	s2 =	rddreg [dreg:$0x9]  }
0x36: {  	[tilespmem:s10], [sflag:$0x1] =	stream.linear.gather [hbm4b:s2+s9], $0x100, $0x38;
	[tilespmem:$0x15900] =	vst v63  }
0x37: {  	s14 =	simm.s32 $0x5000;
	s16 =	rddreg [dreg:$0xa]  }
0x38: {  	[tilespmem:s14], [sflag:$0x2] =	stream.linear.gather [hbm4b:s16+s9], $0x100, $0x38;
	[tilespmem:$0x15900] =	vst v63  }
0x39: {  	s15 =	simm.s32 $0x5100;
	s29 =	simm.s32 $0x1;
	s28 =	rddreg [dreg:$0xb]  }
0x3a: {  	[tilespmem:s15], [sflag:$0x3] =	stream.linear.gather [hbm4b:s28+s9], $0x100, $0x38;
	[tilespmem:$0x15900] =	vst v63  }
0x3b: {  	_ =	swait.ge [sflag:s29], $0x100  }
0x3c: {  	[sflag:s29] =	ssyncset.done $0x0  }
0x3d: {  	s31 =	simm.s32 $0x5380;
	[sflag:s29] =	ssyncadd.s32 $0xFFFFFF00  }
0x3e: {  	[tilespmem:s31], [sflag:$0x5] =	stream.indirect.gather [spmem:s3], $0x20, s10, s30, $0xb8;
	[tilespmem:$0x15900] =	vst v63  }
0x3f: {  	s16 =	simm.s32 $0x2;
	s15 =	simm.s32 $0x5B80;
	s10 =	simm.s32 $0x4F40  }
0x40: {  	[tilespmem:s15], [sflag:$0xD] =	stream.indirect.gather [spmem:s3], $0x20, s10, s30, $0xb8;
	[tilespmem:$0x15900] =	vst v63  }
0x41: {  	_ =	swait.ge [sflag:s16], $0x100  }
0x42: {  	[sflag:s16] =	ssyncset.done $0x0  }
0x43: {  	s28 =	simm.s32 $0x6380;
	[sflag:s16] =	ssyncadd.s32 $0xFFFFFF00  }
0x44: {  	[tilespmem:s28], [sflag:$0x6] =	stream.indirect.gather [spmem:s3], $0x20, s14, s30, $0xb8;
	[tilespmem:$0x15900] =	vst v63  }
0x45: {  	s29 =	simm.s32 $0x5040;
	s31 =	simm.s32 $0x6B80;
	s10 =	simm.s32 $0x0  }
0x46: {  	[tilespmem:s31], [sflag:$0xE] =	stream.indirect.gather [spmem:s3], $0x20, s29, s30, $0xb8;
	[tilespmem:$0x15900] =	vst v63  }
.LBB2_4:
0x47: {  	p0 =	seq.s32 s10, $0x0  }
0x48: {  	s2 =	simm.s32 @!p0 $0xC  }
0x49: {  	_ =	swait.ge @!p0 [sflag:s2], $0x1000  }
0x4a: {  	s28 =	sshll.u32 s10, $0x2;
	s14 =	rddreg [dreg:$0xc]  }
0x4b: {  	s14 =	sadd.s32 s28, s14  }
0x4c: {  	[sflag:s2] =	ssyncset.done @!p0 $0x0;
	s14 =	sshll.u32 s14, $0x5  }
0x4d: {  	[sflag:s2] =	ssyncadd.s32 @!p0 $0xFFFFF000;
	s15 =	sadd.s32 s5, s14  }
0x4e: {  	[tilespmem:s6], [sflag:$0x4] =	stream.linear.gather [hbm4b:s15+s9], $0x100, $0x38;
	[tilespmem:$0x15900] =	vst v63  }
0x4f: {  	_ =	swait.ge [sflag:s7], $0x100  }
0x50: {  	[sflag:s7] =	ssyncset.done $0x0  }
0x51: {  	s16 =	simm.s32 $0x5100;
	[sflag:s7] =	ssyncadd.s32 $0xFFFFFF00  }
0x52: {  	[tilespmem:s8], [sflag:$0x7] =	stream.indirect.gather [spmem:s3], $0x20, s16, s30, $0xb8;
	[tilespmem:$0x15900] =	vst v63  }
0x53: {  	s14 =	simm.s32 $0x5140;
	s15 =	simm.s32 $0x7B80  }
0x54: {  	[tilespmem:s15], [sflag:$0xF] =	stream.indirect.gather [spmem:s3], $0x20, s14, s30, $0xb8;
	[tilespmem:$0x15900] =	vst v63  }
0x55: {  	v1 =	vld [tilespmem:$0x4F00]  }
0x56: {  	v2 =	vld [tilespmem:$0x4F80];
	_ =	sdelay $0x6  }
0x57: {  	v1 =	vld.idx.msk [tilespmem:v1+s9+$0x0], $0xffff  }
0x58: {  	v3 =	vld.idx.msk [tilespmem:v2+s24+$0x0], $0xffff;
	_ =	sdelay $0x4  }
0x59: {  	v1 =	vadd.f32 v3, v1;
	_ =	sdelay $0x1  }
0x5a: {  	v3 =	vmul.f32 $2.000000030e-01, v1  }
0x5b: {  	vm0 =	vge.f32 v1, $0.0e+00  }
0x5c: {  	v1 =	vsel vm0, v1, v3  }
0x5d: {  	v1 =	vmul.f32 $1.442695020e+00, v1;
	_ =	sdelay $0x1  }
0x5e: {  	(erf) = vpow2.f32 v1;
	_ =	sdelay $0x8  }
0x5f: {  	v1 =	vpop (erf)  }
0x60: {  	[tilespmem:$0x5300] =	vst v1  }
0x61: {  	[tilespmem:v2+s26+$0x0] =	vst.idx.add.f32.msk $0xffff, v1  }
0x62: {  	v1 =	vld [tilespmem:$0x4F10]  }
0x63: {  	v2 =	vld [tilespmem:$0x4F90];
	_ =	sdelay $0x6  }
0x64: {  	v1 =	vld.idx.msk [tilespmem:v1+s9+$0x0], $0xffff  }
0x65: {  	v3 =	vld.idx.msk [tilespmem:v2+s24+$0x0], $0xffff;
	_ =	sdelay $0x4  }
0x66: {  	v1 =	vadd.f32 v3, v1;
	_ =	sdelay $0x1  }
0x67: {  	v3 =	vmul.f32 $2.000000030e-01, v1  }
0x68: {  	vm9 =	vge.f32 v1, $0.0e+00  }
0x69: {  	v1 =	vsel vm9, v1, v3  }
0x6a: {  	v1 =	vmul.f32 $1.442695020e+00, v1;
	_ =	sdelay $0x1  }
0x6b: {  	(erf) = vpow2.f32 v1;
	_ =	sdelay $0x8  }
0x6c: {  	v1 =	vpop (erf)  }
0x6d: {  	[tilespmem:$0x5310] =	vst v1  }
0x6e: {  	[tilespmem:v2+s26+$0x0] =	vst.idx.add.f32.msk $0xffff, v1  }
0x6f: {  	v1 =	vld [tilespmem:$0x4F20]  }
0x70: {  	v2 =	vld [tilespmem:$0x4FA0];
	_ =	sdelay $0x6  }
0x71: {  	v1 =	vld.idx.msk [tilespmem:v1+s9+$0x0], $0xffff  }
0x72: {  	v3 =	vld.idx.msk [tilespmem:v2+s24+$0x0], $0xffff;
	_ =	sdelay $0x4  }
0x73: {  	v1 =	vadd.f32 v3, v1;
	_ =	sdelay $0x1  }
0x74: {  	v3 =	vmul.f32 $2.000000030e-01, v1  }
0x75: {  	vm10 =	vge.f32 v1, $0.0e+00  }
0x76: {  	v1 =	vsel vm10, v1, v3  }
0x77: {  	v1 =	vmul.f32 $1.442695020e+00, v1;
	_ =	sdelay $0x1  }
0x78: {  	(erf) = vpow2.f32 v1;
	_ =	sdelay $0x8  }
0x79: {  	v1 =	vpop (erf)  }
0x7a: {  	[tilespmem:$0x5320] =	vst v1  }
0x7b: {  	[tilespmem:v2+s26+$0x0] =	vst.idx.add.f32.msk $0xffff, v1  }
0x7c: {  	v1 =	vld [tilespmem:$0x4F30]  }
0x7d: {  	v2 =	vld [tilespmem:$0x4FB0];
	_ =	sdelay $0x6  }
0x7e: {  	v1 =	vld.idx.msk [tilespmem:v1+s9+$0x0], $0xffff  }
0x7f: {  	v3 =	vld.idx.msk [tilespmem:v2+s24+$0x0], $0xffff;
	_ =	sdelay $0x4  }
0x80: {  	v1 =	vadd.f32 v3, v1;
	_ =	sdelay $0x1  }
0x81: {  	v3 =	vmul.f32 $2.000000030e-01, v1  }
0x82: {  	vm11 =	vge.f32 v1, $0.0e+00  }
0x83: {  	v1 =	vsel vm11, v1, v3  }
0x84: {  	v1 =	vmul.f32 $1.442695020e+00, v1;
	_ =	sdelay $0x1  }
0x85: {  	(erf) = vpow2.f32 v1;
	_ =	sdelay $0x8  }
0x86: {  	v1 =	vpop (erf)  }
0x87: {  	[tilespmem:$0x5330] =	vst v1  }
0x88: {  	[tilespmem:v2+s26+$0x0] =	vst.idx.add.f32.msk $0xffff, v1  }
0x89: {  	v1 =	vld [tilespmem:$0x4F40]  }
0x8a: {  	v2 =	vld [tilespmem:$0x4FC0];
	_ =	sdelay $0x6  }
0x8b: {  	v1 =	vld.idx.msk [tilespmem:v1+s9+$0x0], $0xffff  }
0x8c: {  	v3 =	vld.idx.msk [tilespmem:v2+s24+$0x0], $0xffff;
	_ =	sdelay $0x4  }
0x8d: {  	v1 =	vadd.f32 v3, v1;
	_ =	sdelay $0x1  }
0x8e: {  	v3 =	vmul.f32 $2.000000030e-01, v1  }
0x8f: {  	vm12 =	vge.f32 v1, $0.0e+00  }
0x90: {  	v1 =	vsel vm12, v1, v3  }
0x91: {  	v1 =	vmul.f32 $1.442695020e+00, v1;
	_ =	sdelay $0x1  }
0x92: {  	(erf) = vpow2.f32 v1;
	_ =	sdelay $0x8  }
0x93: {  	v1 =	vpop (erf)  }
0x94: {  	[tilespmem:$0x5340] =	vst v1  }
0x95: {  	[tilespmem:v2+s26+$0x0] =	vst.idx.add.f32.msk $0xffff, v1  }
0x96: {  	v1 =	vld [tilespmem:$0x4F50]  }
0x97: {  	v2 =	vld [tilespmem:$0x4FD0];
	_ =	sdelay $0x6  }
0x98: {  	v1 =	vld.idx.msk [tilespmem:v1+s9+$0x0], $0xffff  }
0x99: {  	v3 =	vld.idx.msk [tilespmem:v2+s24+$0x0], $0xffff;
	_ =	sdelay $0x4  }
0x9a: {  	v1 =	vadd.f32 v3, v1;
	_ =	sdelay $0x1  }
0x9b: {  	v3 =	vmul.f32 $2.000000030e-01, v1  }
0x9c: {  	vm13 =	vge.f32 v1, $0.0e+00  }
0x9d: {  	v1 =	vsel vm13, v1, v3  }
0x9e: {  	v1 =	vmul.f32 $1.442695020e+00, v1;
	_ =	sdelay $0x1  }
0x9f: {  	(erf) = vpow2.f32 v1;
	_ =	sdelay $0x8  }
0xa0: {  	v1 =	vpop (erf)  }
0xa1: {  	[tilespmem:$0x5350] =	vst v1  }
0xa2: {  	[tilespmem:v2+s26+$0x0] =	vst.idx.add.f32.msk $0xffff, v1  }
0xa3: {  	v1 =	vld [tilespmem:$0x4F60]  }
0xa4: {  	v2 =	vld [tilespmem:$0x4FE0];
	_ =	sdelay $0x6  }
0xa5: {  	v1 =	vld.idx.msk [tilespmem:v1+s9+$0x0], $0xffff  }
0xa6: {  	v3 =	vld.idx.msk [tilespmem:v2+s24+$0x0], $0xffff;
	_ =	sdelay $0x4  }
0xa7: {  	v1 =	vadd.f32 v3, v1;
	_ =	sdelay $0x1  }
0xa8: {  	v3 =	vmul.f32 $2.000000030e-01, v1  }
0xa9: {  	vm14 =	vge.f32 v1, $0.0e+00  }
0xaa: {  	v1 =	vsel vm14, v1, v3  }
0xab: {  	v1 =	vmul.f32 $1.442695020e+00, v1;
	_ =	sdelay $0x1  }
0xac: {  	(erf) = vpow2.f32 v1;
	_ =	sdelay $0x8  }
0xad: {  	v1 =	vpop (erf)  }
0xae: {  	[tilespmem:$0x5360] =	vst v1  }
0xaf: {  	[tilespmem:v2+s26+$0x0] =	vst.idx.add.f32.msk $0xffff, v1  }
0xb0: {  	v1 =	vld [tilespmem:$0x4F70]  }
0xb1: {  	v2 =	vld [tilespmem:$0x4FF0];
	_ =	sdelay $0x6  }
0xb2: {  	v1 =	vld.idx.msk [tilespmem:v1+s9+$0x0], $0xffff  }
0xb3: {  	v3 =	vld.idx.msk [tilespmem:v2+s24+$0x0], $0xffff;
	_ =	sdelay $0x4  }
0xb4: {  	v1 =	vadd.f32 v3, v1;
	_ =	sdelay $0x1  }
0xb5: {  	v3 =	vmul.f32 $2.000000030e-01, v1  }
0xb6: {  	vm15 =	vge.f32 v1, $0.0e+00  }
0xb7: {  	v1 =	vsel vm15, v1, v3  }
0xb8: {  	v1 =	vmul.f32 $1.442695020e+00, v1;
	_ =	sdelay $0x1  }
0xb9: {  	(erf) = vpow2.f32 v1;
	_ =	sdelay $0x8  }
0xba: {  	v1 =	vpop (erf)  }
0xbb: {  	v3 =	vmov s9;
	[tilespmem:$0x5370] =	vst v1  }
0xbc: {  	[tilespmem:v2+s26+$0x0] =	vst.idx.add.f32.msk $0xffff, v1;
	v1 =	vand.u32 $0xFFFFFFFE, v3  }
0xbd: {  	_ =	swait.ge [sflag:s12], $0x800;
	v1 =	vbroadcast v1, $0x0  }
0xbe: {  	[sflag:s12] =	ssyncset.done $0x0  }
0xbf: {  	[sflag:s12] =	ssyncadd.s32 $0xFFFFF800  }
0xc0: {  	_ =	swait.ge [sflag:s13], $0x800  }
0xc1: {  	[sflag:s13] =	ssyncset.done $0x0  }
0xc2: {  	[sflag:s13] =	ssyncadd.s32 $0xFFFFF800  }
0xc3: {  	s29 =	simm.s32 $0x53A0;
	v1 =	vld.idx.msk [tilespmem:v1+s18+$0x0], $0xffff  }
0xc4: {  	v2 =	vld [tilespmem:s29+$0xFFFFFFE0]  }
0xc5: {  	v3 =	vld [tilespmem:s29+$0xFFFFFFF0];
	_ =	sdelay $0x1  }
0xc6: {  	s16 =	simm.s32 $0x1  }
0xc7: {  	v4 =	vmov s16  }
0xc8: {  	v2 =	vmul.f32 v2, v1  }
0xc9: {  	v1 =	vmul.f32 v3, v1  }
0xca: {  	v5 =	vld [tilespmem:s29+$0x10];
	[tilespmem:s29+$0xFFFFFFE0] =	vst v2  }
0xcb: {  	[tilespmem:s29+$0xFFFFFFF0] =	vst v1;
	v2 =	vld [tilespmem:s29+$0x0]  }
0xcc: {  	v4 =	vld.idx.msk [tilespmem:v4+s18+$0x0], $0xffff  }
0xcd: {  	s31 =	simm.s32 $0x2  }
0xce: {  	v1 =	vmov s31  }
0xcf: {  	v1 =	vand.u32 $0xFFFFFFFE, v1  }
0xd0: {  	v1 =	vbroadcast v1, $0x0  }
0xd1: {  	s2 =	simm.s32 $0x53A0;
	s14 =	simm.s32 $0x4;
	v3 =	vmul.f32 v2, v4;
	v2 =	vmul.f32 v5, v4  }
.LBB2_5:
0xd2: {  	p0 =	sne.s32 s14, $0x7E  }
0xd3: {  	s29 =	sadd.s32 $0x40, s29;
	s15 =	smov.u32 s14;
	s14 =	sadd.s32 $0x2, s14  }
0xd4: {  	[tilespmem:s2+$0x0] =	vst v3  }
0xd5: {  	v3 =	vld [tilespmem:s29+$0xFFFFFFF0];
	[tilespmem:s2+$0x10] =	vst v2;
	s2 =	smov.u32 s29  }
0xd6: {  	v1 =	vld.idx.msk [tilespmem:v1+s18+$0x0], $0xffff  }
0xd7: {  	v2 =	vld [tilespmem:s29+$0xFFFFFFE0];
	_ =	sdelay $0x1  }
0xd8: {  	s16 =	sadd.s32 $0x1, s31;
	s31 =	smov.u32 s15  }
0xd9: {  	v4 =	vmov s16;
	_ =	sdelay $0x1  }
0xda: {  	v2 =	vmul.f32 v2, v1;
	v1 =	vmul.f32 v3, v1;
	_ =	sdelay $0x1  }
0xdb: {  	[tilespmem:s29+$0xFFFFFFE0] =	vst v2  }
0xdc: {  	[tilespmem:s29+$0xFFFFFFF0] =	vst v1;
	v2 =	vld [tilespmem:s29+$0x0]  }
0xdd: {  	v4 =	vld.idx.msk [tilespmem:v4+s18+$0x0], $0xffff  }
0xde: {  	v5 =	vld [tilespmem:s29+$0x10]  }
.Ltmp1:
0xdf: {  	v1 =	vmov s31;
	(pc) =	sbr.rel @p0 .LBB2_5-.Ltmp1, $3  }
0xe0: {  	v1 =	vand.u32 $0xFFFFFFFE, v1  }
0xe1: {  	v1 =	vbroadcast v1, $0x0;
	_ =	sdelay $0x1  }
0xe2: {  	v3 =	vmul.f32 v2, v4;
	v2 =	vmul.f32 v5, v4  }
0xe3: {  	_ =	sdelay $0x1  }
0xe4: {  	s14 =	sadd.s32 $0x40, s29;
	[tilespmem:s2+$0x0] =	vst v3  }
0xe5: {  	v3 =	vld [tilespmem:s14+$0xFFFFFFF0];
	[tilespmem:s2+$0x10] =	vst v2  }
0xe6: {  	v1 =	vld.idx.msk [tilespmem:v1+s18+$0x0], $0xffff  }
0xe7: {  	v2 =	vld [tilespmem:s14+$0xFFFFFFE0];
	_ =	sdelay $0x2  }
0xe8: {  	s16 =	sadd.s32 $0x1, s31  }
0xe9: {  	v4 =	vmov s16  }
0xea: {  	v2 =	vmul.f32 v2, v1  }
0xeb: {  	v1 =	vmul.f32 v3, v1  }
0xec: {  	[tilespmem:s14+$0xFFFFFFE0] =	vst v2  }
0xed: {  	[tilespmem:s14+$0xFFFFFFF0] =	vst v1;
	v1 =	vld [tilespmem:s14+$0x0]  }
0xee: {  	v2 =	vld.idx.msk [tilespmem:v4+s18+$0x0], $0xffff  }
0xef: {  	v3 =	vld [tilespmem:s14+$0x10];
	_ =	sdelay $0x3  }
0xf0: {  	v1 =	vmul.f32 v1, v2  }
0xf1: {  	v2 =	vmul.f32 v3, v2  }
0xf2: {  	p0 =	seq.s32 s10, $0x27;
	[tilespmem:s14+$0x0] =	vst v1  }
0xf3: {  	s15 =	simm.s32 $0x5380;
	s16 =	simm.s32 $0x4F80;
	s2 =	simm.s32 @!p0 $0x9;
	[tilespmem:s14+$0x10] =	vst v2  }
0xf4: {  	[spmem:s1] =	stream.indirect.scatter.add.f32 [tilespmem:s15], [sflag:$0x9], $0x20, s16, s19, $0xb8;
	[tilespmem:$0x15900] =	vst v63  }
0xf5: {  	_ =	swait.ge @!p0 [sflag:s2], $0x1000  }
0xf6: {  	s14 =	rddreg [dreg:$0xd]  }
0xf7: {  	[sflag:s2] =	ssyncset.done @!p0 $0x0;
	s14 =	sadd.s32 @!p0 s28, s14  }
0xf8: {  	[sflag:s2] =	ssyncadd.s32 @!p0 $0xFFFFF000;
	s2 =	sshll.u32 @!p0 s14, $0x5  }
0xf9: {  	s15 =	simm.s32 @!p0 $0x4F00;
	s14 =	simm.s32 @!p0 $0x0;
	s2 =	sadd.s32 @!p0 s5, s2  }
0xfa: {  	[tilespmem:s15], [sflag:$0x1] =	stream.linear.gather @!p0 [hbm4b:s2+s14], $0x100, $0x38;
	[tilespmem:$0x15900] =	vst v63  }
0xfb: {  	_ =	swait.ge [sflag:s23], $0x100  }
0xfc: {  	[sflag:s23] =	ssyncset.done $0x0  }
0xfd: {  	[sflag:s23] =	ssyncadd.s32 $0xFFFFFF00  }
0xfe: {  	[tilespmem:s11], [sflag:$0x8] =	stream.indirect.gather [spmem:s3], $0x20, s6, s30, $0xb8;
	[tilespmem:$0x15900] =	vst v63  }
0xff: {  	s14 =	simm.s32 $0x5240;
	s15 =	simm.s32 $0x8B80  }
0x100: {  	[tilespmem:s15], [sflag:$0x10] =	stream.indirect.gather [spmem:s3], $0x20, s14, s30, $0xb8;
	[tilespmem:$0x15900] =	vst v63  }
0x101: {  	v1 =	vld [tilespmem:$0x5000]  }
0x102: {  	v2 =	vld [tilespmem:$0x5080];
	_ =	sdelay $0x5  }
0x103: {  	s29 =	simm.s32 $0x0  }
0x104: {  	v1 =	vld.idx.msk [tilespmem:v1+s29+$0x0], $0xffff  }
0x105: {  	v3 =	vld.idx.msk [tilespmem:v2+s24+$0x0], $0xffff;
	_ =	sdelay $0x4  }
0x106: {  	v1 =	vadd.f32 v3, v1;
	_ =	sdelay $0x1  }
0x107: {  	v3 =	vmul.f32 $2.000000030e-01, v1  }
0x108: {  	vm0 =	vge.f32 v1, $0.0e+00  }
0x109: {  	v1 =	vsel vm0, v1, v3  }
0x10a: {  	v1 =	vmul.f32 $1.442695020e+00, v1;
	_ =	sdelay $0x1  }
0x10b: {  	(erf) = vpow2.f32 v1;
	_ =	sdelay $0x8  }
0x10c: {  	v1 =	vpop (erf)  }
0x10d: {  	[tilespmem:$0x5300] =	vst v1  }
0x10e: {  	[tilespmem:v2+s26+$0x0] =	vst.idx.add.f32.msk $0xffff, v1  }
0x10f: {  	v1 =	vld [tilespmem:$0x5010]  }
0x110: {  	v2 =	vld [tilespmem:$0x5090];
	_ =	sdelay $0x6  }
0x111: {  	v1 =	vld.idx.msk [tilespmem:v1+s29+$0x0], $0xffff  }
0x112: {  	v3 =	vld.idx.msk [tilespmem:v2+s24+$0x0], $0xffff;
	_ =	sdelay $0x4  }
0x113: {  	v1 =	vadd.f32 v3, v1;
	_ =	sdelay $0x1  }
0x114: {  	v3 =	vmul.f32 $2.000000030e-01, v1  }
0x115: {  	vm9 =	vge.f32 v1, $0.0e+00  }
0x116: {  	v1 =	vsel vm9, v1, v3  }
0x117: {  	v1 =	vmul.f32 $1.442695020e+00, v1;
	_ =	sdelay $0x1  }
0x118: {  	(erf) = vpow2.f32 v1;
	_ =	sdelay $0x8  }
0x119: {  	v1 =	vpop (erf)  }
0x11a: {  	[tilespmem:$0x5310] =	vst v1  }
0x11b: {  	[tilespmem:v2+s26+$0x0] =	vst.idx.add.f32.msk $0xffff, v1  }
0x11c: {  	v1 =	vld [tilespmem:$0x5020]  }
0x11d: {  	v2 =	vld [tilespmem:$0x50A0];
	_ =	sdelay $0x6  }
0x11e: {  	v1 =	vld.idx.msk [tilespmem:v1+s29+$0x0], $0xffff  }
0x11f: {  	v3 =	vld.idx.msk [tilespmem:v2+s24+$0x0], $0xffff;
	_ =	sdelay $0x4  }
0x120: {  	v1 =	vadd.f32 v3, v1;
	_ =	sdelay $0x1  }
0x121: {  	v3 =	vmul.f32 $2.000000030e-01, v1  }
0x122: {  	vm10 =	vge.f32 v1, $0.0e+00  }
0x123: {  	v1 =	vsel vm10, v1, v3  }
0x124: {  	v1 =	vmul.f32 $1.442695020e+00, v1;
	_ =	sdelay $0x1  }
0x125: {  	(erf) = vpow2.f32 v1;
	_ =	sdelay $0x8  }
0x126: {  	v1 =	vpop (erf)  }
0x127: {  	[tilespmem:$0x5320] =	vst v1  }
0x128: {  	[tilespmem:v2+s26+$0x0] =	vst.idx.add.f32.msk $0xffff, v1  }
0x129: {  	v1 =	vld [tilespmem:$0x5030]  }
0x12a: {  	v2 =	vld [tilespmem:$0x50B0];
	_ =	sdelay $0x6  }
0x12b: {  	v1 =	vld.idx.msk [tilespmem:v1+s29+$0x0], $0xffff  }
0x12c: {  	v3 =	vld.idx.msk [tilespmem:v2+s24+$0x0], $0xffff;
	_ =	sdelay $0x4  }
0x12d: {  	v1 =	vadd.f32 v3, v1;
	_ =	sdelay $0x1  }
0x12e: {  	v3 =	vmul.f32 $2.000000030e-01, v1  }
0x12f: {  	vm11 =	vge.f32 v1, $0.0e+00  }
0x130: {  	v1 =	vsel vm11, v1, v3  }
0x131: {  	v1 =	vmul.f32 $1.442695020e+00, v1;
	_ =	sdelay $0x1  }
0x132: {  	(erf) = vpow2.f32 v1;
	_ =	sdelay $0x8  }
0x133: {  	v1 =	vpop (erf)  }
0x134: {  	[tilespmem:$0x5330] =	vst v1  }
0x135: {  	[tilespmem:v2+s26+$0x0] =	vst.idx.add.f32.msk $0xffff, v1  }
0x136: {  	v1 =	vld [tilespmem:$0x5040]  }
0x137: {  	v2 =	vld [tilespmem:$0x50C0];
	_ =	sdelay $0x6  }
0x138: {  	v1 =	vld.idx.msk [tilespmem:v1+s29+$0x0], $0xffff  }
0x139: {  	v3 =	vld.idx.msk [tilespmem:v2+s24+$0x0], $0xffff;
	_ =	sdelay $0x4  }
0x13a: {  	v1 =	vadd.f32 v3, v1;
	_ =	sdelay $0x1  }
0x13b: {  	v3 =	vmul.f32 $2.000000030e-01, v1  }
0x13c: {  	vm12 =	vge.f32 v1, $0.0e+00  }
0x13d: {  	v1 =	vsel vm12, v1, v3  }
0x13e: {  	v1 =	vmul.f32 $1.442695020e+00, v1;
	_ =	sdelay $0x1  }
0x13f: {  	(erf) = vpow2.f32 v1;
	_ =	sdelay $0x8  }
0x140: {  	v1 =	vpop (erf)  }
0x141: {  	[tilespmem:$0x5340] =	vst v1  }
0x142: {  	[tilespmem:v2+s26+$0x0] =	vst.idx.add.f32.msk $0xffff, v1  }
0x143: {  	v1 =	vld [tilespmem:$0x5050]  }
0x144: {  	v2 =	vld [tilespmem:$0x50D0];
	_ =	sdelay $0x6  }
0x145: {  	v1 =	vld.idx.msk [tilespmem:v1+s29+$0x0], $0xffff  }
0x146: {  	v3 =	vld.idx.msk [tilespmem:v2+s24+$0x0], $0xffff;
	_ =	sdelay $0x4  }
0x147: {  	v1 =	vadd.f32 v3, v1;
	_ =	sdelay $0x1  }
0x148: {  	v3 =	vmul.f32 $2.000000030e-01, v1  }
0x149: {  	vm13 =	vge.f32 v1, $0.0e+00  }
0x14a: {  	v1 =	vsel vm13, v1, v3  }
0x14b: {  	v1 =	vmul.f32 $1.442695020e+00, v1;
	_ =	sdelay $0x1  }
0x14c: {  	(erf) = vpow2.f32 v1;
	_ =	sdelay $0x8  }
0x14d: {  	v1 =	vpop (erf)  }
0x14e: {  	[tilespmem:$0x5350] =	vst v1  }
0x14f: {  	[tilespmem:v2+s26+$0x0] =	vst.idx.add.f32.msk $0xffff, v1  }
0x150: {  	v1 =	vld [tilespmem:$0x5060]  }
0x151: {  	v2 =	vld [tilespmem:$0x50E0];
	_ =	sdelay $0x6  }
0x152: {  	v1 =	vld.idx.msk [tilespmem:v1+s29+$0x0], $0xffff  }
0x153: {  	v3 =	vld.idx.msk [tilespmem:v2+s24+$0x0], $0xffff;
	_ =	sdelay $0x4  }
0x154: {  	v1 =	vadd.f32 v3, v1;
	_ =	sdelay $0x1  }
0x155: {  	v3 =	vmul.f32 $2.000000030e-01, v1  }
0x156: {  	vm14 =	vge.f32 v1, $0.0e+00  }
0x157: {  	v1 =	vsel vm14, v1, v3  }
0x158: {  	v1 =	vmul.f32 $1.442695020e+00, v1;
	_ =	sdelay $0x1  }
0x159: {  	(erf) = vpow2.f32 v1;
	_ =	sdelay $0x8  }
0x15a: {  	v1 =	vpop (erf)  }
0x15b: {  	[tilespmem:$0x5360] =	vst v1  }
0x15c: {  	[tilespmem:v2+s26+$0x0] =	vst.idx.add.f32.msk $0xffff, v1  }
0x15d: {  	v1 =	vld [tilespmem:$0x5070]  }
0x15e: {  	v2 =	vld [tilespmem:$0x50F0];
	_ =	sdelay $0x6  }
0x15f: {  	v1 =	vld.idx.msk [tilespmem:v1+s29+$0x0], $0xffff  }
0x160: {  	v3 =	vld.idx.msk [tilespmem:v2+s24+$0x0], $0xffff;
	_ =	sdelay $0x4  }
0x161: {  	v1 =	vadd.f32 v3, v1;
	_ =	sdelay $0x1  }
0x162: {  	v3 =	vmul.f32 $2.000000030e-01, v1  }
0x163: {  	vm15 =	vge.f32 v1, $0.0e+00  }
0x164: {  	v1 =	vsel vm15, v1, v3  }
0x165: {  	v1 =	vmul.f32 $1.442695020e+00, v1;
	_ =	sdelay $0x1  }
0x166: {  	(erf) = vpow2.f32 v1;
	_ =	sdelay $0x8  }
0x167: {  	v1 =	vpop (erf)  }
0x168: {  	[tilespmem:$0x5370] =	vst v1  }
0x169: {  	[tilespmem:v2+s26+$0x0] =	vst.idx.add.f32.msk $0xffff, v1;
	v1 =	vmov s29  }
0x16a: {  	_ =	swait.ge [sflag:s0], $0x800;
	v1 =	vand.u32 $0xFFFFFFFE, v1  }
0x16b: {  	[sflag:s0] =	ssyncset.done $0x0;
	v1 =	vbroadcast v1, $0x0  }
0x16c: {  	[sflag:s0] =	ssyncadd.s32 $0xFFFFF800  }
0x16d: {  	_ =	swait.ge [sflag:s21], $0x800  }
0x16e: {  	[sflag:s21] =	ssyncset.done $0x0  }
0x16f: {  	s29 =	simm.s32 $0x63B0;
	[sflag:s21] =	ssyncadd.s32 $0xFFFFF800  }
0x170: {  	v2 =	vld [tilespmem:s29+$0xFFFFFFD0]  }
0x171: {  	v1 =	vld.idx.msk [tilespmem:v1+s18+$0x0], $0xffff  }
0x172: {  	v3 =	vld [tilespmem:s29+$0xFFFFFFE0];
	_ =	sdelay $0x1  }
0x173: {  	s16 =	simm.s32 $0x1  }
0x174: {  	v4 =	vmov s16  }
0x175: {  	v2 =	vmul.f32 v2, v1  }
0x176: {  	v1 =	vmul.f32 v3, v1  }
0x177: {  	v5 =	vld [tilespmem:s29+$0x0];
	[tilespmem:s29+$0xFFFFFFD0] =	vst v2  }
0x178: {  	[tilespmem:s29+$0xFFFFFFE0] =	vst v1;
	v2 =	vld [tilespmem:s29+$0xFFFFFFF0]  }
0x179: {  	v4 =	vld.idx.msk [tilespmem:v4+s18+$0x0], $0xffff  }
0x17a: {  	s31 =	simm.s32 $0x2  }
0x17b: {  	v1 =	vmov s31  }
0x17c: {  	v1 =	vand.u32 $0xFFFFFFFE, v1  }
0x17d: {  	v1 =	vbroadcast v1, $0x0  }
0x17e: {  	s2 =	simm.s32 $0x63B0;
	s14 =	simm.s32 $0x4;
	v3 =	vmul.f32 v2, v4;
	v2 =	vmul.f32 v5, v4  }
.LBB2_7:
0x17f: {  	p1 =	sne.s32 s14, $0x7E  }
0x180: {  	s29 =	sadd.s32 $0x40, s29;
	s15 =	smov.u32 s14;
	s14 =	sadd.s32 $0x2, s14  }
0x181: {  	[tilespmem:s2+$0xFFFFFFF0] =	vst v3  }
0x182: {  	v3 =	vld [tilespmem:s29+$0xFFFFFFD0];
	[tilespmem:s2+$0x0] =	vst v2;
	s2 =	smov.u32 s29  }
0x183: {  	v1 =	vld.idx.msk [tilespmem:v1+s18+$0x0], $0xffff  }
0x184: {  	v2 =	vld [tilespmem:s29+$0xFFFFFFE0];
	_ =	sdelay $0x1  }
0x185: {  	s16 =	sadd.s32 $0x1, s31;
	s31 =	smov.u32 s15  }
0x186: {  	v4 =	vmov s16;
	_ =	sdelay $0x1  }
0x187: {  	v3 =	vmul.f32 v3, v1;
	v1 =	vmul.f32 v2, v1;
	_ =	sdelay $0x1  }
0x188: {  	[tilespmem:s29+$0xFFFFFFD0] =	vst v3  }
0x189: {  	[tilespmem:s29+$0xFFFFFFE0] =	vst v1;
	v2 =	vld [tilespmem:s29+$0xFFFFFFF0]  }
0x18a: {  	v4 =	vld.idx.msk [tilespmem:v4+s18+$0x0], $0xffff  }
0x18b: {  	v5 =	vld [tilespmem:s29+$0x0]  }
.Ltmp2:
0x18c: {  	v1 =	vmov s31;
	(pc) =	sbr.rel @p1 .LBB2_7-.Ltmp2, $3  }
0x18d: {  	v1 =	vand.u32 $0xFFFFFFFE, v1  }
0x18e: {  	v1 =	vbroadcast v1, $0x0;
	_ =	sdelay $0x1  }
0x18f: {  	v3 =	vmul.f32 v2, v4;
	v2 =	vmul.f32 v5, v4  }
0x190: {  	_ =	sdelay $0x1  }
0x191: {  	s14 =	sadd.s32 $0x40, s29;
	[tilespmem:s2+$0xFFFFFFF0] =	vst v3  }
0x192: {  	v3 =	vld [tilespmem:s14+$0xFFFFFFD0];
	[tilespmem:s2+$0x0] =	vst v2  }
0x193: {  	v1 =	vld.idx.msk [tilespmem:v1+s18+$0x0], $0xffff  }
0x194: {  	v2 =	vld [tilespmem:s14+$0xFFFFFFE0];
	_ =	sdelay $0x1  }
0x195: {  	s16 =	sadd.s32 $0x1, s31  }
0x196: {  	v4 =	vmov s16  }
0x197: {  	v3 =	vmul.f32 v3, v1  }
0x198: {  	v1 =	vmul.f32 v2, v1  }
0x199: {  	[tilespmem:s14+$0xFFFFFFD0] =	vst v3  }
0x19a: {  	[tilespmem:s14+$0xFFFFFFE0] =	vst v1;
	v1 =	vld [tilespmem:s14+$0xFFFFFFF0]  }
0x19b: {  	v2 =	vld.idx.msk [tilespmem:v4+s18+$0x0], $0xffff  }
0x19c: {  	v3 =	vld [tilespmem:s14+$0x0];
	_ =	sdelay $0x3  }
0x19d: {  	v1 =	vmul.f32 v1, v2  }
0x19e: {  	v2 =	vmul.f32 v3, v2  }
0x19f: {  	[tilespmem:s14+$0xFFFFFFF0] =	vst v1  }
0x1a0: {  	s15 =	simm.s32 $0x5080;
	s2 =	simm.s32 @!p0 $0xA;
	[tilespmem:s14+$0x0] =	vst v2;
	s14 =	simm.s32 $0x6380  }
0x1a1: {  	[spmem:s1] =	stream.indirect.scatter.add.f32 [tilespmem:s14], [sflag:$0xA], $0x20, s15, s19, $0xb8;
	[tilespmem:$0x15900] =	vst v63  }
0x1a2: {  	_ =	swait.ge @!p0 [sflag:s2], $0x1000  }
0x1a3: {  	s14 =	rddreg [dreg:$0xe]  }
0x1a4: {  	[sflag:s2] =	ssyncset.done @!p0 $0x0;
	s14 =	sadd.s32 @!p0 s28, s14  }
0x1a5: {  	[sflag:s2] =	ssyncadd.s32 @!p0 $0xFFFFF000;
	s2 =	sshll.u32 @!p0 s14, $0x5  }
0x1a6: {  	s15 =	simm.s32 @!p0 $0x5000;
	s14 =	simm.s32 @!p0 $0x0;
	s2 =	sadd.s32 @!p0 s5, s2  }
0x1a7: {  	[tilespmem:s15], [sflag:$0x2] =	stream.linear.gather @!p0 [hbm4b:s2+s14], $0x100, $0x38;
	[tilespmem:$0x15900] =	vst v63  }
0x1a8: {  	s2 =	simm.s32 @!p0 $0x1  }
0x1a9: {  	_ =	swait.ge @!p0 [sflag:s2], $0x100  }
0x1aa: {  	s14 =	simm.s32 @!p0 $0x4F00;
	[sflag:s2] =	ssyncset.done @!p0 $0x0  }
0x1ab: {  	s15 =	simm.s32 @!p0 $0x5380;
	[sflag:s2] =	ssyncadd.s32 @!p0 $0xFFFFFF00;
	s2 =	simm.s32 @!p0 $0x40  }
0x1ac: {  	[tilespmem:s15], [sflag:$0x5] =	stream.indirect.gather @!p0 [spmem:s3], $0x20, s14, s2, $0xb8;
	[tilespmem:$0x15900] =	vst v63  }
0x1ad: {  	s14 =	simm.s32 @!p0 $0x4F40;
	s15 =	simm.s32 @!p0 $0x5B80  }
0x1ae: {  	[tilespmem:s15], [sflag:$0xD] =	stream.indirect.gather @!p0 [spmem:s3], $0x20, s14, s2, $0xb8;
	[tilespmem:$0x15900] =	vst v63  }
0x1af: {  	v1 =	vld [tilespmem:$0x5100]  }
0x1b0: {  	v2 =	vld [tilespmem:$0x5180];
	_ =	sdelay $0x5  }
0x1b1: {  	s29 =	simm.s32 $0x0  }
0x1b2: {  	v1 =	vld.idx.msk [tilespmem:v1+s29+$0x0], $0xffff  }
0x1b3: {  	v3 =	vld.idx.msk [tilespmem:v2+s24+$0x0], $0xffff;
	_ =	sdelay $0x4  }
0x1b4: {  	v1 =	vadd.f32 v3, v1;
	_ =	sdelay $0x1  }
0x1b5: {  	v3 =	vmul.f32 $2.000000030e-01, v1  }
0x1b6: {  	vm0 =	vge.f32 v1, $0.0e+00  }
0x1b7: {  	v1 =	vsel vm0, v1, v3  }
0x1b8: {  	v1 =	vmul.f32 $1.442695020e+00, v1;
	_ =	sdelay $0x1  }
0x1b9: {  	(erf) = vpow2.f32 v1;
	_ =	sdelay $0x8  }
0x1ba: {  	v1 =	vpop (erf)  }
0x1bb: {  	[tilespmem:$0x5300] =	vst v1  }
0x1bc: {  	[tilespmem:v2+s26+$0x0] =	vst.idx.add.f32.msk $0xffff, v1  }
0x1bd: {  	v1 =	vld [tilespmem:$0x5110]  }
0x1be: {  	v2 =	vld [tilespmem:$0x5190];
	_ =	sdelay $0x6  }
0x1bf: {  	v1 =	vld.idx.msk [tilespmem:v1+s29+$0x0], $0xffff  }
0x1c0: {  	v3 =	vld.idx.msk [tilespmem:v2+s24+$0x0], $0xffff;
	_ =	sdelay $0x4  }
0x1c1: {  	v1 =	vadd.f32 v3, v1;
	_ =	sdelay $0x1  }
0x1c2: {  	v3 =	vmul.f32 $2.000000030e-01, v1  }
0x1c3: {  	vm9 =	vge.f32 v1, $0.0e+00  }
0x1c4: {  	v1 =	vsel vm9, v1, v3  }
0x1c5: {  	v1 =	vmul.f32 $1.442695020e+00, v1;
	_ =	sdelay $0x1  }
0x1c6: {  	(erf) = vpow2.f32 v1;
	_ =	sdelay $0x8  }
0x1c7: {  	v1 =	vpop (erf)  }
0x1c8: {  	[tilespmem:$0x5310] =	vst v1  }
0x1c9: {  	[tilespmem:v2+s26+$0x0] =	vst.idx.add.f32.msk $0xffff, v1  }
0x1ca: {  	v1 =	vld [tilespmem:$0x5120]  }
0x1cb: {  	v2 =	vld [tilespmem:$0x51A0];
	_ =	sdelay $0x6  }
0x1cc: {  	v1 =	vld.idx.msk [tilespmem:v1+s29+$0x0], $0xffff  }
0x1cd: {  	v3 =	vld.idx.msk [tilespmem:v2+s24+$0x0], $0xffff;
	_ =	sdelay $0x4  }
0x1ce: {  	v1 =	vadd.f32 v3, v1;
	_ =	sdelay $0x1  }
0x1cf: {  	v3 =	vmul.f32 $2.000000030e-01, v1  }
0x1d0: {  	vm10 =	vge.f32 v1, $0.0e+00  }
0x1d1: {  	v1 =	vsel vm10, v1, v3  }
0x1d2: {  	v1 =	vmul.f32 $1.442695020e+00, v1;
	_ =	sdelay $0x1  }
0x1d3: {  	(erf) = vpow2.f32 v1;
	_ =	sdelay $0x8  }
0x1d4: {  	v1 =	vpop (erf)  }
0x1d5: {  	[tilespmem:$0x5320] =	vst v1  }
0x1d6: {  	[tilespmem:v2+s26+$0x0] =	vst.idx.add.f32.msk $0xffff, v1  }
0x1d7: {  	v1 =	vld [tilespmem:$0x5130]  }
0x1d8: {  	v2 =	vld [tilespmem:$0x51B0];
	_ =	sdelay $0x6  }
0x1d9: {  	v1 =	vld.idx.msk [tilespmem:v1+s29+$0x0], $0xffff  }
0x1da: {  	v3 =	vld.idx.msk [tilespmem:v2+s24+$0x0], $0xffff;
	_ =	sdelay $0x4  }
0x1db: {  	v1 =	vadd.f32 v3, v1;
	_ =	sdelay $0x1  }
0x1dc: {  	v3 =	vmul.f32 $2.000000030e-01, v1  }
0x1dd: {  	vm11 =	vge.f32 v1, $0.0e+00  }
0x1de: {  	v1 =	vsel vm11, v1, v3  }
0x1df: {  	v1 =	vmul.f32 $1.442695020e+00, v1;
	_ =	sdelay $0x1  }
0x1e0: {  	(erf) = vpow2.f32 v1;
	_ =	sdelay $0x8  }
0x1e1: {  	v1 =	vpop (erf)  }
0x1e2: {  	[tilespmem:$0x5330] =	vst v1  }
0x1e3: {  	[tilespmem:v2+s26+$0x0] =	vst.idx.add.f32.msk $0xffff, v1  }
0x1e4: {  	v1 =	vld [tilespmem:$0x5140]  }
0x1e5: {  	v2 =	vld [tilespmem:$0x51C0];
	_ =	sdelay $0x6  }
0x1e6: {  	v1 =	vld.idx.msk [tilespmem:v1+s29+$0x0], $0xffff  }
0x1e7: {  	v3 =	vld.idx.msk [tilespmem:v2+s24+$0x0], $0xffff;
	_ =	sdelay $0x4  }
0x1e8: {  	v1 =	vadd.f32 v3, v1;
	_ =	sdelay $0x1  }
0x1e9: {  	v3 =	vmul.f32 $2.000000030e-01, v1  }
0x1ea: {  	vm12 =	vge.f32 v1, $0.0e+00  }
0x1eb: {  	v1 =	vsel vm12, v1, v3  }
0x1ec: {  	v1 =	vmul.f32 $1.442695020e+00, v1;
	_ =	sdelay $0x1  }
0x1ed: {  	(erf) = vpow2.f32 v1;
	_ =	sdelay $0x8  }
0x1ee: {  	v1 =	vpop (erf)  }
0x1ef: {  	[tilespmem:$0x5340] =	vst v1  }
0x1f0: {  	[tilespmem:v2+s26+$0x0] =	vst.idx.add.f32.msk $0xffff, v1  }
0x1f1: {  	v1 =	vld [tilespmem:$0x5150]  }
0x1f2: {  	v2 =	vld [tilespmem:$0x51D0];
	_ =	sdelay $0x6  }
0x1f3: {  	v1 =	vld.idx.msk [tilespmem:v1+s29+$0x0], $0xffff  }
0x1f4: {  	v3 =	vld.idx.msk [tilespmem:v2+s24+$0x0], $0xffff;
	_ =	sdelay $0x4  }
0x1f5: {  	v1 =	vadd.f32 v3, v1;
	_ =	sdelay $0x1  }
0x1f6: {  	v3 =	vmul.f32 $2.000000030e-01, v1  }
0x1f7: {  	vm13 =	vge.f32 v1, $0.0e+00  }
0x1f8: {  	v1 =	vsel vm13, v1, v3  }
0x1f9: {  	v1 =	vmul.f32 $1.442695020e+00, v1;
	_ =	sdelay $0x1  }
0x1fa: {  	(erf) = vpow2.f32 v1;
	_ =	sdelay $0x8  }
0x1fb: {  	v1 =	vpop (erf)  }
0x1fc: {  	[tilespmem:$0x5350] =	vst v1  }
0x1fd: {  	[tilespmem:v2+s26+$0x0] =	vst.idx.add.f32.msk $0xffff, v1  }
0x1fe: {  	v1 =	vld [tilespmem:$0x5160]  }
0x1ff: {  	v2 =	vld [tilespmem:$0x51E0];
	_ =	sdelay $0x6  }
0x200: {  	v1 =	vld.idx.msk [tilespmem:v1+s29+$0x0], $0xffff  }
0x201: {  	v3 =	vld.idx.msk [tilespmem:v2+s24+$0x0], $0xffff;
	_ =	sdelay $0x4  }
0x202: {  	v1 =	vadd.f32 v3, v1;
	_ =	sdelay $0x1  }
0x203: {  	v3 =	vmul.f32 $2.000000030e-01, v1  }
0x204: {  	vm14 =	vge.f32 v1, $0.0e+00  }
0x205: {  	v1 =	vsel vm14, v1, v3  }
0x206: {  	v1 =	vmul.f32 $1.442695020e+00, v1;
	_ =	sdelay $0x1  }
0x207: {  	(erf) = vpow2.f32 v1;
	_ =	sdelay $0x8  }
0x208: {  	v1 =	vpop (erf)  }
0x209: {  	[tilespmem:$0x5360] =	vst v1  }
0x20a: {  	[tilespmem:v2+s26+$0x0] =	vst.idx.add.f32.msk $0xffff, v1  }
0x20b: {  	v1 =	vld [tilespmem:$0x5170]  }
0x20c: {  	v2 =	vld [tilespmem:$0x51F0];
	_ =	sdelay $0x6  }
0x20d: {  	v1 =	vld.idx.msk [tilespmem:v1+s29+$0x0], $0xffff  }
0x20e: {  	v3 =	vld.idx.msk [tilespmem:v2+s24+$0x0], $0xffff;
	_ =	sdelay $0x4  }
0x20f: {  	v1 =	vadd.f32 v3, v1;
	_ =	sdelay $0x1  }
0x210: {  	v3 =	vmul.f32 $2.000000030e-01, v1  }
0x211: {  	vm15 =	vge.f32 v1, $0.0e+00  }
0x212: {  	v1 =	vsel vm15, v1, v3  }
0x213: {  	v1 =	vmul.f32 $1.442695020e+00, v1;
	_ =	sdelay $0x1  }
0x214: {  	(erf) = vpow2.f32 v1;
	_ =	sdelay $0x8  }
0x215: {  	v1 =	vpop (erf)  }
0x216: {  	[tilespmem:$0x5370] =	vst v1  }
0x217: {  	[tilespmem:v2+s26+$0x0] =	vst.idx.add.f32.msk $0xffff, v1;
	v1 =	vmov s29  }
0x218: {  	_ =	swait.ge [sflag:s22], $0x800;
	v1 =	vand.u32 $0xFFFFFFFE, v1  }
0x219: {  	[sflag:s22] =	ssyncset.done $0x0;
	v1 =	vbroadcast v1, $0x0  }
0x21a: {  	[sflag:s22] =	ssyncadd.s32 $0xFFFFF800  }
0x21b: {  	_ =	swait.ge [sflag:s25], $0x800  }
0x21c: {  	[sflag:s25] =	ssyncset.done $0x0  }
0x21d: {  	s29 =	simm.s32 $0x73B0;
	[sflag:s25] =	ssyncadd.s32 $0xFFFFF800  }
0x21e: {  	v2 =	vld [tilespmem:s29+$0xFFFFFFD0]  }
0x21f: {  	v1 =	vld.idx.msk [tilespmem:v1+s18+$0x0], $0xffff  }
0x220: {  	v3 =	vld [tilespmem:s29+$0xFFFFFFE0];
	_ =	sdelay $0x1  }
0x221: {  	s16 =	simm.s32 $0x1  }
0x222: {  	v4 =	vmov s16  }
0x223: {  	v2 =	vmul.f32 v2, v1  }
0x224: {  	v1 =	vmul.f32 v3, v1  }
0x225: {  	v5 =	vld [tilespmem:s29+$0x0];
	[tilespmem:s29+$0xFFFFFFD0] =	vst v2  }
0x226: {  	[tilespmem:s29+$0xFFFFFFE0] =	vst v1;
	v2 =	vld [tilespmem:s29+$0xFFFFFFF0]  }
0x227: {  	v4 =	vld.idx.msk [tilespmem:v4+s18+$0x0], $0xffff  }
0x228: {  	s31 =	simm.s32 $0x2  }
0x229: {  	v1 =	vmov s31  }
0x22a: {  	v1 =	vand.u32 $0xFFFFFFFE, v1  }
0x22b: {  	v1 =	vbroadcast v1, $0x0  }
0x22c: {  	s14 =	simm.s32 $0x4;
	s2 =	simm.s32 $0x73B0;
	v3 =	vmul.f32 v2, v4;
	v2 =	vmul.f32 v5, v4  }
.LBB2_9:
0x22d: {  	p1 =	sne.s32 s14, $0x7E  }
0x22e: {  	s29 =	sadd.s32 $0x40, s29;
	s15 =	smov.u32 s14;
	s14 =	sadd.s32 $0x2, s14  }
0x22f: {  	[tilespmem:s2+$0xFFFFFFF0] =	vst v3  }
0x230: {  	v3 =	vld [tilespmem:s29+$0xFFFFFFD0];
	[tilespmem:s2+$0x0] =	vst v2;
	s2 =	smov.u32 s29  }
0x231: {  	v1 =	vld.idx.msk [tilespmem:v1+s18+$0x0], $0xffff  }
0x232: {  	v2 =	vld [tilespmem:s29+$0xFFFFFFE0];
	_ =	sdelay $0x1  }
0x233: {  	s16 =	sadd.s32 $0x1, s31;
	s31 =	smov.u32 s15  }
0x234: {  	v4 =	vmov s16;
	_ =	sdelay $0x1  }
0x235: {  	v3 =	vmul.f32 v3, v1;
	v1 =	vmul.f32 v2, v1;
	_ =	sdelay $0x1  }
0x236: {  	[tilespmem:s29+$0xFFFFFFD0] =	vst v3  }
0x237: {  	[tilespmem:s29+$0xFFFFFFE0] =	vst v1;
	v2 =	vld [tilespmem:s29+$0xFFFFFFF0]  }
0x238: {  	v4 =	vld.idx.msk [tilespmem:v4+s18+$0x0], $0xffff  }
0x239: {  	v5 =	vld [tilespmem:s29+$0x0]  }
.Ltmp3:
0x23a: {  	v1 =	vmov s31;
	(pc) =	sbr.rel @p1 .LBB2_9-.Ltmp3, $3  }
0x23b: {  	v1 =	vand.u32 $0xFFFFFFFE, v1  }
0x23c: {  	v1 =	vbroadcast v1, $0x0;
	_ =	sdelay $0x1  }
0x23d: {  	v3 =	vmul.f32 v2, v4;
	v2 =	vmul.f32 v5, v4  }
0x23e: {  	_ =	sdelay $0x1  }
0x23f: {  	s14 =	sadd.s32 $0x40, s29;
	[tilespmem:s2+$0xFFFFFFF0] =	vst v3  }
0x240: {  	v3 =	vld [tilespmem:s14+$0xFFFFFFD0];
	[tilespmem:s2+$0x0] =	vst v2  }
0x241: {  	v1 =	vld.idx.msk [tilespmem:v1+s18+$0x0], $0xffff  }
0x242: {  	v2 =	vld [tilespmem:s14+$0xFFFFFFE0];
	_ =	sdelay $0x1  }
0x243: {  	s15 =	sadd.s32 $0x1, s31  }
0x244: {  	v4 =	vmov s15  }
0x245: {  	v3 =	vmul.f32 v3, v1  }
0x246: {  	v1 =	vmul.f32 v2, v1  }
0x247: {  	[tilespmem:s14+$0xFFFFFFD0] =	vst v3  }
0x248: {  	[tilespmem:s14+$0xFFFFFFE0] =	vst v1;
	v1 =	vld [tilespmem:s14+$0xFFFFFFF0]  }
0x249: {  	v2 =	vld.idx.msk [tilespmem:v4+s18+$0x0], $0xffff  }
0x24a: {  	v3 =	vld [tilespmem:s14+$0x0];
	_ =	sdelay $0x3  }
0x24b: {  	v1 =	vmul.f32 v1, v2  }
0x24c: {  	v2 =	vmul.f32 v3, v2  }
0x24d: {  	[tilespmem:s14+$0xFFFFFFF0] =	vst v1  }
0x24e: {  	s16 =	simm.s32 $0x5180;
	s2 =	simm.s32 @!p0 $0xB;
	[tilespmem:s14+$0x0] =	vst v2  }
0x24f: {  	[spmem:s1] =	stream.indirect.scatter.add.f32 [tilespmem:s8], [sflag:$0xB], $0x20, s16, s19, $0xb8;
	[tilespmem:$0x15900] =	vst v63  }
0x250: {  	_ =	swait.ge @!p0 [sflag:s2], $0x1000  }
0x251: {  	s14 =	sadd.s32 @!p0 s28, s17;
	[sflag:s2] =	ssyncset.done @!p0 $0x0  }
0x252: {  	[sflag:s2] =	ssyncadd.s32 @!p0 $0xFFFFF000;
	s2 =	sshll.u32 @!p0 s14, $0x5  }
0x253: {  	s15 =	simm.s32 @!p0 $0x5100;
	s14 =	simm.s32 @!p0 $0x0;
	s2 =	sadd.s32 @!p0 s5, s2  }
0x254: {  	[tilespmem:s15], [sflag:$0x3] =	stream.linear.gather @!p0 [hbm4b:s2+s14], $0x100, $0x38;
	[tilespmem:$0x15900] =	vst v63  }
0x255: {  	s2 =	simm.s32 @!p0 $0x2  }
0x256: {  	_ =	swait.ge @!p0 [sflag:s2], $0x100  }
0x257: {  	s14 =	simm.s32 @!p0 $0x5000;
	[sflag:s2] =	ssyncset.done @!p0 $0x0  }
0x258: {  	s15 =	simm.s32 @!p0 $0x6380;
	[sflag:s2] =	ssyncadd.s32 @!p0 $0xFFFFFF00;
	s2 =	simm.s32 @!p0 $0x40  }
0x259: {  	[tilespmem:s15], [sflag:$0x6] =	stream.indirect.gather @!p0 [spmem:s3], $0x20, s14, s2, $0xb8;
	[tilespmem:$0x15900] =	vst v63  }
0x25a: {  	s14 =	simm.s32 @!p0 $0x5040;
	s15 =	simm.s32 @!p0 $0x6B80  }
0x25b: {  	[tilespmem:s15], [sflag:$0xE] =	stream.indirect.gather @!p0 [spmem:s3], $0x20, s14, s2, $0xb8;
	[tilespmem:$0x15900] =	vst v63  }
0x25c: {  	v1 =	vld [tilespmem:$0x5200]  }
0x25d: {  	v2 =	vld [tilespmem:$0x5280];
	_ =	sdelay $0x5  }
0x25e: {  	s28 =	simm.s32 $0x0  }
0x25f: {  	v1 =	vld.idx.msk [tilespmem:v1+s28+$0x0], $0xffff  }
0x260: {  	v3 =	vld.idx.msk [tilespmem:v2+s24+$0x0], $0xffff;
	_ =	sdelay $0x4  }
0x261: {  	v1 =	vadd.f32 v3, v1;
	_ =	sdelay $0x1  }
0x262: {  	v3 =	vmul.f32 $2.000000030e-01, v1  }
0x263: {  	vm0 =	vge.f32 v1, $0.0e+00  }
0x264: {  	v1 =	vsel vm0, v1, v3  }
0x265: {  	v1 =	vmul.f32 $1.442695020e+00, v1;
	_ =	sdelay $0x1  }
0x266: {  	(erf) = vpow2.f32 v1;
	_ =	sdelay $0x8  }
0x267: {  	v1 =	vpop (erf)  }
0x268: {  	[tilespmem:$0x5300] =	vst v1  }
0x269: {  	[tilespmem:v2+s26+$0x0] =	vst.idx.add.f32.msk $0xffff, v1  }
0x26a: {  	v1 =	vld [tilespmem:$0x5210]  }
0x26b: {  	v2 =	vld [tilespmem:$0x5290];
	_ =	sdelay $0x6  }
0x26c: {  	v1 =	vld.idx.msk [tilespmem:v1+s28+$0x0], $0xffff  }
0x26d: {  	v3 =	vld.idx.msk [tilespmem:v2+s24+$0x0], $0xffff;
	_ =	sdelay $0x4  }
0x26e: {  	v1 =	vadd.f32 v3, v1;
	_ =	sdelay $0x1  }
0x26f: {  	v3 =	vmul.f32 $2.000000030e-01, v1  }
0x270: {  	vm9 =	vge.f32 v1, $0.0e+00  }
0x271: {  	v1 =	vsel vm9, v1, v3  }
0x272: {  	v1 =	vmul.f32 $1.442695020e+00, v1;
	_ =	sdelay $0x1  }
0x273: {  	(erf) = vpow2.f32 v1;
	_ =	sdelay $0x8  }
0x274: {  	v1 =	vpop (erf)  }
0x275: {  	[tilespmem:$0x5310] =	vst v1  }
0x276: {  	[tilespmem:v2+s26+$0x0] =	vst.idx.add.f32.msk $0xffff, v1  }
0x277: {  	v1 =	vld [tilespmem:$0x5220]  }
0x278: {  	v2 =	vld [tilespmem:$0x52A0];
	_ =	sdelay $0x6  }
0x279: {  	v1 =	vld.idx.msk [tilespmem:v1+s28+$0x0], $0xffff  }
0x27a: {  	v3 =	vld.idx.msk [tilespmem:v2+s24+$0x0], $0xffff;
	_ =	sdelay $0x4  }
0x27b: {  	v1 =	vadd.f32 v3, v1;
	_ =	sdelay $0x1  }
0x27c: {  	v3 =	vmul.f32 $2.000000030e-01, v1  }
0x27d: {  	vm10 =	vge.f32 v1, $0.0e+00  }
0x27e: {  	v1 =	vsel vm10, v1, v3  }
0x27f: {  	v1 =	vmul.f32 $1.442695020e+00, v1;
	_ =	sdelay $0x1  }
0x280: {  	(erf) = vpow2.f32 v1;
	_ =	sdelay $0x8  }
0x281: {  	v1 =	vpop (erf)  }
0x282: {  	[tilespmem:$0x5320] =	vst v1  }
0x283: {  	[tilespmem:v2+s26+$0x0] =	vst.idx.add.f32.msk $0xffff, v1  }
0x284: {  	v1 =	vld [tilespmem:$0x5230]  }
0x285: {  	v2 =	vld [tilespmem:$0x52B0];
	_ =	sdelay $0x6  }
0x286: {  	v1 =	vld.idx.msk [tilespmem:v1+s28+$0x0], $0xffff  }
0x287: {  	v3 =	vld.idx.msk [tilespmem:v2+s24+$0x0], $0xffff;
	_ =	sdelay $0x4  }
0x288: {  	v1 =	vadd.f32 v3, v1;
	_ =	sdelay $0x1  }
0x289: {  	v3 =	vmul.f32 $2.000000030e-01, v1  }
0x28a: {  	vm11 =	vge.f32 v1, $0.0e+00  }
0x28b: {  	v1 =	vsel vm11, v1, v3  }
0x28c: {  	v1 =	vmul.f32 $1.442695020e+00, v1;
	_ =	sdelay $0x1  }
0x28d: {  	(erf) = vpow2.f32 v1;
	_ =	sdelay $0x8  }
0x28e: {  	v1 =	vpop (erf)  }
0x28f: {  	[tilespmem:$0x5330] =	vst v1  }
0x290: {  	[tilespmem:v2+s26+$0x0] =	vst.idx.add.f32.msk $0xffff, v1  }
0x291: {  	v1 =	vld [tilespmem:$0x5240]  }
0x292: {  	v2 =	vld [tilespmem:$0x52C0];
	_ =	sdelay $0x6  }
0x293: {  	v1 =	vld.idx.msk [tilespmem:v1+s28+$0x0], $0xffff  }
0x294: {  	v3 =	vld.idx.msk [tilespmem:v2+s24+$0x0], $0xffff;
	_ =	sdelay $0x4  }
0x295: {  	v1 =	vadd.f32 v3, v1;
	_ =	sdelay $0x1  }
0x296: {  	v3 =	vmul.f32 $2.000000030e-01, v1  }
0x297: {  	vm12 =	vge.f32 v1, $0.0e+00  }
0x298: {  	v1 =	vsel vm12, v1, v3  }
0x299: {  	v1 =	vmul.f32 $1.442695020e+00, v1;
	_ =	sdelay $0x1  }
0x29a: {  	(erf) = vpow2.f32 v1;
	_ =	sdelay $0x8  }
0x29b: {  	v1 =	vpop (erf)  }
0x29c: {  	[tilespmem:$0x5340] =	vst v1  }
0x29d: {  	[tilespmem:v2+s26+$0x0] =	vst.idx.add.f32.msk $0xffff, v1  }
0x29e: {  	v1 =	vld [tilespmem:$0x5250]  }
0x29f: {  	v2 =	vld [tilespmem:$0x52D0];
	_ =	sdelay $0x6  }
0x2a0: {  	v1 =	vld.idx.msk [tilespmem:v1+s28+$0x0], $0xffff  }
0x2a1: {  	v3 =	vld.idx.msk [tilespmem:v2+s24+$0x0], $0xffff;
	_ =	sdelay $0x4  }
0x2a2: {  	v1 =	vadd.f32 v3, v1;
	_ =	sdelay $0x1  }
0x2a3: {  	v3 =	vmul.f32 $2.000000030e-01, v1  }
0x2a4: {  	vm13 =	vge.f32 v1, $0.0e+00  }
0x2a5: {  	v1 =	vsel vm13, v1, v3  }
0x2a6: {  	v1 =	vmul.f32 $1.442695020e+00, v1;
	_ =	sdelay $0x1  }
0x2a7: {  	(erf) = vpow2.f32 v1;
	_ =	sdelay $0x8  }
0x2a8: {  	v1 =	vpop (erf)  }
0x2a9: {  	[tilespmem:$0x5350] =	vst v1  }
0x2aa: {  	[tilespmem:v2+s26+$0x0] =	vst.idx.add.f32.msk $0xffff, v1  }
0x2ab: {  	v1 =	vld [tilespmem:$0x5260]  }
0x2ac: {  	v2 =	vld [tilespmem:$0x52E0];
	_ =	sdelay $0x6  }
0x2ad: {  	v1 =	vld.idx.msk [tilespmem:v1+s28+$0x0], $0xffff  }
0x2ae: {  	v3 =	vld.idx.msk [tilespmem:v2+s24+$0x0], $0xffff;
	_ =	sdelay $0x4  }
0x2af: {  	v1 =	vadd.f32 v3, v1;
	_ =	sdelay $0x1  }
0x2b0: {  	v3 =	vmul.f32 $2.000000030e-01, v1  }
0x2b1: {  	vm14 =	vge.f32 v1, $0.0e+00  }
0x2b2: {  	v1 =	vsel vm14, v1, v3  }
0x2b3: {  	v1 =	vmul.f32 $1.442695020e+00, v1;
	_ =	sdelay $0x1  }
0x2b4: {  	(erf) = vpow2.f32 v1;
	_ =	sdelay $0x8  }
0x2b5: {  	v1 =	vpop (erf)  }
0x2b6: {  	[tilespmem:$0x5360] =	vst v1  }
0x2b7: {  	[tilespmem:v2+s26+$0x0] =	vst.idx.add.f32.msk $0xffff, v1  }
0x2b8: {  	v1 =	vld [tilespmem:$0x5270]  }
0x2b9: {  	v2 =	vld [tilespmem:$0x52F0];
	_ =	sdelay $0x6  }
0x2ba: {  	v1 =	vld.idx.msk [tilespmem:v1+s28+$0x0], $0xffff  }
0x2bb: {  	v3 =	vld.idx.msk [tilespmem:v2+s24+$0x0], $0xffff;
	_ =	sdelay $0x4  }
0x2bc: {  	v1 =	vadd.f32 v3, v1;
	_ =	sdelay $0x1  }
0x2bd: {  	v3 =	vmul.f32 $2.000000030e-01, v1  }
0x2be: {  	vm15 =	vge.f32 v1, $0.0e+00  }
0x2bf: {  	v1 =	vsel vm15, v1, v3  }
0x2c0: {  	v1 =	vmul.f32 $1.442695020e+00, v1;
	_ =	sdelay $0x1  }
0x2c1: {  	(erf) = vpow2.f32 v1;
	_ =	sdelay $0x8  }
0x2c2: {  	v1 =	vpop (erf)  }
0x2c3: {  	[tilespmem:$0x5370] =	vst v1  }
0x2c4: {  	[tilespmem:v2+s26+$0x0] =	vst.idx.add.f32.msk $0xffff, v1;
	v1 =	vmov s28  }
0x2c5: {  	_ =	swait.ge [sflag:s20], $0x800;
	v1 =	vand.u32 $0xFFFFFFFE, v1  }
0x2c6: {  	[sflag:s20] =	ssyncset.done $0x0;
	v1 =	vbroadcast v1, $0x0  }
0x2c7: {  	[sflag:s20] =	ssyncadd.s32 $0xFFFFF800  }
0x2c8: {  	_ =	swait.ge [sflag:s4], $0x800  }
0x2c9: {  	[sflag:s4] =	ssyncset.done $0x0  }
0x2ca: {  	s28 =	simm.s32 $0x83B0;
	[sflag:s4] =	ssyncadd.s32 $0xFFFFF800  }
0x2cb: {  	v2 =	vld [tilespmem:s28+$0xFFFFFFD0]  }
0x2cc: {  	v1 =	vld.idx.msk [tilespmem:v1+s18+$0x0], $0xffff  }
0x2cd: {  	v3 =	vld [tilespmem:s28+$0xFFFFFFE0];
	_ =	sdelay $0x1  }
0x2ce: {  	s31 =	simm.s32 $0x1  }
0x2cf: {  	v4 =	vmov s31  }
0x2d0: {  	v2 =	vmul.f32 v2, v1  }
0x2d1: {  	v1 =	vmul.f32 v3, v1  }
0x2d2: {  	v5 =	vld [tilespmem:s28+$0x0];
	[tilespmem:s28+$0xFFFFFFD0] =	vst v2  }
0x2d3: {  	[tilespmem:s28+$0xFFFFFFE0] =	vst v1;
	v2 =	vld [tilespmem:s28+$0xFFFFFFF0]  }
0x2d4: {  	v4 =	vld.idx.msk [tilespmem:v4+s18+$0x0], $0xffff  }
0x2d5: {  	s29 =	simm.s32 $0x2  }
0x2d6: {  	v1 =	vmov s29  }
0x2d7: {  	v1 =	vand.u32 $0xFFFFFFFE, v1  }
0x2d8: {  	v1 =	vbroadcast v1, $0x0  }
0x2d9: {  	s14 =	simm.s32 $0x4;
	s2 =	simm.s32 $0x83B0;
	v3 =	vmul.f32 v2, v4;
	v2 =	vmul.f32 v5, v4  }
.LBB2_11:
0x2da: {  	p0 =	sne.s32 s14, $0x7E  }
0x2db: {  	s28 =	sadd.s32 $0x40, s28;
	s15 =	smov.u32 s14;
	s14 =	sadd.s32 $0x2, s14  }
0x2dc: {  	[tilespmem:s2+$0xFFFFFFF0] =	vst v3  }
0x2dd: {  	v3 =	vld [tilespmem:s28+$0xFFFFFFD0];
	[tilespmem:s2+$0x0] =	vst v2;
	s2 =	smov.u32 s28  }
0x2de: {  	v1 =	vld.idx.msk [tilespmem:v1+s18+$0x0], $0xffff  }
0x2df: {  	v2 =	vld [tilespmem:s28+$0xFFFFFFE0];
	_ =	sdelay $0x1  }
0x2e0: {  	s16 =	sadd.s32 $0x1, s29;
	s29 =	smov.u32 s15  }
0x2e1: {  	v4 =	vmov s16;
	_ =	sdelay $0x1  }
0x2e2: {  	v3 =	vmul.f32 v3, v1;
	v1 =	vmul.f32 v2, v1;
	_ =	sdelay $0x1  }
0x2e3: {  	[tilespmem:s28+$0xFFFFFFD0] =	vst v3  }
0x2e4: {  	[tilespmem:s28+$0xFFFFFFE0] =	vst v1;
	v2 =	vld [tilespmem:s28+$0xFFFFFFF0]  }
0x2e5: {  	v4 =	vld.idx.msk [tilespmem:v4+s18+$0x0], $0xffff  }
0x2e6: {  	v5 =	vld [tilespmem:s28+$0x0]  }
.Ltmp4:
0x2e7: {  	v1 =	vmov s29;
	(pc) =	sbr.rel @p0 .LBB2_11-.Ltmp4, $3  }
0x2e8: {  	v1 =	vand.u32 $0xFFFFFFFE, v1  }
0x2e9: {  	v1 =	vbroadcast v1, $0x0;
	_ =	sdelay $0x1  }
0x2ea: {  	v3 =	vmul.f32 v2, v4;
	v2 =	vmul.f32 v5, v4  }
0x2eb: {  	_ =	sdelay $0x1  }
0x2ec: {  	s14 =	sadd.s32 $0x40, s28;
	[tilespmem:s2+$0xFFFFFFF0] =	vst v3  }
0x2ed: {  	v3 =	vld [tilespmem:s14+$0xFFFFFFD0];
	[tilespmem:s2+$0x0] =	vst v2  }
0x2ee: {  	v1 =	vld.idx.msk [tilespmem:v1+s18+$0x0], $0xffff  }
0x2ef: {  	v2 =	vld [tilespmem:s14+$0xFFFFFFE0];
	_ =	sdelay $0x1  }
0x2f0: {  	s29 =	sadd.s32 $0x1, s29  }
0x2f1: {  	v4 =	vmov s29  }
0x2f2: {  	v3 =	vmul.f32 v3, v1  }
0x2f3: {  	v1 =	vmul.f32 v2, v1  }
0x2f4: {  	[tilespmem:s14+$0xFFFFFFD0] =	vst v3  }
0x2f5: {  	[tilespmem:s14+$0xFFFFFFE0] =	vst v1;
	v1 =	vld [tilespmem:s14+$0xFFFFFFF0]  }
0x2f6: {  	v2 =	vld.idx.msk [tilespmem:v4+s18+$0x0], $0xffff  }
0x2f7: {  	v3 =	vld [tilespmem:s14+$0x0];
	_ =	sdelay $0x1  }
0x2f8: {  	s10 =	sadd.s32 $0x1, s10  }
0x2f9: {  	p0 =	sne.s32 s10, $0x28  }
.Ltmp5:
0x2fa: {  	v1 =	vmul.f32 v1, v2;
	(pc) =	sbr.rel @p0 .LBB2_4-.Ltmp5, $4  }
0x2fb: {  	v2 =	vmul.f32 v3, v2  }
0x2fc: {  	[tilespmem:s14+$0xFFFFFFF0] =	vst v1  }
0x2fd: {  	s31 =	simm.s32 $0x5280;
	[tilespmem:s14+$0x0] =	vst v2  }
0x2fe: {  	[spmem:s1] =	stream.indirect.scatter.add.f32 [tilespmem:s11], [sflag:$0xC], $0x20, s31, s19, $0xb8;
	[tilespmem:$0x15900] =	vst v63  }
0x2ff: {  	s2 =	simm.s32 $0x9  }
0x300: {  	_ =	swait.ge [sflag:s2], $0x1000  }
0x301: {  	[sflag:s2] =	ssyncset.done $0x0  }
0x302: {  	s14 =	simm.s32 $0xA;
	[sflag:s2] =	ssyncadd.s32 $0xFFFFF000  }
0x303: {  	_ =	swait.ge [sflag:s14], $0x1000  }
0x304: {  	[sflag:s14] =	ssyncset.done $0x0  }
0x305: {  	s15 =	simm.s32 $0xB;
	[sflag:s14] =	ssyncadd.s32 $0xFFFFF000  }
0x306: {  	_ =	swait.ge [sflag:s15], $0x1000  }
0x307: {  	[sflag:s15] =	ssyncset.done $0x0  }
0x308: {  	s16 =	simm.s32 $0xC;
	[sflag:s15] =	ssyncadd.s32 $0xFFFFF000  }
0x309: {  	_ =	swait.ge [sflag:s16], $0x1000  }
0x30a: {  	s10 =	simm.s32 $0x11;
	[sflag:s16] =	ssyncset.done $0x0  }
0x30b: {  	s14 =	simm.s32 $0x0;
	s28 =	rddreg [dreg:$0xf];
	[sflag:s16] =	ssyncadd.s32 $0xFFFFF000  }
0x30c: {  	[hbm4b:s28+s14] =	stream.linear.scatter [tilespmem:s26], [sflag:$0x11], $0x2780, $0x38;
	[tilespmem:$0x15900] =	vst v63  }
0x30d: {  	_ =	swait.ge [sflag:s10], $0x2780  }
0x30e: {  	[sflag:s10] =	ssyncset.done $0x0  }
0x30f: {  	[sflag:s10] =	ssyncadd.s32 $0xFFFFD880  }
0x310: {  	[bflag:$0x0] =	sbarrier.arrive $0xFFFF  }
0x311: {  	s15 =	rddreg [dreg:$0x7]  }
0x312: {  	s29 =	rddreg [dreg:$0x10]  }
0x313: {  	s9 =	rddreg [dreg:$0x12]  }
0x314: {  	[hbm:s29], [sflag:s15] =	dma.local [spmem:s9], $0x9E0  }
0x315: {  	_ =	swait.ge [sflag:s10], $0x9E0  }
0x316: {  	s16 =	rddreg [dreg:$0x14]  }
0x317: {  	s31 =	rddreg [dreg:$0x11];
	s16 =	sadd.s32 $0x1, s16  }
0x318: {  	p0 =	sne.s32 s16, s31  }
.Ltmp6:
0x319: {  	_ = 	snop;
	(pc) =	sbr.rel @p0 .LBB2_1-.Ltmp6, $3  }
0x31a: {  	_ =	sdelay $0x1  }
0x31b: {  	[sflag:s10] =	ssyncset.done $0x0  }
0x31c: {  	[sflag:s10] =	ssyncadd.s32 $0xFFFFF620  }
0x31d: {  	_ =	sfence.sel $0x180000  }
0x31e: {  	[bflag:$0x0] =	sbarrier.arrive $0xFFFF  }
0x31f: {  	_ =	strace $0x90000047  }
0x320: {  	s0 =	stileid.u32;
	[bflag:$0x2] =	sbarrier.arrive $0xFFFF  }
0x321: {  	p0 =	sne.s32 s0, $0x0;
	s0 =	rddreg [dreg:$0x3]  }
0x322: {  	s0 =	sadd.s32 @!p0 $0x100000, s0  }
0x323: {  	[sflag:s0] =	ssyncadd.tile.s32 @!p0 $0x1;
	_ =	shalt  }
.Lfunc_end2:
_tile_overlayer_lowered:
.L_overlay_start_2:
0x324: {  	(tag) =	ssettag $0x2  }
0x325: {  	s0 =	rddreg [dreg:$0x0];
	s2 =	stileid.u32  }
0x326: {  	s1 =	rddreg [dreg:$0x1];
	p0 =	sne.s32 s2, $0x0  }
0x327: {  	s3 =	rddreg [dreg:$0x2];
	[bflag:$0x3] =	sbarrier.arrive $0xFFFF;
	s2 =	simm.s32 @!p0 $0x1C11  }
0x328: {  	[timem:s3], [sflag:s2] =	dma.local @!p0 [hbm:s0], s1  }
0x329: {  	s0 =	simm.s32 @!p0 $0x11  }
0x32a: {  	_ =	swait.ge @!p0 [sflag:s0], s1  }
0x32b: {  	s1 =	ssub.s32 @!p0 $0x0, s1;
	[sflag:s0] =	ssyncset.done @!p0 $0x0  }
0x32c: {  	[sflag:s0] =	ssyncadd.s32 @!p0 s1  }
0x32d: {  	[bflag:$0x3] =	sbarrier.arrive $0xFFFF  }
0x32e: {  	_ =	shalt  }

</sc_bundles>
